<compile_context>
chip_gen: v7x
topology: tpu7x:2x2x1
jax: 0.10.2.dev20260603
libtpu: 0.0.44.dev20260713+nightly
codegen_flags: <defaults>
</compile_context>

<pallas_src>
import jax
import jax.numpy as jnp
from jax import lax
from jax.experimental import pallas as pl
from jax.experimental.pallas import tpu as pltpu
from jax.experimental.pallas import tpu_sc as plsc

_D, _P = 128, 16384
_MARGIN = 0.5
_EPS2 = 1e-16

_NC, _NS, _L = 2, 16, 16
_NW = _NC * _NS
_BPW = _P // _NW
_CHUNK = 128
_NCHUNK = _BPW // _CHUNK
_GROUPS = _CHUNK // _L


def _rsqrt(x):
    y = plsc.bitcast(x, jnp.int32)
    y = jnp.int32(0x5F3759DF) - (y >> 1)
    r = plsc.bitcast(y, jnp.float32)
    for _ in range(3):
        r = r * (1.5 - 0.5 * x * r * r)
    return r


def _body(emb, i1, i2, tgt, out, idx1_v, idx2_v, tgt_v,
          e1a_v, e2a_v, e1b_v, e2b_v, dotp_v, n1p_v, n2p_v, acc_v,
          sem_a, sem_b):
    wid = lax.axis_index("c") * _NS + lax.axis_index("s")
    base = wid * _BPW
    bufs = [(e1a_v, e2a_v, sem_a), (e1b_v, e2b_v, sem_b)]

    cpi1 = pltpu.async_copy(i1.at[pl.ds(base, _BPW)], idx1_v, sem_a)
    cpi2 = pltpu.async_copy(i2.at[pl.ds(base, _BPW)], idx2_v, sem_a)
    cpt = pltpu.async_copy(tgt.at[pl.ds(base, _BPW)], tgt_v, sem_b)
    cpi1.wait()
    cpi2.wait()

    def fire(ch):
        e1_v, e2_v, sem = bufs[ch % 2]
        cp1 = pltpu.async_copy(
            emb.at[idx1_v.at[pl.ds(ch * _CHUNK, _CHUNK)]], e1_v, sem)
        cp2 = pltpu.async_copy(
            emb.at[idx2_v.at[pl.ds(ch * _CHUNK, _CHUNK)]], e2_v, sem)
        return cp1, cp2

    pending = fire(0)
    cpt.wait()
    acc = jnp.zeros((_L,), jnp.float32)
    for ch in range(_NCHUNK):
        e1_v, e2_v, _ = bufs[ch % 2]
        pending[0].wait()
        pending[1].wait()
        if ch + 1 < _NCHUNK:
            pending = fire(ch + 1)

        def sgroup_body(sg, acc, e1_v=e1_v, e2_v=e2_v, ch=ch):
            @plsc.parallel_loop(0, 2 * _L, step=1, unroll=4)
            def pair_body(j):
                p = sg * (2 * _L) + j
                dot = jnp.zeros((_L,), jnp.float32)
                n1 = jnp.zeros((_L,), jnp.float32)
                n2 = jnp.zeros((_L,), jnp.float32)
                for k in range(_D // _L):
                    v1 = e1_v[p, pl.ds(k * _L, _L)]
                    v2 = e2_v[p, pl.ds(k * _L, _L)]
                    dot = dot + v1 * v2
                    n1 = n1 + v1 * v1
                    n2 = n2 + v2 * v2
                dotp_v[j, pl.ds(0, _L)] = dot
                n1p_v[j, pl.ds(0, _L)] = n1
                n2p_v[j, pl.ds(0, _L)] = n2

            for h in range(2):
                rows = lax.iota(jnp.int32, _L) + h * _L
                zero = jnp.zeros((_L,), jnp.float32)

                @plsc.parallel_loop(0, _L, step=1, unroll=4,
                                    carry=(zero, zero, zero))
                def col_body(c, carry, rows=rows):
                    dotv, n1v, n2v = carry
                    cols = jnp.full((_L,), 0, jnp.int32) + c
                    dotv = dotv + plsc.load_gather(dotp_v, [rows, cols])
                    n1v = n1v + plsc.load_gather(n1p_v, [rows, cols])
                    n2v = n2v + plsc.load_gather(n2p_v, [rows, cols])
                    return (dotv, n1v, n2v)

                dotv, n1v, n2v = col_body
                r = _rsqrt(jnp.maximum(n1v, _EPS2) * jnp.maximum(n2v, _EPS2))
                dist = 1.0 - dotv * r
                t = tgt_v[pl.ds(ch * _CHUNK + sg * 2 * _L + h * _L, _L)]
                v = t * dist + (1.0 - t) * jnp.maximum(0.0, _MARGIN - dist)
                acc = acc + (0.5 / _P) * (v * v)
            return acc

        acc = lax.fori_loop(0, _GROUPS // 2, sgroup_body, acc)
    acc_v[...] = acc
    pltpu.sync_copy(acc_v, out.at[wid])


def _sc_loss(embeddings, i1, i2, tgt):
    mesh = plsc.VectorSubcoreMesh(
        core_axis_name="c", subcore_axis_name="s",
        num_cores=_NC, num_subcores=_NS)
    f = pl.kernel(
        _body,
        out_type=jax.ShapeDtypeStruct((_NW, _L), jnp.float32),
        mesh=mesh,
        compiler_params=pltpu.CompilerParams(needs_layout_passes=False),
        scratch_types=[
            pltpu.VMEM((_BPW,), jnp.int32),
            pltpu.VMEM((_BPW,), jnp.int32),
            pltpu.VMEM((_BPW,), jnp.float32),
            pltpu.VMEM((_CHUNK, _D), jnp.float32),
            pltpu.VMEM((_CHUNK, _D), jnp.float32),
            pltpu.VMEM((_CHUNK, _D), jnp.float32),
            pltpu.VMEM((_CHUNK, _D), jnp.float32),
            pltpu.VMEM((2 * _L, _L + 1), jnp.float32),
            pltpu.VMEM((2 * _L, _L + 1), jnp.float32),
            pltpu.VMEM((2 * _L, _L + 1), jnp.float32),
            pltpu.VMEM((_L,), jnp.float32),
            pltpu.SemaphoreType.DMA,
            pltpu.SemaphoreType.DMA,
        ],
    )
    return f(embeddings, i1, i2, tgt)


def kernel(embeddings, indices):
    i1 = indices[:, 0]
    i2 = indices[:, 1]
    tgt = indices[:, 2].astype(jnp.float32)
    partials = _sc_loss(embeddings, i1, i2, tgt)
    return jnp.sum(partials)

# --- scband reference (transcript-rebuilt; emitter-appended) ---
"""Pipeline reference for scband-siamese-loss-67388036874240 (READ-ONLY COPY).

The authoritative reference and input builder live on the scoring server;
editing this copy changes nothing except your own understanding.
"""

import jax, jax.numpy as jnp
import numpy as np

N, D, P = 100000, 128, 16384
MARGIN = 0.5


def _cosine_dist(emb_one, emb_two):
    # Faithful to torch F.cosine_similarity with eps=1e-8 clamping on each norm
    eps = 1e-8
    dot = jnp.sum(emb_one * emb_two, axis=-1)
    n1 = jnp.maximum(jnp.linalg.norm(emb_one, axis=-1), eps)
    n2 = jnp.maximum(jnp.linalg.norm(emb_two, axis=-1), eps)
    return 1.0 - dot / (n1 * n2)


def setup_inputs(seed: int = 0) -> dict:
    key = jax.random.key(seed)
    k1, k2, k3, k4 = jax.random.split(key, 4)
    embeddings = jax.random.normal(k1, (N, D), dtype=jnp.float32)
    ind_one = jax.random.randint(k2, (P,), 0, N, dtype=jnp.int32)
    ind_two = jax.random.randint(k3, (P,), 0, N, dtype=jnp.int32)
    target = jax.random.randint(k4, (P,), 0, 2, dtype=jnp.int32)
    indices = jnp.stack([ind_one, ind_two, target], axis=1)
    return {"embeddings": embeddings, "indices": indices}


def reference(embeddings, indices):
    ind_one = indices[:, 0]
    ind_two = indices[:, 1]
    target = indices[:, 2].astype(jnp.float32)
    emb_one = jnp.take(embeddings, ind_one, axis=0)
    emb_two = jnp.take(embeddings, ind_two, axis=0)
    dist = _cosine_dist(emb_one, emb_two)
    # 0.5 * ( t * dist + (1 - t) * relu(margin - dist) )^2, averaged
    loss = 0.5 * (target * dist + (1.0 - target) * jnp.maximum(0.0, MARGIN - dist)) ** 2
    return loss.mean()

if __name__ == "__main__":
    import jax
    _d = setup_inputs()
    print(jax.jit(kernel)(*tuple(_d.values())))

</pallas_src>

<mosaic_0001>
#map = affine_map<(d0, d1) -> (0, 0)>
#map1 = affine_map<(d0, d1) -> (0)>
module attributes {stable_mosaic.version = 14 : i64} {
  func.func @_body(%arg0: i32, %arg1: i32, %arg2: memref<100000x128xf32, #tpu.memory_space<hbm>>, %arg3: memref<16384xi32, #tpu.memory_space<hbm>>, %arg4: memref<16384xi32, #tpu.memory_space<hbm>>, %arg5: memref<16384xf32, #tpu.memory_space<hbm>>, %arg6: memref<32x16xf32, #tpu.memory_space<hbm>>, %arg7: memref<512xi32, #tpu.memory_space<vmem>>, %arg8: memref<512xi32, #tpu.memory_space<vmem>>, %arg9: memref<512xf32, #tpu.memory_space<vmem>>, %arg10: memref<128x128xf32, #tpu.memory_space<vmem>>, %arg11: memref<128x128xf32, #tpu.memory_space<vmem>>, %arg12: memref<128x128xf32, #tpu.memory_space<vmem>>, %arg13: memref<128x128xf32, #tpu.memory_space<vmem>>, %arg14: memref<32x17xf32, #tpu.memory_space<vmem>>, %arg15: memref<32x17xf32, #tpu.memory_space<vmem>>, %arg16: memref<32x17xf32, #tpu.memory_space<vmem>>, %arg17: memref<16xf32, #tpu.memory_space<vmem>>, %arg18: memref<!tpu.dma_semaphore, #tpu.memory_space<semaphore_mem>>, %arg19: memref<!tpu.dma_semaphore, #tpu.memory_space<semaphore_mem>>) attributes {dimension_semantics = [#tpu.dimension_semantics<core_parallel>, #tpu.dimension_semantics<subcore_parallel>], iteration_bounds = array<i64: 2, 16>, scalar_prefetch = 0 : i64, scratch_operands = 13 : i64, tpu.core_type = #tpu.core_type<sc_vector_subcore>, window_params = [{transform_indices = #map}, {transform_indices = #map1}, {transform_indices = #map1}, {transform_indices = #map1}, {transform_indices = #map}]} {
    %mul3A = arith.constant 16 : i32
    %mul3A_0 = arith.muli %arg0, %mul3A : i32
    %add3A = arith.addi %mul3A_0, %arg1 : i32
    %mul3A_1 = arith.constant 512 : i32
    %mul3A_2 = arith.muli %add3A, %mul3A_1 : i32
    %dma_start3A = tpu.memref_slice %arg3[%mul3A_2] : memref<16384xi32, #tpu.memory_space<hbm>> -> memref<512xi32, #tpu.memory_space<hbm>>
    %dma_start3A_3 = tpu.memref_slice %arg3[%mul3A_2] : memref<16384xi32, #tpu.memory_space<hbm>> -> memref<512xi32, #tpu.memory_space<hbm>>
    tpu.enqueue_dma source(%dma_start3A_3 : memref<512xi32, #tpu.memory_space<hbm>>) target(%arg7 : memref<512xi32, #tpu.memory_space<vmem>>) target_semaphore(%arg18 : memref<!tpu.dma_semaphore, #tpu.memory_space<semaphore_mem>>)
    %dma_start3A_4 = tpu.memref_slice %arg4[%mul3A_2] : memref<16384xi32, #tpu.memory_space<hbm>> -> memref<512xi32, #tpu.memory_space<hbm>>
    %dma_start3A_5 = tpu.memref_slice %arg4[%mul3A_2] : memref<16384xi32, #tpu.memory_space<hbm>> -> memref<512xi32, #tpu.memory_space<hbm>>
    tpu.enqueue_dma source(%dma_start3A_5 : memref<512xi32, #tpu.memory_space<hbm>>) target(%arg8 : memref<512xi32, #tpu.memory_space<vmem>>) target_semaphore(%arg18 : memref<!tpu.dma_semaphore, #tpu.memory_space<semaphore_mem>>)
    %dma_start3A_6 = tpu.memref_slice %arg5[%mul3A_2] : memref<16384xf32, #tpu.memory_space<hbm>> -> memref<512xf32, #tpu.memory_space<hbm>>
    %dma_start3A_7 = tpu.memref_slice %arg5[%mul3A_2] : memref<16384xf32, #tpu.memory_space<hbm>> -> memref<512xf32, #tpu.memory_space<hbm>>
    tpu.enqueue_dma source(%dma_start3A_7 : memref<512xf32, #tpu.memory_space<hbm>>) target(%arg9 : memref<512xf32, #tpu.memory_space<vmem>>) target_semaphore(%arg19 : memref<!tpu.dma_semaphore, #tpu.memory_space<semaphore_mem>>)
    %dma_wait3A = tpu.memref_slice %arg3[%mul3A_2] : memref<16384xi32, #tpu.memory_space<hbm>> -> memref<512xi32, #tpu.memory_space<hbm>>
    %dma_wait3A_8 = tpu.memref_slice %arg3[%mul3A_2] : memref<16384xi32, #tpu.memory_space<hbm>> -> memref<512xi32, #tpu.memory_space<hbm>>
    tpu.wait_dma2 semaphore(%arg18 : memref<!tpu.dma_semaphore, #tpu.memory_space<semaphore_mem>>) src(%dma_wait3A_8 : memref<512xi32, #tpu.memory_space<hbm>>) dst(%arg7 : memref<512xi32, #tpu.memory_space<vmem>>)
    %dma_wait3A_9 = tpu.memref_slice %arg4[%mul3A_2] : memref<16384xi32, #tpu.memory_space<hbm>> -> memref<512xi32, #tpu.memory_space<hbm>>
    %dma_wait3A_10 = tpu.memref_slice %arg4[%mul3A_2] : memref<16384xi32, #tpu.memory_space<hbm>> -> memref<512xi32, #tpu.memory_space<hbm>>
    tpu.wait_dma2 semaphore(%arg18 : memref<!tpu.dma_semaphore, #tpu.memory_space<semaphore_mem>>) src(%dma_wait3A_10 : memref<512xi32, #tpu.memory_space<hbm>>) dst(%arg8 : memref<512xi32, #tpu.memory_space<vmem>>)
    %dma_start3A_11 = arith.constant 0 : i32
    %dma_start3A_12 = tpu.memref_slice %arg7[%dma_start3A_11] : memref<512xi32, #tpu.memory_space<vmem>> -> memref<128xi32, #tpu.memory_space<vmem>>
    %dma_start3A_13 = arith.constant 0 : i32
    %dma_start3A_14 = arith.constant 0 : i32
    %dma_start3A_15 = tpu.memref_slice %arg2[%dma_start3A_13, %dma_start3A_14] : memref<100000x128xf32, #tpu.memory_space<hbm>> -> memref<100000x128xf32, #tpu.memory_space<hbm>>
    tpu.enqueue_indirect_dma source(%dma_start3A_15 : memref<100000x128xf32, #tpu.memory_space<hbm>>) target(%arg10 : memref<128x128xf32, #tpu.memory_space<vmem>>) offsets(%dma_start3A_12 : memref<128xi32, #tpu.memory_space<vmem>>) semaphore(%arg18 : memref<!tpu.dma_semaphore, #tpu.memory_space<semaphore_mem>>)
    %dma_start3A_16 = arith.constant 0 : i32
    %dma_start3A_17 = tpu.memref_slice %arg8[%dma_start3A_16] : memref<512xi32, #tpu.memory_space<vmem>> -> memref<128xi32, #tpu.memory_space<vmem>>
    %dma_start3A_18 = arith.constant 0 : i32
    %dma_start3A_19 = arith.constant 0 : i32
    %dma_start3A_20 = tpu.memref_slice %arg2[%dma_start3A_18, %dma_start3A_19] : memref<100000x128xf32, #tpu.memory_space<hbm>> -> memref<100000x128xf32, #tpu.memory_space<hbm>>
    tpu.enqueue_indirect_dma source(%dma_start3A_20 : memref<100000x128xf32, #tpu.memory_space<hbm>>) target(%arg11 : memref<128x128xf32, #tpu.memory_space<vmem>>) offsets(%dma_start3A_17 : memref<128xi32, #tpu.memory_space<vmem>>) semaphore(%arg18 : memref<!tpu.dma_semaphore, #tpu.memory_space<semaphore_mem>>)
    %dma_wait3A_21 = tpu.memref_slice %arg5[%mul3A_2] : memref<16384xf32, #tpu.memory_space<hbm>> -> memref<512xf32, #tpu.memory_space<hbm>>
    %dma_wait3A_22 = tpu.memref_slice %arg5[%mul3A_2] : memref<16384xf32, #tpu.memory_space<hbm>> -> memref<512xf32, #tpu.memory_space<hbm>>
    tpu.wait_dma2 semaphore(%arg19 : memref<!tpu.dma_semaphore, #tpu.memory_space<semaphore_mem>>) src(%dma_wait3A_22 : memref<512xf32, #tpu.memory_space<hbm>>) dst(%arg9 : memref<512xf32, #tpu.memory_space<vmem>>)
    %broadcast_in_dim3A = arith.constant 0.000000e+00 : f32
    %broadcast_in_dim3A_23 = vector.broadcast %broadcast_in_dim3A : f32 to vector<16xf32>
    %dma_wait3A_24 = arith.constant 0 : i32
    %dma_wait3A_25 = tpu.memref_slice %arg7[%dma_wait3A_24] : memref<512xi32, #tpu.memory_space<vmem>> -> memref<128xi32, #tpu.memory_space<vmem>>
    %dma_wait3A_26 = arith.constant 0 : i32
    %dma_wait3A_27 = arith.constant 0 : i32
    %dma_wait3A_28 = tpu.memref_slice %arg2[%dma_wait3A_26, %dma_wait3A_27] : memref<100000x128xf32, #tpu.memory_space<hbm>> -> memref<100000x128xf32, #tpu.memory_space<hbm>>
    tpu.wait_indirect_dma semaphore(%arg18 : memref<!tpu.dma_semaphore, #tpu.memory_space<semaphore_mem>>) src(%dma_wait3A_28 : memref<100000x128xf32, #tpu.memory_space<hbm>>) dst(%arg10 : memref<128x128xf32, #tpu.memory_space<vmem>>)
    %dma_wait3A_29 = arith.constant 0 : i32
    %dma_wait3A_30 = tpu.memref_slice %arg8[%dma_wait3A_29] : memref<512xi32, #tpu.memory_space<vmem>> -> memref<128xi32, #tpu.memory_space<vmem>>
    %dma_wait3A_31 = arith.constant 0 : i32
    %dma_wait3A_32 = arith.constant 0 : i32
    %dma_wait3A_33 = tpu.memref_slice %arg2[%dma_wait3A_31, %dma_wait3A_32] : memref<100000x128xf32, #tpu.memory_space<hbm>> -> memref<100000x128xf32, #tpu.memory_space<hbm>>
    tpu.wait_indirect_dma semaphore(%arg18 : memref<!tpu.dma_semaphore, #tpu.memory_space<semaphore_mem>>) src(%dma_wait3A_33 : memref<100000x128xf32, #tpu.memory_space<hbm>>) dst(%arg11 : memref<128x128xf32, #tpu.memory_space<vmem>>)
    %dma_start3A_34 = arith.constant 128 : i32
    %dma_start3A_35 = tpu.memref_slice %arg7[%dma_start3A_34] : memref<512xi32, #tpu.memory_space<vmem>> -> memref<128xi32, #tpu.memory_space<vmem>>
    %dma_start3A_36 = arith.constant 0 : i32
    %dma_start3A_37 = arith.constant 0 : i32
    %dma_start3A_38 = tpu.memref_slice %arg2[%dma_start3A_36, %dma_start3A_37] : memref<100000x128xf32, #tpu.memory_space<hbm>> -> memref<100000x128xf32, #tpu.memory_space<hbm>>
    tpu.enqueue_indirect_dma source(%dma_start3A_38 : memref<100000x128xf32, #tpu.memory_space<hbm>>) target(%arg12 : memref<128x128xf32, #tpu.memory_space<vmem>>) offsets(%dma_start3A_35 : memref<128xi32, #tpu.memory_space<vmem>>) semaphore(%arg19 : memref<!tpu.dma_semaphore, #tpu.memory_space<semaphore_mem>>)
    %dma_start3A_39 = arith.constant 128 : i32
    %dma_start3A_40 = tpu.memref_slice %arg8[%dma_start3A_39] : memref<512xi32, #tpu.memory_space<vmem>> -> memref<128xi32, #tpu.memory_space<vmem>>
    %dma_start3A_41 = arith.constant 0 : i32
    %dma_start3A_42 = arith.constant 0 : i32
    %dma_start3A_43 = tpu.memref_slice %arg2[%dma_start3A_41, %dma_start3A_42] : memref<100000x128xf32, #tpu.memory_space<hbm>> -> memref<100000x128xf32, #tpu.memory_space<hbm>>
    tpu.enqueue_indirect_dma source(%dma_start3A_43 : memref<100000x128xf32, #tpu.memory_space<hbm>>) target(%arg13 : memref<128x128xf32, #tpu.memory_space<vmem>>) offsets(%dma_start3A_40 : memref<128xi32, #tpu.memory_space<vmem>>) semaphore(%arg19 : memref<!tpu.dma_semaphore, #tpu.memory_space<semaphore_mem>>)
    %scan3A = arith.constant 0 : i32
    %scan3A_44 = arith.constant 4 : i32
    %scan3A_45 = arith.addi %scan3A, %scan3A_44 : i32
    %scan3A_46 = arith.constant 1 : i32
    %scan3A_47 = scf.for %scan3A_118 = %scan3A to %scan3A_45 step %scan3A_46 iter_args(%scan3A_119 = %broadcast_in_dim3A_23) -> (vector<16xf32>)  : i32 {
      %parallel_loop3A = arith.constant 0 : i32
      %parallel_loop3A_120 = arith.constant 32 : i32
      %parallel_loop3A_121 = arith.constant 1 : i32
      scf.for %parallel_loop3A_282 = %parallel_loop3A to %parallel_loop3A_120 step %parallel_loop3A_121  : i32 {
        %parallel_loop3A_283 = arith.constant 32 : i32
        %parallel_loop3A_284 = arith.muli %scan3A_118, %parallel_loop3A_283 : i32
        %parallel_loop3A_285 = arith.addi %parallel_loop3A_284, %parallel_loop3A_282 : i32
        %parallel_loop3A_286 = arith.constant 0.000000e+00 : f32
        %parallel_loop3A_287 = vector.broadcast %parallel_loop3A_286 : f32 to vector<16xf32>
        %parallel_loop3A_288 = arith.constant 0.000000e+00 : f32
        %parallel_loop3A_289 = vector.broadcast %parallel_loop3A_288 : f32 to vector<16xf32>
        %parallel_loop3A_290 = arith.constant 0.000000e+00 : f32
        %parallel_loop3A_291 = vector.broadcast %parallel_loop3A_290 : f32 to vector<16xf32>
        %parallel_loop3A_292 = arith.index_cast %parallel_loop3A_285 : i32 to index
        %parallel_loop3A_293 = arith.constant 0 : index
        %parallel_loop3A_294 = tpu.vector_load %arg10[%parallel_loop3A_292, %parallel_loop3A_293] {strides = array<i32>} : memref<128x128xf32, #tpu.memory_space<vmem>>, vector<16xf32>,
        %parallel_loop3A_295 = arith.index_cast %parallel_loop3A_285 : i32 to index
        %parallel_loop3A_296 = arith.constant 0 : index
        %parallel_loop3A_297 = tpu.vector_load %arg11[%parallel_loop3A_295, %parallel_loop3A_296] {strides = array<i32>} : memref<128x128xf32, #tpu.memory_space<vmem>>, vector<16xf32>,
        %parallel_loop3A_298 = arith.mulf %parallel_loop3A_294, %parallel_loop3A_297 : vector<16xf32>
        %parallel_loop3A_299 = arith.addf %parallel_loop3A_287, %parallel_loop3A_298 : vector<16xf32>
        %parallel_loop3A_300 = arith.mulf %parallel_loop3A_294, %parallel_loop3A_294 : vector<16xf32>
        %parallel_loop3A_301 = arith.addf %parallel_loop3A_289, %parallel_loop3A_300 : vector<16xf32>
        %parallel_loop3A_302 = arith.mulf %parallel_loop3A_297, %parallel_loop3A_297 : vector<16xf32>
        %parallel_loop3A_303 = arith.addf %parallel_loop3A_291, %parallel_loop3A_302 : vector<16xf32>
        %parallel_loop3A_304 = arith.index_cast %parallel_loop3A_285 : i32 to index
        %parallel_loop3A_305 = arith.constant 16 : index
        %parallel_loop3A_306 = tpu.vector_load %arg10[%parallel_loop3A_304, %parallel_loop3A_305] {strides = array<i32>} : memref<128x128xf32, #tpu.memory_space<vmem>>, vector<16xf32>,
        %parallel_loop3A_307 = arith.index_cast %parallel_loop3A_285 : i32 to index
        %parallel_loop3A_308 = arith.constant 16 : index
        %parallel_loop3A_309 = tpu.vector_load %arg11[%parallel_loop3A_307, %parallel_loop3A_308] {strides = array<i32>} : memref<128x128xf32, #tpu.memory_space<vmem>>, vector<16xf32>,
        %parallel_loop3A_310 = arith.mulf %parallel_loop3A_306, %parallel_loop3A_309 : vector<16xf32>
        %parallel_loop3A_311 = arith.addf %parallel_loop3A_299, %parallel_loop3A_310 : vector<16xf32>
        %parallel_loop3A_312 = arith.mulf %parallel_loop3A_306, %parallel_loop3A_306 : vector<16xf32>
        %parallel_loop3A_313 = arith.addf %parallel_loop3A_301, %parallel_loop3A_312 : vector<16xf32>
        %parallel_loop3A_314 = arith.mulf %parallel_loop3A_309, %parallel_loop3A_309 : vector<16xf32>
        %parallel_loop3A_315 = arith.addf %parallel_loop3A_303, %parallel_loop3A_314 : vector<16xf32>
        %parallel_loop3A_316 = arith.index_cast %parallel_loop3A_285 : i32 to index
        %parallel_loop3A_317 = arith.constant 32 : index
        %parallel_loop3A_318 = tpu.vector_load %arg10[%parallel_loop3A_316, %parallel_loop3A_317] {strides = array<i32>} : memref<128x128xf32, #tpu.memory_space<vmem>>, vector<16xf32>,
        %parallel_loop3A_319 = arith.index_cast %parallel_loop3A_285 : i32 to index
        %parallel_loop3A_320 = arith.constant 32 : index
        %parallel_loop3A_321 = tpu.vector_load %arg11[%parallel_loop3A_319, %parallel_loop3A_320] {strides = array<i32>} : memref<128x128xf32, #tpu.memory_space<vmem>>, vector<16xf32>,
        %parallel_loop3A_322 = arith.mulf %parallel_loop3A_318, %parallel_loop3A_321 : vector<16xf32>
        %parallel_loop3A_323 = arith.addf %parallel_loop3A_311, %parallel_loop3A_322 : vector<16xf32>
        %parallel_loop3A_324 = arith.mulf %parallel_loop3A_318, %parallel_loop3A_318 : vector<16xf32>
        %parallel_loop3A_325 = arith.addf %parallel_loop3A_313, %parallel_loop3A_324 : vector<16xf32>
        %parallel_loop3A_326 = arith.mulf %parallel_loop3A_321, %parallel_loop3A_321 : vector<16xf32>
        %parallel_loop3A_327 = arith.addf %parallel_loop3A_315, %parallel_loop3A_326 : vector<16xf32>
        %parallel_loop3A_328 = arith.index_cast %parallel_loop3A_285 : i32 to index
        %parallel_loop3A_329 = arith.constant 48 : index
        %parallel_loop3A_330 = tpu.vector_load %arg10[%parallel_loop3A_328, %parallel_loop3A_329] {strides = array<i32>} : memref<128x128xf32, #tpu.memory_space<vmem>>, vector<16xf32>,
        %parallel_loop3A_331 = arith.index_cast %parallel_loop3A_285 : i32 to index
        %parallel_loop3A_332 = arith.constant 48 : index
        %parallel_loop3A_333 = tpu.vector_load %arg11[%parallel_loop3A_331, %parallel_loop3A_332] {strides = array<i32>} : memref<128x128xf32, #tpu.memory_space<vmem>>, vector<16xf32>,
        %parallel_loop3A_334 = arith.mulf %parallel_loop3A_330, %parallel_loop3A_333 : vector<16xf32>
        %parallel_loop3A_335 = arith.addf %parallel_loop3A_323, %parallel_loop3A_334 : vector<16xf32>
        %parallel_loop3A_336 = arith.mulf %parallel_loop3A_330, %parallel_loop3A_330 : vector<16xf32>
        %parallel_loop3A_337 = arith.addf %parallel_loop3A_325, %parallel_loop3A_336 : vector<16xf32>
        %parallel_loop3A_338 = arith.mulf %parallel_loop3A_333, %parallel_loop3A_333 : vector<16xf32>
        %parallel_loop3A_339 = arith.addf %parallel_loop3A_327, %parallel_loop3A_338 : vector<16xf32>
        %parallel_loop3A_340 = arith.index_cast %parallel_loop3A_285 : i32 to index
        %parallel_loop3A_341 = arith.constant 64 : index
        %parallel_loop3A_342 = tpu.vector_load %arg10[%parallel_loop3A_340, %parallel_loop3A_341] {strides = array<i32>} : memref<128x128xf32, #tpu.memory_space<vmem>>, vector<16xf32>,
        %parallel_loop3A_343 = arith.index_cast %parallel_loop3A_285 : i32 to index
        %parallel_loop3A_344 = arith.constant 64 : index
        %parallel_loop3A_345 = tpu.vector_load %arg11[%parallel_loop3A_343, %parallel_loop3A_344] {strides = array<i32>} : memref<128x128xf32, #tpu.memory_space<vmem>>, vector<16xf32>,
        %parallel_loop3A_346 = arith.mulf %parallel_loop3A_342, %parallel_loop3A_345 : vector<16xf32>
        %parallel_loop3A_347 = arith.addf %parallel_loop3A_335, %parallel_loop3A_346 : vector<16xf32>
        %parallel_loop3A_348 = arith.mulf %parallel_loop3A_342, %parallel_loop3A_342 : vector<16xf32>
        %parallel_loop3A_349 = arith.addf %parallel_loop3A_337, %parallel_loop3A_348 : vector<16xf32>
        %parallel_loop3A_350 = arith.mulf %parallel_loop3A_345, %parallel_loop3A_345 : vector<16xf32>
        %parallel_loop3A_351 = arith.addf %parallel_loop3A_339, %parallel_loop3A_350 : vector<16xf32>
        %parallel_loop3A_352 = arith.index_cast %parallel_loop3A_285 : i32 to index
        %parallel_loop3A_353 = arith.constant 80 : index
        %parallel_loop3A_354 = tpu.vector_load %arg10[%parallel_loop3A_352, %parallel_loop3A_353] {strides = array<i32>} : memref<128x128xf32, #tpu.memory_space<vmem>>, vector<16xf32>,
        %parallel_loop3A_355 = arith.index_cast %parallel_loop3A_285 : i32 to index
        %parallel_loop3A_356 = arith.constant 80 : index
        %parallel_loop3A_357 = tpu.vector_load %arg11[%parallel_loop3A_355, %parallel_loop3A_356] {strides = array<i32>} : memref<128x128xf32, #tpu.memory_space<vmem>>, vector<16xf32>,
        %parallel_loop3A_358 = arith.mulf %parallel_loop3A_354, %parallel_loop3A_357 : vector<16xf32>
        %parallel_loop3A_359 = arith.addf %parallel_loop3A_347, %parallel_loop3A_358 : vector<16xf32>
        %parallel_loop3A_360 = arith.mulf %parallel_loop3A_354, %parallel_loop3A_354 : vector<16xf32>
        %parallel_loop3A_361 = arith.addf %parallel_loop3A_349, %parallel_loop3A_360 : vector<16xf32>
        %parallel_loop3A_362 = arith.mulf %parallel_loop3A_357, %parallel_loop3A_357 : vector<16xf32>
        %parallel_loop3A_363 = arith.addf %parallel_loop3A_351, %parallel_loop3A_362 : vector<16xf32>
        %parallel_loop3A_364 = arith.index_cast %parallel_loop3A_285 : i32 to index
        %parallel_loop3A_365 = arith.constant 96 : index
        %parallel_loop3A_366 = tpu.vector_load %arg10[%parallel_loop3A_364, %parallel_loop3A_365] {strides = array<i32>} : memref<128x128xf32, #tpu.memory_space<vmem>>, vector<16xf32>,
        %parallel_loop3A_367 = arith.index_cast %parallel_loop3A_285 : i32 to index
        %parallel_loop3A_368 = arith.constant 96 : index
        %parallel_loop3A_369 = tpu.vector_load %arg11[%parallel_loop3A_367, %parallel_loop3A_368] {strides = array<i32>} : memref<128x128xf32, #tpu.memory_space<vmem>>, vector<16xf32>,
        %parallel_loop3A_370 = arith.mulf %parallel_loop3A_366, %parallel_loop3A_369 : vector<16xf32>
        %parallel_loop3A_371 = arith.addf %parallel_loop3A_359, %parallel_loop3A_370 : vector<16xf32>
        %parallel_loop3A_372 = arith.mulf %parallel_loop3A_366, %parallel_loop3A_366 : vector<16xf32>
        %parallel_loop3A_373 = arith.addf %parallel_loop3A_361, %parallel_loop3A_372 : vector<16xf32>
        %parallel_loop3A_374 = arith.mulf %parallel_loop3A_369, %parallel_loop3A_369 : vector<16xf32>
        %parallel_loop3A_375 = arith.addf %parallel_loop3A_363, %parallel_loop3A_374 : vector<16xf32>
        %parallel_loop3A_376 = arith.index_cast %parallel_loop3A_285 : i32 to index
        %parallel_loop3A_377 = arith.constant 112 : index
        %parallel_loop3A_378 = tpu.vector_load %arg10[%parallel_loop3A_376, %parallel_loop3A_377] {strides = array<i32>} : memref<128x128xf32, #tpu.memory_space<vmem>>, vector<16xf32>,
        %parallel_loop3A_379 = arith.index_cast %parallel_loop3A_285 : i32 to index
        %parallel_loop3A_380 = arith.constant 112 : index
        %parallel_loop3A_381 = tpu.vector_load %arg11[%parallel_loop3A_379, %parallel_loop3A_380] {strides = array<i32>} : memref<128x128xf32, #tpu.memory_space<vmem>>, vector<16xf32>,
        %parallel_loop3A_382 = arith.mulf %parallel_loop3A_378, %parallel_loop3A_381 : vector<16xf32>
        %parallel_loop3A_383 = arith.addf %parallel_loop3A_371, %parallel_loop3A_382 : vector<16xf32>
        %parallel_loop3A_384 = arith.mulf %parallel_loop3A_378, %parallel_loop3A_378 : vector<16xf32>
        %parallel_loop3A_385 = arith.addf %parallel_loop3A_373, %parallel_loop3A_384 : vector<16xf32>
        %parallel_loop3A_386 = arith.mulf %parallel_loop3A_381, %parallel_loop3A_381 : vector<16xf32>
        %parallel_loop3A_387 = arith.addf %parallel_loop3A_375, %parallel_loop3A_386 : vector<16xf32>
        %parallel_loop3A_388 = arith.index_cast %parallel_loop3A_282 : i32 to index
        %parallel_loop3A_389 = arith.constant 0 : index
        %parallel_loop3A_390 = tpu.vector_load %arg14[%parallel_loop3A_388, %parallel_loop3A_389] {strides = array<i32>} : memref<32x17xf32, #tpu.memory_space<vmem>>, vector<16xf32>,
        tpu.vector_store %arg14[%parallel_loop3A_388, %parallel_loop3A_389], %parallel_loop3A_383 {strides = array<i32>} : memref<32x17xf32, #tpu.memory_space<vmem>>, vector<16xf32>,
        %parallel_loop3A_391 = arith.index_cast %parallel_loop3A_282 : i32 to index
        %parallel_loop3A_392 = arith.constant 0 : index
        %parallel_loop3A_393 = tpu.vector_load %arg15[%parallel_loop3A_391, %parallel_loop3A_392] {strides = array<i32>} : memref<32x17xf32, #tpu.memory_space<vmem>>, vector<16xf32>,
        tpu.vector_store %arg15[%parallel_loop3A_391, %parallel_loop3A_392], %parallel_loop3A_385 {strides = array<i32>} : memref<32x17xf32, #tpu.memory_space<vmem>>, vector<16xf32>,
        %parallel_loop3A_394 = arith.index_cast %parallel_loop3A_282 : i32 to index
        %parallel_loop3A_395 = arith.constant 0 : index
        %parallel_loop3A_396 = tpu.vector_load %arg16[%parallel_loop3A_394, %parallel_loop3A_395] {strides = array<i32>} : memref<32x17xf32, #tpu.memory_space<vmem>>, vector<16xf32>,
        tpu.vector_store %arg16[%parallel_loop3A_394, %parallel_loop3A_395], %parallel_loop3A_387 {strides = array<i32>} : memref<32x17xf32, #tpu.memory_space<vmem>>, vector<16xf32>,
      } {sc.loop_unroll_factor = 4 : i64, sc.parallel_access}
      %iota3A = tpu.iota {dimensions = array<i32: 0>} : vector<16xi32>
      %add3A_122 = arith.constant 0 : i32
      %add3A_123 = vector.broadcast %add3A_122 : i32 to vector<16xi32>
      %add3A_124 = arith.addi %iota3A, %add3A_123 : vector<16xi32>
      %broadcast_in_dim3A_125 = arith.constant 0.000000e+00 : f32
      %broadcast_in_dim3A_126 = vector.broadcast %broadcast_in_dim3A_125 : f32 to vector<16xf32>
      %parallel_loop3A_127 = arith.constant 0 : i32
      %parallel_loop3A_128 = arith.constant 16 : i32
      %parallel_loop3A_129 = arith.constant 1 : i32
      %parallel_loop3A_130:3 = scf.for %parallel_loop3A_282 = %parallel_loop3A_127 to %parallel_loop3A_128 step %parallel_loop3A_129 iter_args(%parallel_loop3A_283 = %broadcast_in_dim3A_126, %parallel_loop3A_284 = %broadcast_in_dim3A_126, %parallel_loop3A_285 = %broadcast_in_dim3A_126) -> (vector<16xf32>, vector<16xf32>, vector<16xf32>)  : i32 {
        %parallel_loop3A_286 = arith.constant 0 : i32
        %parallel_loop3A_287 = vector.broadcast %parallel_loop3A_286 : i32 to vector<16xi32>
        %parallel_loop3A_288 = vector.broadcast %parallel_loop3A_282 : i32 to vector<16xi32>
        %parallel_loop3A_289 = arith.addi %parallel_loop3A_287, %parallel_loop3A_288 : vector<16xi32>
        %parallel_loop3A_290 = tpu.vector_load_idx %arg14[%add3A_124, %parallel_loop3A_289] : memref<32x17xf32, #tpu.memory_space<vmem>>[vector<16xi32>, vector<16xi32>], vector<16xf32>,
        %parallel_loop3A_291 = arith.addf %parallel_loop3A_283, %parallel_loop3A_290 : vector<16xf32>
        %parallel_loop3A_292 = tpu.vector_load_idx %arg15[%add3A_124, %parallel_loop3A_289] : memref<32x17xf32, #tpu.memory_space<vmem>>[vector<16xi32>, vector<16xi32>], vector<16xf32>,
        %parallel_loop3A_293 = arith.addf %parallel_loop3A_284, %parallel_loop3A_292 : vector<16xf32>
        %parallel_loop3A_294 = tpu.vector_load_idx %arg16[%add3A_124, %parallel_loop3A_289] : memref<32x17xf32, #tpu.memory_space<vmem>>[vector<16xi32>, vector<16xi32>], vector<16xf32>,
        %parallel_loop3A_295 = arith.addf %parallel_loop3A_285, %parallel_loop3A_294 : vector<16xf32>
        scf.yield %parallel_loop3A_291, %parallel_loop3A_293, %parallel_loop3A_295 : vector<16xf32>, vector<16xf32>, vector<16xf32>
      } {sc.loop_unroll_factor = 4 : i64, sc.parallel_access}
      %max3A = arith.constant 1.000000e-16 : f32
      %max3A_131 = vector.broadcast %max3A : f32 to vector<16xf32>
      %max3A_132 = arith.maximumf %parallel_loop3A_130#1, %max3A_131 : vector<16xf32>
      %max3A_133 = arith.constant 1.000000e-16 : f32
      %max3A_134 = vector.broadcast %max3A_133 : f32 to vector<16xf32>
      %max3A_135 = arith.maximumf %parallel_loop3A_130#2, %max3A_134 : vector<16xf32>
      %mul3A_136 = arith.mulf %max3A_132, %max3A_135 : vector<16xf32>
      %bitcast3A = vector.bitcast %mul3A_136 : vector<16xf32> to vector<16xi32>
      %shift_right_arithmetic3A = arith.constant 1 : i32
      %shift_right_arithmetic3A_137 = vector.broadcast %shift_right_arithmetic3A : i32 to vector<16xi32>
      %shift_right_arithmetic3A_138 = arith.shrsi %bitcast3A, %shift_right_arithmetic3A_137 : vector<16xi32>
      %sub3A = arith.constant 1597463007 : i32
      %sub3A_139 = vector.broadcast %sub3A : i32 to vector<16xi32>
      %sub3A_140 = arith.subi %sub3A_139, %shift_right_arithmetic3A_138 : vector<16xi32>
      %bitcast3A_141 = vector.bitcast %sub3A_140 : vector<16xi32> to vector<16xf32>
      %mul3A_142 = arith.constant 5.000000e-01 : f32
      %mul3A_143 = vector.broadcast %mul3A_142 : f32 to vector<16xf32>
      %mul3A_144 = arith.mulf %mul3A_143, %mul3A_136 : vector<16xf32>
      %mul3A_145 = arith.mulf %mul3A_144, %bitcast3A_141 : vector<16xf32>
      %mul3A_146 = arith.mulf %mul3A_145, %bitcast3A_141 : vector<16xf32>
      %sub3A_147 = arith.constant 1.500000e+00 : f32
      %sub3A_148 = vector.broadcast %sub3A_147 : f32 to vector<16xf32>
      %sub3A_149 = arith.subf %sub3A_148, %mul3A_146 : vector<16xf32>
      %mul3A_150 = arith.mulf %bitcast3A_141, %sub3A_149 : vector<16xf32>
      %mul3A_151 = arith.constant 5.000000e-01 : f32
      %mul3A_152 = vector.broadcast %mul3A_151 : f32 to vector<16xf32>
      %mul3A_153 = arith.mulf %mul3A_152, %mul3A_136 : vector<16xf32>
      %mul3A_154 = arith.mulf %mul3A_153, %mul3A_150 : vector<16xf32>
      %mul3A_155 = arith.mulf %mul3A_154, %mul3A_150 : vector<16xf32>
      %sub3A_156 = arith.constant 1.500000e+00 : f32
      %sub3A_157 = vector.broadcast %sub3A_156 : f32 to vector<16xf32>
      %sub3A_158 = arith.subf %sub3A_157, %mul3A_155 : vector<16xf32>
      %mul3A_159 = arith.mulf %mul3A_150, %sub3A_158 : vector<16xf32>
      %mul3A_160 = arith.constant 5.000000e-01 : f32
      %mul3A_161 = vector.broadcast %mul3A_160 : f32 to vector<16xf32>
      %mul3A_162 = arith.mulf %mul3A_161, %mul3A_136 : vector<16xf32>
      %mul3A_163 = arith.mulf %mul3A_162, %mul3A_159 : vector<16xf32>
      %mul3A_164 = arith.mulf %mul3A_163, %mul3A_159 : vector<16xf32>
      %sub3A_165 = arith.constant 1.500000e+00 : f32
      %sub3A_166 = vector.broadcast %sub3A_165 : f32 to vector<16xf32>
      %sub3A_167 = arith.subf %sub3A_166, %mul3A_164 : vector<16xf32>
      %mul3A_168 = arith.mulf %mul3A_159, %sub3A_167 : vector<16xf32>
      %mul3A_169 = arith.mulf %parallel_loop3A_130#0, %mul3A_168 : vector<16xf32>
      %sub3A_170 = arith.constant 1.000000e+00 : f32
      %sub3A_171 = vector.broadcast %sub3A_170 : f32 to vector<16xf32>
      %sub3A_172 = arith.subf %sub3A_171, %mul3A_169 : vector<16xf32>
      %mul3A_173 = arith.constant 2 : i32
      %mul3A_174 = arith.muli %scan3A_118, %mul3A_173 : i32
      %mul3A_175 = arith.constant 16 : i32
      %mul3A_176 = arith.muli %mul3A_174, %mul3A_175 : i32
      %add3A_177 = arith.constant 0 : i32
      %add3A_178 = arith.addi %add3A_177, %mul3A_176 : i32
      %add3A_179 = arith.constant 0 : i32
      %add3A_180 = arith.addi %add3A_178, %add3A_179 : i32
      %get3A = arith.index_cast %add3A_180 : i32 to index
      %get3A_181 = tpu.vector_load %arg9[%get3A] {strides = array<i32>} : memref<512xf32, #tpu.memory_space<vmem>>, vector<16xf32>,
      %mul3A_182 = arith.mulf %get3A_181, %sub3A_172 : vector<16xf32>
      %sub3A_183 = arith.constant 1.000000e+00 : f32
      %sub3A_184 = vector.broadcast %sub3A_183 : f32 to vector<16xf32>
      %sub3A_185 = arith.subf %sub3A_184, %get3A_181 : vector<16xf32>
      %sub3A_186 = arith.constant 5.000000e-01 : f32
      %sub3A_187 = vector.broadcast %sub3A_186 : f32 to vector<16xf32>
      %sub3A_188 = arith.subf %sub3A_187, %sub3A_172 : vector<16xf32>
      %max3A_189 = arith.constant 0.000000e+00 : f32
      %max3A_190 = vector.broadcast %max3A_189 : f32 to vector<16xf32>
      %max3A_191 = arith.maximumf %max3A_190, %sub3A_188 : vector<16xf32>
      %mul3A_192 = arith.mulf %sub3A_185, %max3A_191 : vector<16xf32>
      %add3A_193 = arith.addf %mul3A_182, %mul3A_192 : vector<16xf32>
      %mul3A_194 = arith.mulf %add3A_193, %add3A_193 : vector<16xf32>
      %mul3A_195 = arith.constant 3.05175781E-5 : f32
      %mul3A_196 = vector.broadcast %mul3A_195 : f32 to vector<16xf32>
      %mul3A_197 = arith.mulf %mul3A_196, %mul3A_194 : vector<16xf32>
      %add3A_198 = arith.addf %scan3A_119, %mul3A_197 : vector<16xf32>
      %iota3A_199 = tpu.iota {dimensions = array<i32: 0>} : vector<16xi32>
      %add3A_200 = arith.constant 16 : i32
      %add3A_201 = vector.broadcast %add3A_200 : i32 to vector<16xi32>
      %add3A_202 = arith.addi %iota3A_199, %add3A_201 : vector<16xi32>
      %broadcast_in_dim3A_203 = arith.constant 0.000000e+00 : f32
      %broadcast_in_dim3A_204 = vector.broadcast %broadcast_in_dim3A_203 : f32 to vector<16xf32>
      %parallel_loop3A_205 = arith.constant 0 : i32
      %parallel_loop3A_206 = arith.constant 16 : i32
      %parallel_loop3A_207 = arith.constant 1 : i32
      %parallel_loop3A_208:3 = scf.for %parallel_loop3A_282 = %parallel_loop3A_205 to %parallel_loop3A_206 step %parallel_loop3A_207 iter_args(%parallel_loop3A_283 = %broadcast_in_dim3A_204, %parallel_loop3A_284 = %broadcast_in_dim3A_204, %parallel_loop3A_285 = %broadcast_in_dim3A_204) -> (vector<16xf32>, vector<16xf32>, vector<16xf32>)  : i32 {
        %parallel_loop3A_286 = arith.constant 0 : i32
        %parallel_loop3A_287 = vector.broadcast %parallel_loop3A_286 : i32 to vector<16xi32>
        %parallel_loop3A_288 = vector.broadcast %parallel_loop3A_282 : i32 to vector<16xi32>
        %parallel_loop3A_289 = arith.addi %parallel_loop3A_287, %parallel_loop3A_288 : vector<16xi32>
        %parallel_loop3A_290 = tpu.vector_load_idx %arg14[%add3A_202, %parallel_loop3A_289] : memref<32x17xf32, #tpu.memory_space<vmem>>[vector<16xi32>, vector<16xi32>], vector<16xf32>,
        %parallel_loop3A_291 = arith.addf %parallel_loop3A_283, %parallel_loop3A_290 : vector<16xf32>
        %parallel_loop3A_292 = tpu.vector_load_idx %arg15[%add3A_202, %parallel_loop3A_289] : memref<32x17xf32, #tpu.memory_space<vmem>>[vector<16xi32>, vector<16xi32>], vector<16xf32>,
        %parallel_loop3A_293 = arith.addf %parallel_loop3A_284, %parallel_loop3A_292 : vector<16xf32>
        %parallel_loop3A_294 = tpu.vector_load_idx %arg16[%add3A_202, %parallel_loop3A_289] : memref<32x17xf32, #tpu.memory_space<vmem>>[vector<16xi32>, vector<16xi32>], vector<16xf32>,
        %parallel_loop3A_295 = arith.addf %parallel_loop3A_285, %parallel_loop3A_294 : vector<16xf32>
        scf.yield %parallel_loop3A_291, %parallel_loop3A_293, %parallel_loop3A_295 : vector<16xf32>, vector<16xf32>, vector<16xf32>
      } {sc.loop_unroll_factor = 4 : i64, sc.parallel_access}
      %max3A_209 = arith.constant 1.000000e-16 : f32
      %max3A_210 = vector.broadcast %max3A_209 : f32 to vector<16xf32>
      %max3A_211 = arith.maximumf %parallel_loop3A_208#1, %max3A_210 : vector<16xf32>
      %max3A_212 = arith.constant 1.000000e-16 : f32
      %max3A_213 = vector.broadcast %max3A_212 : f32 to vector<16xf32>
      %max3A_214 = arith.maximumf %parallel_loop3A_208#2, %max3A_213 : vector<16xf32>
      %mul3A_215 = arith.mulf %max3A_211, %max3A_214 : vector<16xf32>
      %bitcast3A_216 = vector.bitcast %mul3A_215 : vector<16xf32> to vector<16xi32>
      %shift_right_arithmetic3A_217 = arith.constant 1 : i32
      %shift_right_arithmetic3A_218 = vector.broadcast %shift_right_arithmetic3A_217 : i32 to vector<16xi32>
      %shift_right_arithmetic3A_219 = arith.shrsi %bitcast3A_216, %shift_right_arithmetic3A_218 : vector<16xi32>
      %sub3A_220 = arith.constant 1597463007 : i32
      %sub3A_221 = vector.broadcast %sub3A_220 : i32 to vector<16xi32>
      %sub3A_222 = arith.subi %sub3A_221, %shift_right_arithmetic3A_219 : vector<16xi32>
      %bitcast3A_223 = vector.bitcast %sub3A_222 : vector<16xi32> to vector<16xf32>
      %mul3A_224 = arith.constant 5.000000e-01 : f32
      %mul3A_225 = vector.broadcast %mul3A_224 : f32 to vector<16xf32>
      %mul3A_226 = arith.mulf %mul3A_225, %mul3A_215 : vector<16xf32>
      %mul3A_227 = arith.mulf %mul3A_226, %bitcast3A_223 : vector<16xf32>
      %mul3A_228 = arith.mulf %mul3A_227, %bitcast3A_223 : vector<16xf32>
      %sub3A_229 = arith.constant 1.500000e+00 : f32
      %sub3A_230 = vector.broadcast %sub3A_229 : f32 to vector<16xf32>
      %sub3A_231 = arith.subf %sub3A_230, %mul3A_228 : vector<16xf32>
      %mul3A_232 = arith.mulf %bitcast3A_223, %sub3A_231 : vector<16xf32>
      %mul3A_233 = arith.constant 5.000000e-01 : f32
      %mul3A_234 = vector.broadcast %mul3A_233 : f32 to vector<16xf32>
      %mul3A_235 = arith.mulf %mul3A_234, %mul3A_215 : vector<16xf32>
      %mul3A_236 = arith.mulf %mul3A_235, %mul3A_232 : vector<16xf32>
      %mul3A_237 = arith.mulf %mul3A_236, %mul3A_232 : vector<16xf32>
      %sub3A_238 = arith.constant 1.500000e+00 : f32
      %sub3A_239 = vector.broadcast %sub3A_238 : f32 to vector<16xf32>
      %sub3A_240 = arith.subf %sub3A_239, %mul3A_237 : vector<16xf32>
      %mul3A_241 = arith.mulf %mul3A_232, %sub3A_240 : vector<16xf32>
      %mul3A_242 = arith.constant 5.000000e-01 : f32
      %mul3A_243 = vector.broadcast %mul3A_242 : f32 to vector<16xf32>
      %mul3A_244 = arith.mulf %mul3A_243, %mul3A_215 : vector<16xf32>
      %mul3A_245 = arith.mulf %mul3A_244, %mul3A_241 : vector<16xf32>
      %mul3A_246 = arith.mulf %mul3A_245, %mul3A_241 : vector<16xf32>
      %sub3A_247 = arith.constant 1.500000e+00 : f32
      %sub3A_248 = vector.broadcast %sub3A_247 : f32 to vector<16xf32>
      %sub3A_249 = arith.subf %sub3A_248, %mul3A_246 : vector<16xf32>
      %mul3A_250 = arith.mulf %mul3A_241, %sub3A_249 : vector<16xf32>
      %mul3A_251 = arith.mulf %parallel_loop3A_208#0, %mul3A_250 : vector<16xf32>
      %sub3A_252 = arith.constant 1.000000e+00 : f32
      %sub3A_253 = vector.broadcast %sub3A_252 : f32 to vector<16xf32>
      %sub3A_254 = arith.subf %sub3A_253, %mul3A_251 : vector<16xf32>
      %mul3A_255 = arith.constant 2 : i32
      %mul3A_256 = arith.muli %scan3A_118, %mul3A_255 : i32
      %mul3A_257 = arith.constant 16 : i32
      %mul3A_258 = arith.muli %mul3A_256, %mul3A_257 : i32
      %add3A_259 = arith.constant 0 : i32
      %add3A_260 = arith.addi %add3A_259, %mul3A_258 : i32
      %add3A_261 = arith.constant 16 : i32
      %add3A_262 = arith.addi %add3A_260, %add3A_261 : i32
      %get3A_263 = arith.index_cast %add3A_262 : i32 to index
      %get3A_264 = tpu.vector_load %arg9[%get3A_263] {strides = array<i32>} : memref<512xf32, #tpu.memory_space<vmem>>, vector<16xf32>,
      %mul3A_265 = arith.mulf %get3A_264, %sub3A_254 : vector<16xf32>
      %sub3A_266 = arith.constant 1.000000e+00 : f32
      %sub3A_267 = vector.broadcast %sub3A_266 : f32 to vector<16xf32>
      %sub3A_268 = arith.subf %sub3A_267, %get3A_264 : vector<16xf32>
      %sub3A_269 = arith.constant 5.000000e-01 : f32
      %sub3A_270 = vector.broadcast %sub3A_269 : f32 to vector<16xf32>
      %sub3A_271 = arith.subf %sub3A_270, %sub3A_254 : vector<16xf32>
      %max3A_272 = arith.constant 0.000000e+00 : f32
      %max3A_273 = vector.broadcast %max3A_272 : f32 to vector<16xf32>
      %max3A_274 = arith.maximumf %max3A_273, %sub3A_271 : vector<16xf32>
      %mul3A_275 = arith.mulf %sub3A_268, %max3A_274 : vector<16xf32>
      %add3A_276 = arith.addf %mul3A_265, %mul3A_275 : vector<16xf32>
      %mul3A_277 = arith.mulf %add3A_276, %add3A_276 : vector<16xf32>
      %mul3A_278 = arith.constant 3.05175781E-5 : f32
      %mul3A_279 = vector.broadcast %mul3A_278 : f32 to vector<16xf32>
      %mul3A_280 = arith.mulf %mul3A_279, %mul3A_277 : vector<16xf32>
      %add3A_281 = arith.addf %add3A_198, %mul3A_280 : vector<16xf32>
      scf.yield %add3A_281 : vector<16xf32>
    }
    %scan3A_48 = arith.constant 4 : i32
    %dma_wait3A_49 = arith.constant 128 : i32
    %dma_wait3A_50 = tpu.memref_slice %arg7[%dma_wait3A_49] : memref<512xi32, #tpu.memory_space<vmem>> -> memref<128xi32, #tpu.memory_space<vmem>>
    %dma_wait3A_51 = arith.constant 0 : i32
    %dma_wait3A_52 = arith.constant 0 : i32
    %dma_wait3A_53 = tpu.memref_slice %arg2[%dma_wait3A_51, %dma_wait3A_52] : memref<100000x128xf32, #tpu.memory_space<hbm>> -> memref<100000x128xf32, #tpu.memory_space<hbm>>
    tpu.wait_indirect_dma semaphore(%arg19 : memref<!tpu.dma_semaphore, #tpu.memory_space<semaphore_mem>>) src(%dma_wait3A_53 : memref<100000x128xf32, #tpu.memory_space<hbm>>) dst(%arg12 : memref<128x128xf32, #tpu.memory_space<vmem>>)
    %dma_wait3A_54 = arith.constant 128 : i32
    %dma_wait3A_55 = tpu.memref_slice %arg8[%dma_wait3A_54] : memref<512xi32, #tpu.memory_space<vmem>> -> memref<128xi32, #tpu.memory_space<vmem>>
    %dma_wait3A_56 = arith.constant 0 : i32
    %dma_wait3A_57 = arith.constant 0 : i32
    %dma_wait3A_58 = tpu.memref_slice %arg2[%dma_wait3A_56, %dma_wait3A_57] : memref<100000x128xf32, #tpu.memory_space<hbm>> -> memref<100000x128xf32, #tpu.memory_space<hbm>>
    tpu.wait_indirect_dma semaphore(%arg19 : memref<!tpu.dma_semaphore, #tpu.memory_space<semaphore_mem>>) src(%dma_wait3A_58 : memref<100000x128xf32, #tpu.memory_space<hbm>>) dst(%arg13 : memref<128x128xf32, #tpu.memory_space<vmem>>)
    %dma_start3A_59 = arith.constant 256 : i32
    %dma_start3A_60 = tpu.memref_slice %arg7[%dma_start3A_59] : memref<512xi32, #tpu.memory_space<vmem>> -> memref<128xi32, #tpu.memory_space<vmem>>
    %dma_start3A_61 = arith.constant 0 : i32
    %dma_start3A_62 = arith.constant 0 : i32
    %dma_start3A_63 = tpu.memref_slice %arg2[%dma_start3A_61, %dma_start3A_62] : memref<100000x128xf32, #tpu.memory_space<hbm>> -> memref<100000x128xf32, #tpu.memory_space<hbm>>
    tpu.enqueue_indirect_dma source(%dma_start3A_63 : memref<100000x128xf32, #tpu.memory_space<hbm>>) target(%arg10 : memref<128x128xf32, #tpu.memory_space<vmem>>) offsets(%dma_start3A_60 : memref<128xi32, #tpu.memory_space<vmem>>) semaphore(%arg18 : memref<!tpu.dma_semaphore, #tpu.memory_space<semaphore_mem>>)
    %dma_start3A_64 = arith.constant 256 : i32
    %dma_start3A_65 = tpu.memref_slice %arg8[%dma_start3A_64] : memref<512xi32, #tpu.memory_space<vmem>> -> memref<128xi32, #tpu.memory_space<vmem>>
    %dma_start3A_66 = arith.constant 0 : i32
    %dma_start3A_67 = arith.constant 0 : i32
    %dma_start3A_68 = tpu.memref_slice %arg2[%dma_start3A_66, %dma_start3A_67] : memref<100000x128xf32, #tpu.memory_space<hbm>> -> memref<100000x128xf32, #tpu.memory_space<hbm>>
    tpu.enqueue_indirect_dma source(%dma_start3A_68 : memref<100000x128xf32, #tpu.memory_space<hbm>>) target(%arg11 : memref<128x128xf32, #tpu.memory_space<vmem>>) offsets(%dma_start3A_65 : memref<128xi32, #tpu.memory_space<vmem>>) semaphore(%arg18 : memref<!tpu.dma_semaphore, #tpu.memory_space<semaphore_mem>>)
    %scan3A_69 = arith.constant 0 : i32
    %scan3A_70 = arith.constant 4 : i32
    %scan3A_71 = arith.addi %scan3A_69, %scan3A_70 : i32
    %scan3A_72 = arith.constant 1 : i32
    %scan3A_73 = scf.for %scan3A_118 = %scan3A_69 to %scan3A_71 step %scan3A_72 iter_args(%scan3A_119 = %scan3A_47) -> (vector<16xf32>)  : i32 {
      %parallel_loop3A = arith.constant 0 : i32
      %parallel_loop3A_120 = arith.constant 32 : i32
      %parallel_loop3A_121 = arith.constant 1 : i32
      scf.for %parallel_loop3A_282 = %parallel_loop3A to %parallel_loop3A_120 step %parallel_loop3A_121  : i32 {
        %parallel_loop3A_283 = arith.constant 32 : i32
        %parallel_loop3A_284 = arith.muli %scan3A_118, %parallel_loop3A_283 : i32
        %parallel_loop3A_285 = arith.addi %parallel_loop3A_284, %parallel_loop3A_282 : i32
        %parallel_loop3A_286 = arith.constant 0.000000e+00 : f32
        %parallel_loop3A_287 = vector.broadcast %parallel_loop3A_286 : f32 to vector<16xf32>
        %parallel_loop3A_288 = arith.constant 0.000000e+00 : f32
        %parallel_loop3A_289 = vector.broadcast %parallel_loop3A_288 : f32 to vector<16xf32>
        %parallel_loop3A_290 = arith.constant 0.000000e+00 : f32
        %parallel_loop3A_291 = vector.broadcast %parallel_loop3A_290 : f32 to vector<16xf32>
        %parallel_loop3A_292 = arith.index_cast %parallel_loop3A_285 : i32 to index
        %parallel_loop3A_293 = arith.constant 0 : index
        %parallel_loop3A_294 = tpu.vector_load %arg12[%parallel_loop3A_292, %parallel_loop3A_293] {strides = array<i32>} : memref<128x128xf32, #tpu.memory_space<vmem>>, vector<16xf32>,
        %parallel_loop3A_295 = arith.index_cast %parallel_loop3A_285 : i32 to index
        %parallel_loop3A_296 = arith.constant 0 : index
        %parallel_loop3A_297 = tpu.vector_load %arg13[%parallel_loop3A_295, %parallel_loop3A_296] {strides = array<i32>} : memref<128x128xf32, #tpu.memory_space<vmem>>, vector<16xf32>,
        %parallel_loop3A_298 = arith.mulf %parallel_loop3A_294, %parallel_loop3A_297 : vector<16xf32>
        %parallel_loop3A_299 = arith.addf %parallel_loop3A_287, %parallel_loop3A_298 : vector<16xf32>
        %parallel_loop3A_300 = arith.mulf %parallel_loop3A_294, %parallel_loop3A_294 : vector<16xf32>
        %parallel_loop3A_301 = arith.addf %parallel_loop3A_289, %parallel_loop3A_300 : vector<16xf32>
        %parallel_loop3A_302 = arith.mulf %parallel_loop3A_297, %parallel_loop3A_297 : vector<16xf32>
        %parallel_loop3A_303 = arith.addf %parallel_loop3A_291, %parallel_loop3A_302 : vector<16xf32>
        %parallel_loop3A_304 = arith.index_cast %parallel_loop3A_285 : i32 to index
        %parallel_loop3A_305 = arith.constant 16 : index
        %parallel_loop3A_306 = tpu.vector_load %arg12[%parallel_loop3A_304, %parallel_loop3A_305] {strides = array<i32>} : memref<128x128xf32, #tpu.memory_space<vmem>>, vector<16xf32>,
        %parallel_loop3A_307 = arith.index_cast %parallel_loop3A_285 : i32 to index
        %parallel_loop3A_308 = arith.constant 16 : index
        %parallel_loop3A_309 = tpu.vector_load %arg13[%parallel_loop3A_307, %parallel_loop3A_308] {strides = array<i32>} : memref<128x128xf32, #tpu.memory_space<vmem>>, vector<16xf32>,
        %parallel_loop3A_310 = arith.mulf %parallel_loop3A_306, %parallel_loop3A_309 : vector<16xf32>
        %parallel_loop3A_311 = arith.addf %parallel_loop3A_299, %parallel_loop3A_310 : vector<16xf32>
        %parallel_loop3A_312 = arith.mulf %parallel_loop3A_306, %parallel_loop3A_306 : vector<16xf32>
        %parallel_loop3A_313 = arith.addf %parallel_loop3A_301, %parallel_loop3A_312 : vector<16xf32>
        %parallel_loop3A_314 = arith.mulf %parallel_loop3A_309, %parallel_loop3A_309 : vector<16xf32>
        %parallel_loop3A_315 = arith.addf %parallel_loop3A_303, %parallel_loop3A_314 : vector<16xf32>
        %parallel_loop3A_316 = arith.index_cast %parallel_loop3A_285 : i32 to index
        %parallel_loop3A_317 = arith.constant 32 : index
        %parallel_loop3A_318 = tpu.vector_load %arg12[%parallel_loop3A_316, %parallel_loop3A_317] {strides = array<i32>} : memref<128x128xf32, #tpu.memory_space<vmem>>, vector<16xf32>,
        %parallel_loop3A_319 = arith.index_cast %parallel_loop3A_285 : i32 to index
        %parallel_loop3A_320 = arith.constant 32 : index
        %parallel_loop3A_321 = tpu.vector_load %arg13[%parallel_loop3A_319, %parallel_loop3A_320] {strides = array<i32>} : memref<128x128xf32, #tpu.memory_space<vmem>>, vector<16xf32>,
        %parallel_loop3A_322 = arith.mulf %parallel_loop3A_318, %parallel_loop3A_321 : vector<16xf32>
        %parallel_loop3A_323 = arith.addf %parallel_loop3A_311, %parallel_loop3A_322 : vector<16xf32>
        %parallel_loop3A_324 = arith.mulf %parallel_loop3A_318, %parallel_loop3A_318 : vector<16xf32>
        %parallel_loop3A_325 = arith.addf %parallel_loop3A_313, %parallel_loop3A_324 : vector<16xf32>
        %parallel_loop3A_326 = arith.mulf %parallel_loop3A_321, %parallel_loop3A_321 : vector<16xf32>
        %parallel_loop3A_327 = arith.addf %parallel_loop3A_315, %parallel_loop3A_326 : vector<16xf32>
        %parallel_loop3A_328 = arith.index_cast %parallel_loop3A_285 : i32 to index
        %parallel_loop3A_329 = arith.constant 48 : index
        %parallel_loop3A_330 = tpu.vector_load %arg12[%parallel_loop3A_328, %parallel_loop3A_329] {strides = array<i32>} : memref<128x128xf32, #tpu.memory_space<vmem>>, vector<16xf32>,
        %parallel_loop3A_331 = arith.index_cast %parallel_loop3A_285 : i32 to index
        %parallel_loop3A_332 = arith.constant 48 : index
        %parallel_loop3A_333 = tpu.vector_load %arg13[%parallel_loop3A_331, %parallel_loop3A_332] {strides = array<i32>} : memref<128x128xf32, #tpu.memory_space<vmem>>, vector<16xf32>,
        %parallel_loop3A_334 = arith.mulf %parallel_loop3A_330, %parallel_loop3A_333 : vector<16xf32>
        %parallel_loop3A_335 = arith.addf %parallel_loop3A_323, %parallel_loop3A_334 : vector<16xf32>
        %parallel_loop3A_336 = arith.mulf %parallel_loop3A_330, %parallel_loop3A_330 : vector<16xf32>
        %parallel_loop3A_337 = arith.addf %parallel_loop3A_325, %parallel_loop3A_336 : vector<16xf32>
        %parallel_loop3A_338 = arith.mulf %parallel_loop3A_333, %parallel_loop3A_333 : vector<16xf32>
        %parallel_loop3A_339 = arith.addf %parallel_loop3A_327, %parallel_loop3A_338 : vector<16xf32>
        %parallel_loop3A_340 = arith.index_cast %parallel_loop3A_285 : i32 to index
        %parallel_loop3A_341 = arith.constant 64 : index
        %parallel_loop3A_342 = tpu.vector_load %arg12[%parallel_loop3A_340, %parallel_loop3A_341] {strides = array<i32>} : memref<128x128xf32, #tpu.memory_space<vmem>>, vector<16xf32>,
        %parallel_loop3A_343 = arith.index_cast %parallel_loop3A_285 : i32 to index
        %parallel_loop3A_344 = arith.constant 64 : index
        %parallel_loop3A_345 = tpu.vector_load %arg13[%parallel_loop3A_343, %parallel_loop3A_344] {strides = array<i32>} : memref<128x128xf32, #tpu.memory_space<vmem>>, vector<16xf32>,
        %parallel_loop3A_346 = arith.mulf %parallel_loop3A_342, %parallel_loop3A_345 : vector<16xf32>
        %parallel_loop3A_347 = arith.addf %parallel_loop3A_335, %parallel_loop3A_346 : vector<16xf32>
        %parallel_loop3A_348 = arith.mulf %parallel_loop3A_342, %parallel_loop3A_342 : vector<16xf32>
        %parallel_loop3A_349 = arith.addf %parallel_loop3A_337, %parallel_loop3A_348 : vector<16xf32>
        %parallel_loop3A_350 = arith.mulf %parallel_loop3A_345, %parallel_loop3A_345 : vector<16xf32>
        %parallel_loop3A_351 = arith.addf %parallel_loop3A_339, %parallel_loop3A_350 : vector<16xf32>
        %parallel_loop3A_352 = arith.index_cast %parallel_loop3A_285 : i32 to index
        %parallel_loop3A_353 = arith.constant 80 : index
        %parallel_loop3A_354 = tpu.vector_load %arg12[%parallel_loop3A_352, %parallel_loop3A_353] {strides = array<i32>} : memref<128x128xf32, #tpu.memory_space<vmem>>, vector<16xf32>,
        %parallel_loop3A_355 = arith.index_cast %parallel_loop3A_285 : i32 to index
        %parallel_loop3A_356 = arith.constant 80 : index
        %parallel_loop3A_357 = tpu.vector_load %arg13[%parallel_loop3A_355, %parallel_loop3A_356] {strides = array<i32>} : memref<128x128xf32, #tpu.memory_space<vmem>>, vector<16xf32>,
        %parallel_loop3A_358 = arith.mulf %parallel_loop3A_354, %parallel_loop3A_357 : vector<16xf32>
        %parallel_loop3A_359 = arith.addf %parallel_loop3A_347, %parallel_loop3A_358 : vector<16xf32>
        %parallel_loop3A_360 = arith.mulf %parallel_loop3A_354, %parallel_loop3A_354 : vector<16xf32>
        %parallel_loop3A_361 = arith.addf %parallel_loop3A_349, %parallel_loop3A_360 : vector<16xf32>
        %parallel_loop3A_362 = arith.mulf %parallel_loop3A_357, %parallel_loop3A_357 : vector<16xf32>
        %parallel_loop3A_363 = arith.addf %parallel_loop3A_351, %parallel_loop3A_362 : vector<16xf32>
        %parallel_loop3A_364 = arith.index_cast %parallel_loop3A_285 : i32 to index
        %parallel_loop3A_365 = arith.constant 96 : index
        %parallel_loop3A_366 = tpu.vector_load %arg12[%parallel_loop3A_364, %parallel_loop3A_365] {strides = array<i32>} : memref<128x128xf32, #tpu.memory_space<vmem>>, vector<16xf32>,
        %parallel_loop3A_367 = arith.index_cast %parallel_loop3A_285 : i32 to index
        %parallel_loop3A_368 = arith.constant 96 : index
        %parallel_loop3A_369 = tpu.vector_load %arg13[%parallel_loop3A_367, %parallel_loop3A_368] {strides = array<i32>} : memref<128x128xf32, #tpu.memory_space<vmem>>, vector<16xf32>,
        %parallel_loop3A_370 = arith.mulf %parallel_loop3A_366, %parallel_loop3A_369 : vector<16xf32>
        %parallel_loop3A_371 = arith.addf %parallel_loop3A_359, %parallel_loop3A_370 : vector<16xf32>
        %parallel_loop3A_372 = arith.mulf %parallel_loop3A_366, %parallel_loop3A_366 : vector<16xf32>
        %parallel_loop3A_373 = arith.addf %parallel_loop3A_361, %parallel_loop3A_372 : vector<16xf32>
        %parallel_loop3A_374 = arith.mulf %parallel_loop3A_369, %parallel_loop3A_369 : vector<16xf32>
        %parallel_loop3A_375 = arith.addf %parallel_loop3A_363, %parallel_loop3A_374 : vector<16xf32>
        %parallel_loop3A_376 = arith.index_cast %parallel_loop3A_285 : i32 to index
        %parallel_loop3A_377 = arith.constant 112 : index
        %parallel_loop3A_378 = tpu.vector_load %arg12[%parallel_loop3A_376, %parallel_loop3A_377] {strides = array<i32>} : memref<128x128xf32, #tpu.memory_space<vmem>>, vector<16xf32>,
        %parallel_loop3A_379 = arith.index_cast %parallel_loop3A_285 : i32 to index
        %parallel_loop3A_380 = arith.constant 112 : index
        %parallel_loop3A_381 = tpu.vector_load %arg13[%parallel_loop3A_379, %parallel_loop3A_380] {strides = array<i32>} : memref<128x128xf32, #tpu.memory_space<vmem>>, vector<16xf32>,
        %parallel_loop3A_382 = arith.mulf %parallel_loop3A_378, %parallel_loop3A_381 : vector<16xf32>
        %parallel_loop3A_383 = arith.addf %parallel_loop3A_371, %parallel_loop3A_382 : vector<16xf32>
        %parallel_loop3A_384 = arith.mulf %parallel_loop3A_378, %parallel_loop3A_378 : vector<16xf32>
        %parallel_loop3A_385 = arith.addf %parallel_loop3A_373, %parallel_loop3A_384 : vector<16xf32>
        %parallel_loop3A_386 = arith.mulf %parallel_loop3A_381, %parallel_loop3A_381 : vector<16xf32>
        %parallel_loop3A_387 = arith.addf %parallel_loop3A_375, %parallel_loop3A_386 : vector<16xf32>
        %parallel_loop3A_388 = arith.index_cast %parallel_loop3A_282 : i32 to index
        %parallel_loop3A_389 = arith.constant 0 : index
        %parallel_loop3A_390 = tpu.vector_load %arg14[%parallel_loop3A_388, %parallel_loop3A_389] {strides = array<i32>} : memref<32x17xf32, #tpu.memory_space<vmem>>, vector<16xf32>,
        tpu.vector_store %arg14[%parallel_loop3A_388, %parallel_loop3A_389], %parallel_loop3A_383 {strides = array<i32>} : memref<32x17xf32, #tpu.memory_space<vmem>>, vector<16xf32>,
        %parallel_loop3A_391 = arith.index_cast %parallel_loop3A_282 : i32 to index
        %parallel_loop3A_392 = arith.constant 0 : index
        %parallel_loop3A_393 = tpu.vector_load %arg15[%parallel_loop3A_391, %parallel_loop3A_392] {strides = array<i32>} : memref<32x17xf32, #tpu.memory_space<vmem>>, vector<16xf32>,
        tpu.vector_store %arg15[%parallel_loop3A_391, %parallel_loop3A_392], %parallel_loop3A_385 {strides = array<i32>} : memref<32x17xf32, #tpu.memory_space<vmem>>, vector<16xf32>,
        %parallel_loop3A_394 = arith.index_cast %parallel_loop3A_282 : i32 to index
        %parallel_loop3A_395 = arith.constant 0 : index
        %parallel_loop3A_396 = tpu.vector_load %arg16[%parallel_loop3A_394, %parallel_loop3A_395] {strides = array<i32>} : memref<32x17xf32, #tpu.memory_space<vmem>>, vector<16xf32>,
        tpu.vector_store %arg16[%parallel_loop3A_394, %parallel_loop3A_395], %parallel_loop3A_387 {strides = array<i32>} : memref<32x17xf32, #tpu.memory_space<vmem>>, vector<16xf32>,
      } {sc.loop_unroll_factor = 4 : i64, sc.parallel_access}
      %iota3A = tpu.iota {dimensions = array<i32: 0>} : vector<16xi32>
      %add3A_122 = arith.constant 0 : i32
      %add3A_123 = vector.broadcast %add3A_122 : i32 to vector<16xi32>
      %add3A_124 = arith.addi %iota3A, %add3A_123 : vector<16xi32>
      %broadcast_in_dim3A_125 = arith.constant 0.000000e+00 : f32
      %broadcast_in_dim3A_126 = vector.broadcast %broadcast_in_dim3A_125 : f32 to vector<16xf32>
      %parallel_loop3A_127 = arith.constant 0 : i32
      %parallel_loop3A_128 = arith.constant 16 : i32
      %parallel_loop3A_129 = arith.constant 1 : i32
      %parallel_loop3A_130:3 = scf.for %parallel_loop3A_282 = %parallel_loop3A_127 to %parallel_loop3A_128 step %parallel_loop3A_129 iter_args(%parallel_loop3A_283 = %broadcast_in_dim3A_126, %parallel_loop3A_284 = %broadcast_in_dim3A_126, %parallel_loop3A_285 = %broadcast_in_dim3A_126) -> (vector<16xf32>, vector<16xf32>, vector<16xf32>)  : i32 {
        %parallel_loop3A_286 = arith.constant 0 : i32
        %parallel_loop3A_287 = vector.broadcast %parallel_loop3A_286 : i32 to vector<16xi32>
        %parallel_loop3A_288 = vector.broadcast %parallel_loop3A_282 : i32 to vector<16xi32>
        %parallel_loop3A_289 = arith.addi %parallel_loop3A_287, %parallel_loop3A_288 : vector<16xi32>
        %parallel_loop3A_290 = tpu.vector_load_idx %arg14[%add3A_124, %parallel_loop3A_289] : memref<32x17xf32, #tpu.memory_space<vmem>>[vector<16xi32>, vector<16xi32>], vector<16xf32>,
        %parallel_loop3A_291 = arith.addf %parallel_loop3A_283, %parallel_loop3A_290 : vector<16xf32>
        %parallel_loop3A_292 = tpu.vector_load_idx %arg15[%add3A_124, %parallel_loop3A_289] : memref<32x17xf32, #tpu.memory_space<vmem>>[vector<16xi32>, vector<16xi32>], vector<16xf32>,
        %parallel_loop3A_293 = arith.addf %parallel_loop3A_284, %parallel_loop3A_292 : vector<16xf32>
        %parallel_loop3A_294 = tpu.vector_load_idx %arg16[%add3A_124, %parallel_loop3A_289] : memref<32x17xf32, #tpu.memory_space<vmem>>[vector<16xi32>, vector<16xi32>], vector<16xf32>,
        %parallel_loop3A_295 = arith.addf %parallel_loop3A_285, %parallel_loop3A_294 : vector<16xf32>
        scf.yield %parallel_loop3A_291, %parallel_loop3A_293, %parallel_loop3A_295 : vector<16xf32>, vector<16xf32>, vector<16xf32>
      } {sc.loop_unroll_factor = 4 : i64, sc.parallel_access}
      %max3A = arith.constant 1.000000e-16 : f32
      %max3A_131 = vector.broadcast %max3A : f32 to vector<16xf32>
      %max3A_132 = arith.maximumf %parallel_loop3A_130#1, %max3A_131 : vector<16xf32>
      %max3A_133 = arith.constant 1.000000e-16 : f32
      %max3A_134 = vector.broadcast %max3A_133 : f32 to vector<16xf32>
      %max3A_135 = arith.maximumf %parallel_loop3A_130#2, %max3A_134 : vector<16xf32>
      %mul3A_136 = arith.mulf %max3A_132, %max3A_135 : vector<16xf32>
      %bitcast3A = vector.bitcast %mul3A_136 : vector<16xf32> to vector<16xi32>
      %shift_right_arithmetic3A = arith.constant 1 : i32
      %shift_right_arithmetic3A_137 = vector.broadcast %shift_right_arithmetic3A : i32 to vector<16xi32>
      %shift_right_arithmetic3A_138 = arith.shrsi %bitcast3A, %shift_right_arithmetic3A_137 : vector<16xi32>
      %sub3A = arith.constant 1597463007 : i32
      %sub3A_139 = vector.broadcast %sub3A : i32 to vector<16xi32>
      %sub3A_140 = arith.subi %sub3A_139, %shift_right_arithmetic3A_138 : vector<16xi32>
      %bitcast3A_141 = vector.bitcast %sub3A_140 : vector<16xi32> to vector<16xf32>
      %mul3A_142 = arith.constant 5.000000e-01 : f32
      %mul3A_143 = vector.broadcast %mul3A_142 : f32 to vector<16xf32>
      %mul3A_144 = arith.mulf %mul3A_143, %mul3A_136 : vector<16xf32>
      %mul3A_145 = arith.mulf %mul3A_144, %bitcast3A_141 : vector<16xf32>
      %mul3A_146 = arith.mulf %mul3A_145, %bitcast3A_141 : vector<16xf32>
      %sub3A_147 = arith.constant 1.500000e+00 : f32
      %sub3A_148 = vector.broadcast %sub3A_147 : f32 to vector<16xf32>
      %sub3A_149 = arith.subf %sub3A_148, %mul3A_146 : vector<16xf32>
      %mul3A_150 = arith.mulf %bitcast3A_141, %sub3A_149 : vector<16xf32>
      %mul3A_151 = arith.constant 5.000000e-01 : f32
      %mul3A_152 = vector.broadcast %mul3A_151 : f32 to vector<16xf32>
      %mul3A_153 = arith.mulf %mul3A_152, %mul3A_136 : vector<16xf32>
      %mul3A_154 = arith.mulf %mul3A_153, %mul3A_150 : vector<16xf32>
      %mul3A_155 = arith.mulf %mul3A_154, %mul3A_150 : vector<16xf32>
      %sub3A_156 = arith.constant 1.500000e+00 : f32
      %sub3A_157 = vector.broadcast %sub3A_156 : f32 to vector<16xf32>
      %sub3A_158 = arith.subf %sub3A_157, %mul3A_155 : vector<16xf32>
      %mul3A_159 = arith.mulf %mul3A_150, %sub3A_158 : vector<16xf32>
      %mul3A_160 = arith.constant 5.000000e-01 : f32
      %mul3A_161 = vector.broadcast %mul3A_160 : f32 to vector<16xf32>
      %mul3A_162 = arith.mulf %mul3A_161, %mul3A_136 : vector<16xf32>
      %mul3A_163 = arith.mulf %mul3A_162, %mul3A_159 : vector<16xf32>
      %mul3A_164 = arith.mulf %mul3A_163, %mul3A_159 : vector<16xf32>
      %sub3A_165 = arith.constant 1.500000e+00 : f32
      %sub3A_166 = vector.broadcast %sub3A_165 : f32 to vector<16xf32>
      %sub3A_167 = arith.subf %sub3A_166, %mul3A_164 : vector<16xf32>
      %mul3A_168 = arith.mulf %mul3A_159, %sub3A_167 : vector<16xf32>
      %mul3A_169 = arith.mulf %parallel_loop3A_130#0, %mul3A_168 : vector<16xf32>
      %sub3A_170 = arith.constant 1.000000e+00 : f32
      %sub3A_171 = vector.broadcast %sub3A_170 : f32 to vector<16xf32>
      %sub3A_172 = arith.subf %sub3A_171, %mul3A_169 : vector<16xf32>
      %mul3A_173 = arith.constant 2 : i32
      %mul3A_174 = arith.muli %scan3A_118, %mul3A_173 : i32
      %mul3A_175 = arith.constant 16 : i32
      %mul3A_176 = arith.muli %mul3A_174, %mul3A_175 : i32
      %add3A_177 = arith.constant 128 : i32
      %add3A_178 = arith.addi %add3A_177, %mul3A_176 : i32
      %add3A_179 = arith.constant 0 : i32
      %add3A_180 = arith.addi %add3A_178, %add3A_179 : i32
      %get3A = arith.index_cast %add3A_180 : i32 to index
      %get3A_181 = tpu.vector_load %arg9[%get3A] {strides = array<i32>} : memref<512xf32, #tpu.memory_space<vmem>>, vector<16xf32>,
      %mul3A_182 = arith.mulf %get3A_181, %sub3A_172 : vector<16xf32>
      %sub3A_183 = arith.constant 1.000000e+00 : f32
      %sub3A_184 = vector.broadcast %sub3A_183 : f32 to vector<16xf32>
      %sub3A_185 = arith.subf %sub3A_184, %get3A_181 : vector<16xf32>
      %sub3A_186 = arith.constant 5.000000e-01 : f32
      %sub3A_187 = vector.broadcast %sub3A_186 : f32 to vector<16xf32>
      %sub3A_188 = arith.subf %sub3A_187, %sub3A_172 : vector<16xf32>
      %max3A_189 = arith.constant 0.000000e+00 : f32
      %max3A_190 = vector.broadcast %max3A_189 : f32 to vector<16xf32>
      %max3A_191 = arith.maximumf %max3A_190, %sub3A_188 : vector<16xf32>
      %mul3A_192 = arith.mulf %sub3A_185, %max3A_191 : vector<16xf32>
      %add3A_193 = arith.addf %mul3A_182, %mul3A_192 : vector<16xf32>
      %mul3A_194 = arith.mulf %add3A_193, %add3A_193 : vector<16xf32>
      %mul3A_195 = arith.constant 3.05175781E-5 : f32
      %mul3A_196 = vector.broadcast %mul3A_195 : f32 to vector<16xf32>
      %mul3A_197 = arith.mulf %mul3A_196, %mul3A_194 : vector<16xf32>
      %add3A_198 = arith.addf %scan3A_119, %mul3A_197 : vector<16xf32>
      %iota3A_199 = tpu.iota {dimensions = array<i32: 0>} : vector<16xi32>
      %add3A_200 = arith.constant 16 : i32
      %add3A_201 = vector.broadcast %add3A_200 : i32 to vector<16xi32>
      %add3A_202 = arith.addi %iota3A_199, %add3A_201 : vector<16xi32>
      %broadcast_in_dim3A_203 = arith.constant 0.000000e+00 : f32
      %broadcast_in_dim3A_204 = vector.broadcast %broadcast_in_dim3A_203 : f32 to vector<16xf32>
      %parallel_loop3A_205 = arith.constant 0 : i32
      %parallel_loop3A_206 = arith.constant 16 : i32
      %parallel_loop3A_207 = arith.constant 1 : i32
      %parallel_loop3A_208:3 = scf.for %parallel_loop3A_282 = %parallel_loop3A_205 to %parallel_loop3A_206 step %parallel_loop3A_207 iter_args(%parallel_loop3A_283 = %broadcast_in_dim3A_204, %parallel_loop3A_284 = %broadcast_in_dim3A_204, %parallel_loop3A_285 = %broadcast_in_dim3A_204) -> (vector<16xf32>, vector<16xf32>, vector<16xf32>)  : i32 {
        %parallel_loop3A_286 = arith.constant 0 : i32
        %parallel_loop3A_287 = vector.broadcast %parallel_loop3A_286 : i32 to vector<16xi32>
        %parallel_loop3A_288 = vector.broadcast %parallel_loop3A_282 : i32 to vector<16xi32>
        %parallel_loop3A_289 = arith.addi %parallel_loop3A_287, %parallel_loop3A_288 : vector<16xi32>
        %parallel_loop3A_290 = tpu.vector_load_idx %arg14[%add3A_202, %parallel_loop3A_289] : memref<32x17xf32, #tpu.memory_space<vmem>>[vector<16xi32>, vector<16xi32>], vector<16xf32>,
        %parallel_loop3A_291 = arith.addf %parallel_loop3A_283, %parallel_loop3A_290 : vector<16xf32>
        %parallel_loop3A_292 = tpu.vector_load_idx %arg15[%add3A_202, %parallel_loop3A_289] : memref<32x17xf32, #tpu.memory_space<vmem>>[vector<16xi32>, vector<16xi32>], vector<16xf32>,
        %parallel_loop3A_293 = arith.addf %parallel_loop3A_284, %parallel_loop3A_292 : vector<16xf32>
        %parallel_loop3A_294 = tpu.vector_load_idx %arg16[%add3A_202, %parallel_loop3A_289] : memref<32x17xf32, #tpu.memory_space<vmem>>[vector<16xi32>, vector<16xi32>], vector<16xf32>,
        %parallel_loop3A_295 = arith.addf %parallel_loop3A_285, %parallel_loop3A_294 : vector<16xf32>
        scf.yield %parallel_loop3A_291, %parallel_loop3A_293, %parallel_loop3A_295 : vector<16xf32>, vector<16xf32>, vector<16xf32>
      } {sc.loop_unroll_factor = 4 : i64, sc.parallel_access}
      %max3A_209 = arith.constant 1.000000e-16 : f32
      %max3A_210 = vector.broadcast %max3A_209 : f32 to vector<16xf32>
      %max3A_211 = arith.maximumf %parallel_loop3A_208#1, %max3A_210 : vector<16xf32>
      %max3A_212 = arith.constant 1.000000e-16 : f32
      %max3A_213 = vector.broadcast %max3A_212 : f32 to vector<16xf32>
      %max3A_214 = arith.maximumf %parallel_loop3A_208#2, %max3A_213 : vector<16xf32>
      %mul3A_215 = arith.mulf %max3A_211, %max3A_214 : vector<16xf32>
      %bitcast3A_216 = vector.bitcast %mul3A_215 : vector<16xf32> to vector<16xi32>
      %shift_right_arithmetic3A_217 = arith.constant 1 : i32
      %shift_right_arithmetic3A_218 = vector.broadcast %shift_right_arithmetic3A_217 : i32 to vector<16xi32>
      %shift_right_arithmetic3A_219 = arith.shrsi %bitcast3A_216, %shift_right_arithmetic3A_218 : vector<16xi32>
      %sub3A_220 = arith.constant 1597463007 : i32
      %sub3A_221 = vector.broadcast %sub3A_220 : i32 to vector<16xi32>
      %sub3A_222 = arith.subi %sub3A_221, %shift_right_arithmetic3A_219 : vector<16xi32>
      %bitcast3A_223 = vector.bitcast %sub3A_222 : vector<16xi32> to vector<16xf32>
      %mul3A_224 = arith.constant 5.000000e-01 : f32
      %mul3A_225 = vector.broadcast %mul3A_224 : f32 to vector<16xf32>
      %mul3A_226 = arith.mulf %mul3A_225, %mul3A_215 : vector<16xf32>
      %mul3A_227 = arith.mulf %mul3A_226, %bitcast3A_223 : vector<16xf32>
      %mul3A_228 = arith.mulf %mul3A_227, %bitcast3A_223 : vector<16xf32>
      %sub3A_229 = arith.constant 1.500000e+00 : f32
      %sub3A_230 = vector.broadcast %sub3A_229 : f32 to vector<16xf32>
      %sub3A_231 = arith.subf %sub3A_230, %mul3A_228 : vector<16xf32>
      %mul3A_232 = arith.mulf %bitcast3A_223, %sub3A_231 : vector<16xf32>
      %mul3A_233 = arith.constant 5.000000e-01 : f32
      %mul3A_234 = vector.broadcast %mul3A_233 : f32 to vector<16xf32>
      %mul3A_235 = arith.mulf %mul3A_234, %mul3A_215 : vector<16xf32>
      %mul3A_236 = arith.mulf %mul3A_235, %mul3A_232 : vector<16xf32>
      %mul3A_237 = arith.mulf %mul3A_236, %mul3A_232 : vector<16xf32>
      %sub3A_238 = arith.constant 1.500000e+00 : f32
      %sub3A_239 = vector.broadcast %sub3A_238 : f32 to vector<16xf32>
      %sub3A_240 = arith.subf %sub3A_239, %mul3A_237 : vector<16xf32>
      %mul3A_241 = arith.mulf %mul3A_232, %sub3A_240 : vector<16xf32>
      %mul3A_242 = arith.constant 5.000000e-01 : f32
      %mul3A_243 = vector.broadcast %mul3A_242 : f32 to vector<16xf32>
      %mul3A_244 = arith.mulf %mul3A_243, %mul3A_215 : vector<16xf32>
      %mul3A_245 = arith.mulf %mul3A_244, %mul3A_241 : vector<16xf32>
      %mul3A_246 = arith.mulf %mul3A_245, %mul3A_241 : vector<16xf32>
      %sub3A_247 = arith.constant 1.500000e+00 : f32
      %sub3A_248 = vector.broadcast %sub3A_247 : f32 to vector<16xf32>
      %sub3A_249 = arith.subf %sub3A_248, %mul3A_246 : vector<16xf32>
      %mul3A_250 = arith.mulf %mul3A_241, %sub3A_249 : vector<16xf32>
      %mul3A_251 = arith.mulf %parallel_loop3A_208#0, %mul3A_250 : vector<16xf32>
      %sub3A_252 = arith.constant 1.000000e+00 : f32
      %sub3A_253 = vector.broadcast %sub3A_252 : f32 to vector<16xf32>
      %sub3A_254 = arith.subf %sub3A_253, %mul3A_251 : vector<16xf32>
      %mul3A_255 = arith.constant 2 : i32
      %mul3A_256 = arith.muli %scan3A_118, %mul3A_255 : i32
      %mul3A_257 = arith.constant 16 : i32
      %mul3A_258 = arith.muli %mul3A_256, %mul3A_257 : i32
      %add3A_259 = arith.constant 128 : i32
      %add3A_260 = arith.addi %add3A_259, %mul3A_258 : i32
      %add3A_261 = arith.constant 16 : i32
      %add3A_262 = arith.addi %add3A_260, %add3A_261 : i32
      %get3A_263 = arith.index_cast %add3A_262 : i32 to index
      %get3A_264 = tpu.vector_load %arg9[%get3A_263] {strides = array<i32>} : memref<512xf32, #tpu.memory_space<vmem>>, vector<16xf32>,
      %mul3A_265 = arith.mulf %get3A_264, %sub3A_254 : vector<16xf32>
      %sub3A_266 = arith.constant 1.000000e+00 : f32
      %sub3A_267 = vector.broadcast %sub3A_266 : f32 to vector<16xf32>
      %sub3A_268 = arith.subf %sub3A_267, %get3A_264 : vector<16xf32>
      %sub3A_269 = arith.constant 5.000000e-01 : f32
      %sub3A_270 = vector.broadcast %sub3A_269 : f32 to vector<16xf32>
      %sub3A_271 = arith.subf %sub3A_270, %sub3A_254 : vector<16xf32>
      %max3A_272 = arith.constant 0.000000e+00 : f32
      %max3A_273 = vector.broadcast %max3A_272 : f32 to vector<16xf32>
      %max3A_274 = arith.maximumf %max3A_273, %sub3A_271 : vector<16xf32>
      %mul3A_275 = arith.mulf %sub3A_268, %max3A_274 : vector<16xf32>
      %add3A_276 = arith.addf %mul3A_265, %mul3A_275 : vector<16xf32>
      %mul3A_277 = arith.mulf %add3A_276, %add3A_276 : vector<16xf32>
      %mul3A_278 = arith.constant 3.05175781E-5 : f32
      %mul3A_279 = vector.broadcast %mul3A_278 : f32 to vector<16xf32>
      %mul3A_280 = arith.mulf %mul3A_279, %mul3A_277 : vector<16xf32>
      %add3A_281 = arith.addf %add3A_198, %mul3A_280 : vector<16xf32>
      scf.yield %add3A_281 : vector<16xf32>
    }
    %scan3A_74 = arith.constant 4 : i32
    %dma_wait3A_75 = arith.constant 256 : i32
    %dma_wait3A_76 = tpu.memref_slice %arg7[%dma_wait3A_75] : memref<512xi32, #tpu.memory_space<vmem>> -> memref<128xi32, #tpu.memory_space<vmem>>
    %dma_wait3A_77 = arith.constant 0 : i32
    %dma_wait3A_78 = arith.constant 0 : i32
    %dma_wait3A_79 = tpu.memref_slice %arg2[%dma_wait3A_77, %dma_wait3A_78] : memref<100000x128xf32, #tpu.memory_space<hbm>> -> memref<100000x128xf32, #tpu.memory_space<hbm>>
    tpu.wait_indirect_dma semaphore(%arg18 : memref<!tpu.dma_semaphore, #tpu.memory_space<semaphore_mem>>) src(%dma_wait3A_79 : memref<100000x128xf32, #tpu.memory_space<hbm>>) dst(%arg10 : memref<128x128xf32, #tpu.memory_space<vmem>>)
    %dma_wait3A_80 = arith.constant 256 : i32
    %dma_wait3A_81 = tpu.memref_slice %arg8[%dma_wait3A_80] : memref<512xi32, #tpu.memory_space<vmem>> -> memref<128xi32, #tpu.memory_space<vmem>>
    %dma_wait3A_82 = arith.constant 0 : i32
    %dma_wait3A_83 = arith.constant 0 : i32
    %dma_wait3A_84 = tpu.memref_slice %arg2[%dma_wait3A_82, %dma_wait3A_83] : memref<100000x128xf32, #tpu.memory_space<hbm>> -> memref<100000x128xf32, #tpu.memory_space<hbm>>
    tpu.wait_indirect_dma semaphore(%arg18 : memref<!tpu.dma_semaphore, #tpu.memory_space<semaphore_mem>>) src(%dma_wait3A_84 : memref<100000x128xf32, #tpu.memory_space<hbm>>) dst(%arg11 : memref<128x128xf32, #tpu.memory_space<vmem>>)
    %dma_start3A_85 = arith.constant 384 : i32
    %dma_start3A_86 = tpu.memref_slice %arg7[%dma_start3A_85] : memref<512xi32, #tpu.memory_space<vmem>> -> memref<128xi32, #tpu.memory_space<vmem>>
    %dma_start3A_87 = arith.constant 0 : i32
    %dma_start3A_88 = arith.constant 0 : i32
    %dma_start3A_89 = tpu.memref_slice %arg2[%dma_start3A_87, %dma_start3A_88] : memref<100000x128xf32, #tpu.memory_space<hbm>> -> memref<100000x128xf32, #tpu.memory_space<hbm>>
    tpu.enqueue_indirect_dma source(%dma_start3A_89 : memref<100000x128xf32, #tpu.memory_space<hbm>>) target(%arg12 : memref<128x128xf32, #tpu.memory_space<vmem>>) offsets(%dma_start3A_86 : memref<128xi32, #tpu.memory_space<vmem>>) semaphore(%arg19 : memref<!tpu.dma_semaphore, #tpu.memory_space<semaphore_mem>>)
    %dma_start3A_90 = arith.constant 384 : i32
    %dma_start3A_91 = tpu.memref_slice %arg8[%dma_start3A_90] : memref<512xi32, #tpu.memory_space<vmem>> -> memref<128xi32, #tpu.memory_space<vmem>>
    %dma_start3A_92 = arith.constant 0 : i32
    %dma_start3A_93 = arith.constant 0 : i32
    %dma_start3A_94 = tpu.memref_slice %arg2[%dma_start3A_92, %dma_start3A_93] : memref<100000x128xf32, #tpu.memory_space<hbm>> -> memref<100000x128xf32, #tpu.memory_space<hbm>>
    tpu.enqueue_indirect_dma source(%dma_start3A_94 : memref<100000x128xf32, #tpu.memory_space<hbm>>) target(%arg13 : memref<128x128xf32, #tpu.memory_space<vmem>>) offsets(%dma_start3A_91 : memref<128xi32, #tpu.memory_space<vmem>>) semaphore(%arg19 : memref<!tpu.dma_semaphore, #tpu.memory_space<semaphore_mem>>)
    %scan3A_95 = arith.constant 0 : i32
    %scan3A_96 = arith.constant 4 : i32
    %scan3A_97 = arith.addi %scan3A_95, %scan3A_96 : i32
    %scan3A_98 = arith.constant 1 : i32
    %scan3A_99 = scf.for %scan3A_118 = %scan3A_95 to %scan3A_97 step %scan3A_98 iter_args(%scan3A_119 = %scan3A_73) -> (vector<16xf32>)  : i32 {
      %parallel_loop3A = arith.constant 0 : i32
      %parallel_loop3A_120 = arith.constant 32 : i32
      %parallel_loop3A_121 = arith.constant 1 : i32
      scf.for %parallel_loop3A_282 = %parallel_loop3A to %parallel_loop3A_120 step %parallel_loop3A_121  : i32 {
        %parallel_loop3A_283 = arith.constant 32 : i32
        %parallel_loop3A_284 = arith.muli %scan3A_118, %parallel_loop3A_283 : i32
        %parallel_loop3A_285 = arith.addi %parallel_loop3A_284, %parallel_loop3A_282 : i32
        %parallel_loop3A_286 = arith.constant 0.000000e+00 : f32
        %parallel_loop3A_287 = vector.broadcast %parallel_loop3A_286 : f32 to vector<16xf32>
        %parallel_loop3A_288 = arith.constant 0.000000e+00 : f32
        %parallel_loop3A_289 = vector.broadcast %parallel_loop3A_288 : f32 to vector<16xf32>
        %parallel_loop3A_290 = arith.constant 0.000000e+00 : f32
        %parallel_loop3A_291 = vector.broadcast %parallel_loop3A_290 : f32 to vector<16xf32>
        %parallel_loop3A_292 = arith.index_cast %parallel_loop3A_285 : i32 to index
        %parallel_loop3A_293 = arith.constant 0 : index
        %parallel_loop3A_294 = tpu.vector_load %arg10[%parallel_loop3A_292, %parallel_loop3A_293] {strides = array<i32>} : memref<128x128xf32, #tpu.memory_space<vmem>>, vector<16xf32>,
        %parallel_loop3A_295 = arith.index_cast %parallel_loop3A_285 : i32 to index
        %parallel_loop3A_296 = arith.constant 0 : index
        %parallel_loop3A_297 = tpu.vector_load %arg11[%parallel_loop3A_295, %parallel_loop3A_296] {strides = array<i32>} : memref<128x128xf32, #tpu.memory_space<vmem>>, vector<16xf32>,
        %parallel_loop3A_298 = arith.mulf %parallel_loop3A_294, %parallel_loop3A_297 : vector<16xf32>
        %parallel_loop3A_299 = arith.addf %parallel_loop3A_287, %parallel_loop3A_298 : vector<16xf32>
        %parallel_loop3A_300 = arith.mulf %parallel_loop3A_294, %parallel_loop3A_294 : vector<16xf32>
        %parallel_loop3A_301 = arith.addf %parallel_loop3A_289, %parallel_loop3A_300 : vector<16xf32>
        %parallel_loop3A_302 = arith.mulf %parallel_loop3A_297, %parallel_loop3A_297 : vector<16xf32>
        %parallel_loop3A_303 = arith.addf %parallel_loop3A_291, %parallel_loop3A_302 : vector<16xf32>
        %parallel_loop3A_304 = arith.index_cast %parallel_loop3A_285 : i32 to index
        %parallel_loop3A_305 = arith.constant 16 : index
        %parallel_loop3A_306 = tpu.vector_load %arg10[%parallel_loop3A_304, %parallel_loop3A_305] {strides = array<i32>} : memref<128x128xf32, #tpu.memory_space<vmem>>, vector<16xf32>,
        %parallel_loop3A_307 = arith.index_cast %parallel_loop3A_285 : i32 to index
        %parallel_loop3A_308 = arith.constant 16 : index
        %parallel_loop3A_309 = tpu.vector_load %arg11[%parallel_loop3A_307, %parallel_loop3A_308] {strides = array<i32>} : memref<128x128xf32, #tpu.memory_space<vmem>>, vector<16xf32>,
        %parallel_loop3A_310 = arith.mulf %parallel_loop3A_306, %parallel_loop3A_309 : vector<16xf32>
        %parallel_loop3A_311 = arith.addf %parallel_loop3A_299, %parallel_loop3A_310 : vector<16xf32>
        %parallel_loop3A_312 = arith.mulf %parallel_loop3A_306, %parallel_loop3A_306 : vector<16xf32>
        %parallel_loop3A_313 = arith.addf %parallel_loop3A_301, %parallel_loop3A_312 : vector<16xf32>
        %parallel_loop3A_314 = arith.mulf %parallel_loop3A_309, %parallel_loop3A_309 : vector<16xf32>
        %parallel_loop3A_315 = arith.addf %parallel_loop3A_303, %parallel_loop3A_314 : vector<16xf32>
        %parallel_loop3A_316 = arith.index_cast %parallel_loop3A_285 : i32 to index
        %parallel_loop3A_317 = arith.constant 32 : index
        %parallel_loop3A_318 = tpu.vector_load %arg10[%parallel_loop3A_316, %parallel_loop3A_317] {strides = array<i32>} : memref<128x128xf32, #tpu.memory_space<vmem>>, vector<16xf32>,
        %parallel_loop3A_319 = arith.index_cast %parallel_loop3A_285 : i32 to index
        %parallel_loop3A_320 = arith.constant 32 : index
        %parallel_loop3A_321 = tpu.vector_load %arg11[%parallel_loop3A_319, %parallel_loop3A_320] {strides = array<i32>} : memref<128x128xf32, #tpu.memory_space<vmem>>, vector<16xf32>,
        %parallel_loop3A_322 = arith.mulf %parallel_loop3A_318, %parallel_loop3A_321 : vector<16xf32>
        %parallel_loop3A_323 = arith.addf %parallel_loop3A_311, %parallel_loop3A_322 : vector<16xf32>
        %parallel_loop3A_324 = arith.mulf %parallel_loop3A_318, %parallel_loop3A_318 : vector<16xf32>
        %parallel_loop3A_325 = arith.addf %parallel_loop3A_313, %parallel_loop3A_324 : vector<16xf32>
        %parallel_loop3A_326 = arith.mulf %parallel_loop3A_321, %parallel_loop3A_321 : vector<16xf32>
        %parallel_loop3A_327 = arith.addf %parallel_loop3A_315, %parallel_loop3A_326 : vector<16xf32>
        %parallel_loop3A_328 = arith.index_cast %parallel_loop3A_285 : i32 to index
        %parallel_loop3A_329 = arith.constant 48 : index
        %parallel_loop3A_330 = tpu.vector_load %arg10[%parallel_loop3A_328, %parallel_loop3A_329] {strides = array<i32>} : memref<128x128xf32, #tpu.memory_space<vmem>>, vector<16xf32>,
        %parallel_loop3A_331 = arith.index_cast %parallel_loop3A_285 : i32 to index
        %parallel_loop3A_332 = arith.constant 48 : index
        %parallel_loop3A_333 = tpu.vector_load %arg11[%parallel_loop3A_331, %parallel_loop3A_332] {strides = array<i32>} : memref<128x128xf32, #tpu.memory_space<vmem>>, vector<16xf32>,
        %parallel_loop3A_334 = arith.mulf %parallel_loop3A_330, %parallel_loop3A_333 : vector<16xf32>
        %parallel_loop3A_335 = arith.addf %parallel_loop3A_323, %parallel_loop3A_334 : vector<16xf32>
        %parallel_loop3A_336 = arith.mulf %parallel_loop3A_330, %parallel_loop3A_330 : vector<16xf32>
        %parallel_loop3A_337 = arith.addf %parallel_loop3A_325, %parallel_loop3A_336 : vector<16xf32>
        %parallel_loop3A_338 = arith.mulf %parallel_loop3A_333, %parallel_loop3A_333 : vector<16xf32>
        %parallel_loop3A_339 = arith.addf %parallel_loop3A_327, %parallel_loop3A_338 : vector<16xf32>
        %parallel_loop3A_340 = arith.index_cast %parallel_loop3A_285 : i32 to index
        %parallel_loop3A_341 = arith.constant 64 : index
        %parallel_loop3A_342 = tpu.vector_load %arg10[%parallel_loop3A_340, %parallel_loop3A_341] {strides = array<i32>} : memref<128x128xf32, #tpu.memory_space<vmem>>, vector<16xf32>,
        %parallel_loop3A_343 = arith.index_cast %parallel_loop3A_285 : i32 to index
        %parallel_loop3A_344 = arith.constant 64 : index
        %parallel_loop3A_345 = tpu.vector_load %arg11[%parallel_loop3A_343, %parallel_loop3A_344] {strides = array<i32>} : memref<128x128xf32, #tpu.memory_space<vmem>>, vector<16xf32>,
        %parallel_loop3A_346 = arith.mulf %parallel_loop3A_342, %parallel_loop3A_345 : vector<16xf32>
        %parallel_loop3A_347 = arith.addf %parallel_loop3A_335, %parallel_loop3A_346 : vector<16xf32>
        %parallel_loop3A_348 = arith.mulf %parallel_loop3A_342, %parallel_loop3A_342 : vector<16xf32>
        %parallel_loop3A_349 = arith.addf %parallel_loop3A_337, %parallel_loop3A_348 : vector<16xf32>
        %parallel_loop3A_350 = arith.mulf %parallel_loop3A_345, %parallel_loop3A_345 : vector<16xf32>
        %parallel_loop3A_351 = arith.addf %parallel_loop3A_339, %parallel_loop3A_350 : vector<16xf32>
        %parallel_loop3A_352 = arith.index_cast %parallel_loop3A_285 : i32 to index
        %parallel_loop3A_353 = arith.constant 80 : index
        %parallel_loop3A_354 = tpu.vector_load %arg10[%parallel_loop3A_352, %parallel_loop3A_353] {strides = array<i32>} : memref<128x128xf32, #tpu.memory_space<vmem>>, vector<16xf32>,
        %parallel_loop3A_355 = arith.index_cast %parallel_loop3A_285 : i32 to index
        %parallel_loop3A_356 = arith.constant 80 : index
        %parallel_loop3A_357 = tpu.vector_load %arg11[%parallel_loop3A_355, %parallel_loop3A_356] {strides = array<i32>} : memref<128x128xf32, #tpu.memory_space<vmem>>, vector<16xf32>,
        %parallel_loop3A_358 = arith.mulf %parallel_loop3A_354, %parallel_loop3A_357 : vector<16xf32>
        %parallel_loop3A_359 = arith.addf %parallel_loop3A_347, %parallel_loop3A_358 : vector<16xf32>
        %parallel_loop3A_360 = arith.mulf %parallel_loop3A_354, %parallel_loop3A_354 : vector<16xf32>
        %parallel_loop3A_361 = arith.addf %parallel_loop3A_349, %parallel_loop3A_360 : vector<16xf32>
        %parallel_loop3A_362 = arith.mulf %parallel_loop3A_357, %parallel_loop3A_357 : vector<16xf32>
        %parallel_loop3A_363 = arith.addf %parallel_loop3A_351, %parallel_loop3A_362 : vector<16xf32>
        %parallel_loop3A_364 = arith.index_cast %parallel_loop3A_285 : i32 to index
        %parallel_loop3A_365 = arith.constant 96 : index
        %parallel_loop3A_366 = tpu.vector_load %arg10[%parallel_loop3A_364, %parallel_loop3A_365] {strides = array<i32>} : memref<128x128xf32, #tpu.memory_space<vmem>>, vector<16xf32>,
        %parallel_loop3A_367 = arith.index_cast %parallel_loop3A_285 : i32 to index
        %parallel_loop3A_368 = arith.constant 96 : index
        %parallel_loop3A_369 = tpu.vector_load %arg11[%parallel_loop3A_367, %parallel_loop3A_368] {strides = array<i32>} : memref<128x128xf32, #tpu.memory_space<vmem>>, vector<16xf32>,
        %parallel_loop3A_370 = arith.mulf %parallel_loop3A_366, %parallel_loop3A_369 : vector<16xf32>
        %parallel_loop3A_371 = arith.addf %parallel_loop3A_359, %parallel_loop3A_370 : vector<16xf32>
        %parallel_loop3A_372 = arith.mulf %parallel_loop3A_366, %parallel_loop3A_366 : vector<16xf32>
        %parallel_loop3A_373 = arith.addf %parallel_loop3A_361, %parallel_loop3A_372 : vector<16xf32>
        %parallel_loop3A_374 = arith.mulf %parallel_loop3A_369, %parallel_loop3A_369 : vector<16xf32>
        %parallel_loop3A_375 = arith.addf %parallel_loop3A_363, %parallel_loop3A_374 : vector<16xf32>
        %parallel_loop3A_376 = arith.index_cast %parallel_loop3A_285 : i32 to index
        %parallel_loop3A_377 = arith.constant 112 : index
        %parallel_loop3A_378 = tpu.vector_load %arg10[%parallel_loop3A_376, %parallel_loop3A_377] {strides = array<i32>} : memref<128x128xf32, #tpu.memory_space<vmem>>, vector<16xf32>,
        %parallel_loop3A_379 = arith.index_cast %parallel_loop3A_285 : i32 to index
        %parallel_loop3A_380 = arith.constant 112 : index
        %parallel_loop3A_381 = tpu.vector_load %arg11[%parallel_loop3A_379, %parallel_loop3A_380] {strides = array<i32>} : memref<128x128xf32, #tpu.memory_space<vmem>>, vector<16xf32>,
        %parallel_loop3A_382 = arith.mulf %parallel_loop3A_378, %parallel_loop3A_381 : vector<16xf32>
        %parallel_loop3A_383 = arith.addf %parallel_loop3A_371, %parallel_loop3A_382 : vector<16xf32>
        %parallel_loop3A_384 = arith.mulf %parallel_loop3A_378, %parallel_loop3A_378 : vector<16xf32>
        %parallel_loop3A_385 = arith.addf %parallel_loop3A_373, %parallel_loop3A_384 : vector<16xf32>
        %parallel_loop3A_386 = arith.mulf %parallel_loop3A_381, %parallel_loop3A_381 : vector<16xf32>
        %parallel_loop3A_387 = arith.addf %parallel_loop3A_375, %parallel_loop3A_386 : vector<16xf32>
        %parallel_loop3A_388 = arith.index_cast %parallel_loop3A_282 : i32 to index
        %parallel_loop3A_389 = arith.constant 0 : index
        %parallel_loop3A_390 = tpu.vector_load %arg14[%parallel_loop3A_388, %parallel_loop3A_389] {strides = array<i32>} : memref<32x17xf32, #tpu.memory_space<vmem>>, vector<16xf32>,
        tpu.vector_store %arg14[%parallel_loop3A_388, %parallel_loop3A_389], %parallel_loop3A_383 {strides = array<i32>} : memref<32x17xf32, #tpu.memory_space<vmem>>, vector<16xf32>,
        %parallel_loop3A_391 = arith.index_cast %parallel_loop3A_282 : i32 to index
        %parallel_loop3A_392 = arith.constant 0 : index
        %parallel_loop3A_393 = tpu.vector_load %arg15[%parallel_loop3A_391, %parallel_loop3A_392] {strides = array<i32>} : memref<32x17xf32, #tpu.memory_space<vmem>>, vector<16xf32>,
        tpu.vector_store %arg15[%parallel_loop3A_391, %parallel_loop3A_392], %parallel_loop3A_385 {strides = array<i32>} : memref<32x17xf32, #tpu.memory_space<vmem>>, vector<16xf32>,
        %parallel_loop3A_394 = arith.index_cast %parallel_loop3A_282 : i32 to index
        %parallel_loop3A_395 = arith.constant 0 : index
        %parallel_loop3A_396 = tpu.vector_load %arg16[%parallel_loop3A_394, %parallel_loop3A_395] {strides = array<i32>} : memref<32x17xf32, #tpu.memory_space<vmem>>, vector<16xf32>,
        tpu.vector_store %arg16[%parallel_loop3A_394, %parallel_loop3A_395], %parallel_loop3A_387 {strides = array<i32>} : memref<32x17xf32, #tpu.memory_space<vmem>>, vector<16xf32>,
      } {sc.loop_unroll_factor = 4 : i64, sc.parallel_access}
      %iota3A = tpu.iota {dimensions = array<i32: 0>} : vector<16xi32>
      %add3A_122 = arith.constant 0 : i32
      %add3A_123 = vector.broadcast %add3A_122 : i32 to vector<16xi32>
      %add3A_124 = arith.addi %iota3A, %add3A_123 : vector<16xi32>
      %broadcast_in_dim3A_125 = arith.constant 0.000000e+00 : f32
      %broadcast_in_dim3A_126 = vector.broadcast %broadcast_in_dim3A_125 : f32 to vector<16xf32>
      %parallel_loop3A_127 = arith.constant 0 : i32
      %parallel_loop3A_128 = arith.constant 16 : i32
      %parallel_loop3A_129 = arith.constant 1 : i32
      %parallel_loop3A_130:3 = scf.for %parallel_loop3A_282 = %parallel_loop3A_127 to %parallel_loop3A_128 step %parallel_loop3A_129 iter_args(%parallel_loop3A_283 = %broadcast_in_dim3A_126, %parallel_loop3A_284 = %broadcast_in_dim3A_126, %parallel_loop3A_285 = %broadcast_in_dim3A_126) -> (vector<16xf32>, vector<16xf32>, vector<16xf32>)  : i32 {
        %parallel_loop3A_286 = arith.constant 0 : i32
        %parallel_loop3A_287 = vector.broadcast %parallel_loop3A_286 : i32 to vector<16xi32>
        %parallel_loop3A_288 = vector.broadcast %parallel_loop3A_282 : i32 to vector<16xi32>
        %parallel_loop3A_289 = arith.addi %parallel_loop3A_287, %parallel_loop3A_288 : vector<16xi32>
        %parallel_loop3A_290 = tpu.vector_load_idx %arg14[%add3A_124, %parallel_loop3A_289] : memref<32x17xf32, #tpu.memory_space<vmem>>[vector<16xi32>, vector<16xi32>], vector<16xf32>,
        %parallel_loop3A_291 = arith.addf %parallel_loop3A_283, %parallel_loop3A_290 : vector<16xf32>
        %parallel_loop3A_292 = tpu.vector_load_idx %arg15[%add3A_124, %parallel_loop3A_289] : memref<32x17xf32, #tpu.memory_space<vmem>>[vector<16xi32>, vector<16xi32>], vector<16xf32>,
        %parallel_loop3A_293 = arith.addf %parallel_loop3A_284, %parallel_loop3A_292 : vector<16xf32>
        %parallel_loop3A_294 = tpu.vector_load_idx %arg16[%add3A_124, %parallel_loop3A_289] : memref<32x17xf32, #tpu.memory_space<vmem>>[vector<16xi32>, vector<16xi32>], vector<16xf32>,
        %parallel_loop3A_295 = arith.addf %parallel_loop3A_285, %parallel_loop3A_294 : vector<16xf32>
        scf.yield %parallel_loop3A_291, %parallel_loop3A_293, %parallel_loop3A_295 : vector<16xf32>, vector<16xf32>, vector<16xf32>
      } {sc.loop_unroll_factor = 4 : i64, sc.parallel_access}
      %max3A = arith.constant 1.000000e-16 : f32
      %max3A_131 = vector.broadcast %max3A : f32 to vector<16xf32>
      %max3A_132 = arith.maximumf %parallel_loop3A_130#1, %max3A_131 : vector<16xf32>
      %max3A_133 = arith.constant 1.000000e-16 : f32
      %max3A_134 = vector.broadcast %max3A_133 : f32 to vector<16xf32>
      %max3A_135 = arith.maximumf %parallel_loop3A_130#2, %max3A_134 : vector<16xf32>
      %mul3A_136 = arith.mulf %max3A_132, %max3A_135 : vector<16xf32>
      %bitcast3A = vector.bitcast %mul3A_136 : vector<16xf32> to vector<16xi32>
      %shift_right_arithmetic3A = arith.constant 1 : i32
      %shift_right_arithmetic3A_137 = vector.broadcast %shift_right_arithmetic3A : i32 to vector<16xi32>
      %shift_right_arithmetic3A_138 = arith.shrsi %bitcast3A, %shift_right_arithmetic3A_137 : vector<16xi32>
      %sub3A = arith.constant 1597463007 : i32
      %sub3A_139 = vector.broadcast %sub3A : i32 to vector<16xi32>
      %sub3A_140 = arith.subi %sub3A_139, %shift_right_arithmetic3A_138 : vector<16xi32>
      %bitcast3A_141 = vector.bitcast %sub3A_140 : vector<16xi32> to vector<16xf32>
      %mul3A_142 = arith.constant 5.000000e-01 : f32
      %mul3A_143 = vector.broadcast %mul3A_142 : f32 to vector<16xf32>
      %mul3A_144 = arith.mulf %mul3A_143, %mul3A_136 : vector<16xf32>
      %mul3A_145 = arith.mulf %mul3A_144, %bitcast3A_141 : vector<16xf32>
      %mul3A_146 = arith.mulf %mul3A_145, %bitcast3A_141 : vector<16xf32>
      %sub3A_147 = arith.constant 1.500000e+00 : f32
      %sub3A_148 = vector.broadcast %sub3A_147 : f32 to vector<16xf32>
      %sub3A_149 = arith.subf %sub3A_148, %mul3A_146 : vector<16xf32>
      %mul3A_150 = arith.mulf %bitcast3A_141, %sub3A_149 : vector<16xf32>
      %mul3A_151 = arith.constant 5.000000e-01 : f32
      %mul3A_152 = vector.broadcast %mul3A_151 : f32 to vector<16xf32>
      %mul3A_153 = arith.mulf %mul3A_152, %mul3A_136 : vector<16xf32>
      %mul3A_154 = arith.mulf %mul3A_153, %mul3A_150 : vector<16xf32>
      %mul3A_155 = arith.mulf %mul3A_154, %mul3A_150 : vector<16xf32>
      %sub3A_156 = arith.constant 1.500000e+00 : f32
      %sub3A_157 = vector.broadcast %sub3A_156 : f32 to vector<16xf32>
      %sub3A_158 = arith.subf %sub3A_157, %mul3A_155 : vector<16xf32>
      %mul3A_159 = arith.mulf %mul3A_150, %sub3A_158 : vector<16xf32>
      %mul3A_160 = arith.constant 5.000000e-01 : f32
      %mul3A_161 = vector.broadcast %mul3A_160 : f32 to vector<16xf32>
      %mul3A_162 = arith.mulf %mul3A_161, %mul3A_136 : vector<16xf32>
      %mul3A_163 = arith.mulf %mul3A_162, %mul3A_159 : vector<16xf32>
      %mul3A_164 = arith.mulf %mul3A_163, %mul3A_159 : vector<16xf32>
      %sub3A_165 = arith.constant 1.500000e+00 : f32
      %sub3A_166 = vector.broadcast %sub3A_165 : f32 to vector<16xf32>
      %sub3A_167 = arith.subf %sub3A_166, %mul3A_164 : vector<16xf32>
      %mul3A_168 = arith.mulf %mul3A_159, %sub3A_167 : vector<16xf32>
      %mul3A_169 = arith.mulf %parallel_loop3A_130#0, %mul3A_168 : vector<16xf32>
      %sub3A_170 = arith.constant 1.000000e+00 : f32
      %sub3A_171 = vector.broadcast %sub3A_170 : f32 to vector<16xf32>
      %sub3A_172 = arith.subf %sub3A_171, %mul3A_169 : vector<16xf32>
      %mul3A_173 = arith.constant 2 : i32
      %mul3A_174 = arith.muli %scan3A_118, %mul3A_173 : i32
      %mul3A_175 = arith.constant 16 : i32
      %mul3A_176 = arith.muli %mul3A_174, %mul3A_175 : i32
      %add3A_177 = arith.constant 256 : i32
      %add3A_178 = arith.addi %add3A_177, %mul3A_176 : i32
      %add3A_179 = arith.constant 0 : i32
      %add3A_180 = arith.addi %add3A_178, %add3A_179 : i32
      %get3A = arith.index_cast %add3A_180 : i32 to index
      %get3A_181 = tpu.vector_load %arg9[%get3A] {strides = array<i32>} : memref<512xf32, #tpu.memory_space<vmem>>, vector<16xf32>,
      %mul3A_182 = arith.mulf %get3A_181, %sub3A_172 : vector<16xf32>
      %sub3A_183 = arith.constant 1.000000e+00 : f32
      %sub3A_184 = vector.broadcast %sub3A_183 : f32 to vector<16xf32>
      %sub3A_185 = arith.subf %sub3A_184, %get3A_181 : vector<16xf32>
      %sub3A_186 = arith.constant 5.000000e-01 : f32
      %sub3A_187 = vector.broadcast %sub3A_186 : f32 to vector<16xf32>
      %sub3A_188 = arith.subf %sub3A_187, %sub3A_172 : vector<16xf32>
      %max3A_189 = arith.constant 0.000000e+00 : f32
      %max3A_190 = vector.broadcast %max3A_189 : f32 to vector<16xf32>
      %max3A_191 = arith.maximumf %max3A_190, %sub3A_188 : vector<16xf32>
      %mul3A_192 = arith.mulf %sub3A_185, %max3A_191 : vector<16xf32>
      %add3A_193 = arith.addf %mul3A_182, %mul3A_192 : vector<16xf32>
      %mul3A_194 = arith.mulf %add3A_193, %add3A_193 : vector<16xf32>
      %mul3A_195 = arith.constant 3.05175781E-5 : f32
      %mul3A_196 = vector.broadcast %mul3A_195 : f32 to vector<16xf32>
      %mul3A_197 = arith.mulf %mul3A_196, %mul3A_194 : vector<16xf32>
      %add3A_198 = arith.addf %scan3A_119, %mul3A_197 : vector<16xf32>
      %iota3A_199 = tpu.iota {dimensions = array<i32: 0>} : vector<16xi32>
      %add3A_200 = arith.constant 16 : i32
      %add3A_201 = vector.broadcast %add3A_200 : i32 to vector<16xi32>
      %add3A_202 = arith.addi %iota3A_199, %add3A_201 : vector<16xi32>
      %broadcast_in_dim3A_203 = arith.constant 0.000000e+00 : f32
      %broadcast_in_dim3A_204 = vector.broadcast %broadcast_in_dim3A_203 : f32 to vector<16xf32>
      %parallel_loop3A_205 = arith.constant 0 : i32
      %parallel_loop3A_206 = arith.constant 16 : i32
      %parallel_loop3A_207 = arith.constant 1 : i32
      %parallel_loop3A_208:3 = scf.for %parallel_loop3A_282 = %parallel_loop3A_205 to %parallel_loop3A_206 step %parallel_loop3A_207 iter_args(%parallel_loop3A_283 = %broadcast_in_dim3A_204, %parallel_loop3A_284 = %broadcast_in_dim3A_204, %parallel_loop3A_285 = %broadcast_in_dim3A_204) -> (vector<16xf32>, vector<16xf32>, vector<16xf32>)  : i32 {
        %parallel_loop3A_286 = arith.constant 0 : i32
        %parallel_loop3A_287 = vector.broadcast %parallel_loop3A_286 : i32 to vector<16xi32>
        %parallel_loop3A_288 = vector.broadcast %parallel_loop3A_282 : i32 to vector<16xi32>
        %parallel_loop3A_289 = arith.addi %parallel_loop3A_287, %parallel_loop3A_288 : vector<16xi32>
        %parallel_loop3A_290 = tpu.vector_load_idx %arg14[%add3A_202, %parallel_loop3A_289] : memref<32x17xf32, #tpu.memory_space<vmem>>[vector<16xi32>, vector<16xi32>], vector<16xf32>,
        %parallel_loop3A_291 = arith.addf %parallel_loop3A_283, %parallel_loop3A_290 : vector<16xf32>
        %parallel_loop3A_292 = tpu.vector_load_idx %arg15[%add3A_202, %parallel_loop3A_289] : memref<32x17xf32, #tpu.memory_space<vmem>>[vector<16xi32>, vector<16xi32>], vector<16xf32>,
        %parallel_loop3A_293 = arith.addf %parallel_loop3A_284, %parallel_loop3A_292 : vector<16xf32>
        %parallel_loop3A_294 = tpu.vector_load_idx %arg16[%add3A_202, %parallel_loop3A_289] : memref<32x17xf32, #tpu.memory_space<vmem>>[vector<16xi32>, vector<16xi32>], vector<16xf32>,
        %parallel_loop3A_295 = arith.addf %parallel_loop3A_285, %parallel_loop3A_294 : vector<16xf32>
        scf.yield %parallel_loop3A_291, %parallel_loop3A_293, %parallel_loop3A_295 : vector<16xf32>, vector<16xf32>, vector<16xf32>
      } {sc.loop_unroll_factor = 4 : i64, sc.parallel_access}
      %max3A_209 = arith.constant 1.000000e-16 : f32
      %max3A_210 = vector.broadcast %max3A_209 : f32 to vector<16xf32>
      %max3A_211 = arith.maximumf %parallel_loop3A_208#1, %max3A_210 : vector<16xf32>
      %max3A_212 = arith.constant 1.000000e-16 : f32
      %max3A_213 = vector.broadcast %max3A_212 : f32 to vector<16xf32>
      %max3A_214 = arith.maximumf %parallel_loop3A_208#2, %max3A_213 : vector<16xf32>
      %mul3A_215 = arith.mulf %max3A_211, %max3A_214 : vector<16xf32>
      %bitcast3A_216 = vector.bitcast %mul3A_215 : vector<16xf32> to vector<16xi32>
      %shift_right_arithmetic3A_217 = arith.constant 1 : i32
      %shift_right_arithmetic3A_218 = vector.broadcast %shift_right_arithmetic3A_217 : i32 to vector<16xi32>
      %shift_right_arithmetic3A_219 = arith.shrsi %bitcast3A_216, %shift_right_arithmetic3A_218 : vector<16xi32>
      %sub3A_220 = arith.constant 1597463007 : i32
      %sub3A_221 = vector.broadcast %sub3A_220 : i32 to vector<16xi32>
      %sub3A_222 = arith.subi %sub3A_221, %shift_right_arithmetic3A_219 : vector<16xi32>
      %bitcast3A_223 = vector.bitcast %sub3A_222 : vector<16xi32> to vector<16xf32>
      %mul3A_224 = arith.constant 5.000000e-01 : f32
      %mul3A_225 = vector.broadcast %mul3A_224 : f32 to vector<16xf32>
      %mul3A_226 = arith.mulf %mul3A_225, %mul3A_215 : vector<16xf32>
      %mul3A_227 = arith.mulf %mul3A_226, %bitcast3A_223 : vector<16xf32>
      %mul3A_228 = arith.mulf %mul3A_227, %bitcast3A_223 : vector<16xf32>
      %sub3A_229 = arith.constant 1.500000e+00 : f32
      %sub3A_230 = vector.broadcast %sub3A_229 : f32 to vector<16xf32>
      %sub3A_231 = arith.subf %sub3A_230, %mul3A_228 : vector<16xf32>
      %mul3A_232 = arith.mulf %bitcast3A_223, %sub3A_231 : vector<16xf32>
      %mul3A_233 = arith.constant 5.000000e-01 : f32
      %mul3A_234 = vector.broadcast %mul3A_233 : f32 to vector<16xf32>
      %mul3A_235 = arith.mulf %mul3A_234, %mul3A_215 : vector<16xf32>
      %mul3A_236 = arith.mulf %mul3A_235, %mul3A_232 : vector<16xf32>
      %mul3A_237 = arith.mulf %mul3A_236, %mul3A_232 : vector<16xf32>
      %sub3A_238 = arith.constant 1.500000e+00 : f32
      %sub3A_239 = vector.broadcast %sub3A_238 : f32 to vector<16xf32>
      %sub3A_240 = arith.subf %sub3A_239, %mul3A_237 : vector<16xf32>
      %mul3A_241 = arith.mulf %mul3A_232, %sub3A_240 : vector<16xf32>
      %mul3A_242 = arith.constant 5.000000e-01 : f32
      %mul3A_243 = vector.broadcast %mul3A_242 : f32 to vector<16xf32>
      %mul3A_244 = arith.mulf %mul3A_243, %mul3A_215 : vector<16xf32>
      %mul3A_245 = arith.mulf %mul3A_244, %mul3A_241 : vector<16xf32>
      %mul3A_246 = arith.mulf %mul3A_245, %mul3A_241 : vector<16xf32>
      %sub3A_247 = arith.constant 1.500000e+00 : f32
      %sub3A_248 = vector.broadcast %sub3A_247 : f32 to vector<16xf32>
      %sub3A_249 = arith.subf %sub3A_248, %mul3A_246 : vector<16xf32>
      %mul3A_250 = arith.mulf %mul3A_241, %sub3A_249 : vector<16xf32>
      %mul3A_251 = arith.mulf %parallel_loop3A_208#0, %mul3A_250 : vector<16xf32>
      %sub3A_252 = arith.constant 1.000000e+00 : f32
      %sub3A_253 = vector.broadcast %sub3A_252 : f32 to vector<16xf32>
      %sub3A_254 = arith.subf %sub3A_253, %mul3A_251 : vector<16xf32>
      %mul3A_255 = arith.constant 2 : i32
      %mul3A_256 = arith.muli %scan3A_118, %mul3A_255 : i32
      %mul3A_257 = arith.constant 16 : i32
      %mul3A_258 = arith.muli %mul3A_256, %mul3A_257 : i32
      %add3A_259 = arith.constant 256 : i32
      %add3A_260 = arith.addi %add3A_259, %mul3A_258 : i32
      %add3A_261 = arith.constant 16 : i32
      %add3A_262 = arith.addi %add3A_260, %add3A_261 : i32
      %get3A_263 = arith.index_cast %add3A_262 : i32 to index
      %get3A_264 = tpu.vector_load %arg9[%get3A_263] {strides = array<i32>} : memref<512xf32, #tpu.memory_space<vmem>>, vector<16xf32>,
      %mul3A_265 = arith.mulf %get3A_264, %sub3A_254 : vector<16xf32>
      %sub3A_266 = arith.constant 1.000000e+00 : f32
      %sub3A_267 = vector.broadcast %sub3A_266 : f32 to vector<16xf32>
      %sub3A_268 = arith.subf %sub3A_267, %get3A_264 : vector<16xf32>
      %sub3A_269 = arith.constant 5.000000e-01 : f32
      %sub3A_270 = vector.broadcast %sub3A_269 : f32 to vector<16xf32>
      %sub3A_271 = arith.subf %sub3A_270, %sub3A_254 : vector<16xf32>
      %max3A_272 = arith.constant 0.000000e+00 : f32
      %max3A_273 = vector.broadcast %max3A_272 : f32 to vector<16xf32>
      %max3A_274 = arith.maximumf %max3A_273, %sub3A_271 : vector<16xf32>
      %mul3A_275 = arith.mulf %sub3A_268, %max3A_274 : vector<16xf32>
      %add3A_276 = arith.addf %mul3A_265, %mul3A_275 : vector<16xf32>
      %mul3A_277 = arith.mulf %add3A_276, %add3A_276 : vector<16xf32>
      %mul3A_278 = arith.constant 3.05175781E-5 : f32
      %mul3A_279 = vector.broadcast %mul3A_278 : f32 to vector<16xf32>
      %mul3A_280 = arith.mulf %mul3A_279, %mul3A_277 : vector<16xf32>
      %add3A_281 = arith.addf %add3A_198, %mul3A_280 : vector<16xf32>
      scf.yield %add3A_281 : vector<16xf32>
    }
    %scan3A_100 = arith.constant 4 : i32
    %dma_wait3A_101 = arith.constant 384 : i32
    %dma_wait3A_102 = tpu.memref_slice %arg7[%dma_wait3A_101] : memref<512xi32, #tpu.memory_space<vmem>> -> memref<128xi32, #tpu.memory_space<vmem>>
    %dma_wait3A_103 = arith.constant 0 : i32
    %dma_wait3A_104 = arith.constant 0 : i32
    %dma_wait3A_105 = tpu.memref_slice %arg2[%dma_wait3A_103, %dma_wait3A_104] : memref<100000x128xf32, #tpu.memory_space<hbm>> -> memref<100000x128xf32, #tpu.memory_space<hbm>>
    tpu.wait_indirect_dma semaphore(%arg19 : memref<!tpu.dma_semaphore, #tpu.memory_space<semaphore_mem>>) src(%dma_wait3A_105 : memref<100000x128xf32, #tpu.memory_space<hbm>>) dst(%arg12 : memref<128x128xf32, #tpu.memory_space<vmem>>)
    %dma_wait3A_106 = arith.constant 384 : i32
    %dma_wait3A_107 = tpu.memref_slice %arg8[%dma_wait3A_106] : memref<512xi32, #tpu.memory_space<vmem>> -> memref<128xi32, #tpu.memory_space<vmem>>
    %dma_wait3A_108 = arith.constant 0 : i32
    %dma_wait3A_109 = arith.constant 0 : i32
    %dma_wait3A_110 = tpu.memref_slice %arg2[%dma_wait3A_108, %dma_wait3A_109] : memref<100000x128xf32, #tpu.memory_space<hbm>> -> memref<100000x128xf32, #tpu.memory_space<hbm>>
    tpu.wait_indirect_dma semaphore(%arg19 : memref<!tpu.dma_semaphore, #tpu.memory_space<semaphore_mem>>) src(%dma_wait3A_110 : memref<100000x128xf32, #tpu.memory_space<hbm>>) dst(%arg13 : memref<128x128xf32, #tpu.memory_space<vmem>>)
    %scan3A_111 = arith.constant 0 : i32
    %scan3A_112 = arith.constant 4 : i32
    %scan3A_113 = arith.addi %scan3A_111, %scan3A_112 : i32
    %scan3A_114 = arith.constant 1 : i32
    %scan3A_115 = scf.for %scan3A_118 = %scan3A_111 to %scan3A_113 step %scan3A_114 iter_args(%scan3A_119 = %scan3A_99) -> (vector<16xf32>)  : i32 {
      %parallel_loop3A = arith.constant 0 : i32
      %parallel_loop3A_120 = arith.constant 32 : i32
      %parallel_loop3A_121 = arith.constant 1 : i32
      scf.for %parallel_loop3A_282 = %parallel_loop3A to %parallel_loop3A_120 step %parallel_loop3A_121  : i32 {
        %parallel_loop3A_283 = arith.constant 32 : i32
        %parallel_loop3A_284 = arith.muli %scan3A_118, %parallel_loop3A_283 : i32
        %parallel_loop3A_285 = arith.addi %parallel_loop3A_284, %parallel_loop3A_282 : i32
        %parallel_loop3A_286 = arith.constant 0.000000e+00 : f32
        %parallel_loop3A_287 = vector.broadcast %parallel_loop3A_286 : f32 to vector<16xf32>
        %parallel_loop3A_288 = arith.constant 0.000000e+00 : f32
        %parallel_loop3A_289 = vector.broadcast %parallel_loop3A_288 : f32 to vector<16xf32>
        %parallel_loop3A_290 = arith.constant 0.000000e+00 : f32
        %parallel_loop3A_291 = vector.broadcast %parallel_loop3A_290 : f32 to vector<16xf32>
        %parallel_loop3A_292 = arith.index_cast %parallel_loop3A_285 : i32 to index
        %parallel_loop3A_293 = arith.constant 0 : index
        %parallel_loop3A_294 = tpu.vector_load %arg12[%parallel_loop3A_292, %parallel_loop3A_293] {strides = array<i32>} : memref<128x128xf32, #tpu.memory_space<vmem>>, vector<16xf32>,
        %parallel_loop3A_295 = arith.index_cast %parallel_loop3A_285 : i32 to index
        %parallel_loop3A_296 = arith.constant 0 : index
        %parallel_loop3A_297 = tpu.vector_load %arg13[%parallel_loop3A_295, %parallel_loop3A_296] {strides = array<i32>} : memref<128x128xf32, #tpu.memory_space<vmem>>, vector<16xf32>,
        %parallel_loop3A_298 = arith.mulf %parallel_loop3A_294, %parallel_loop3A_297 : vector<16xf32>
        %parallel_loop3A_299 = arith.addf %parallel_loop3A_287, %parallel_loop3A_298 : vector<16xf32>
        %parallel_loop3A_300 = arith.mulf %parallel_loop3A_294, %parallel_loop3A_294 : vector<16xf32>
        %parallel_loop3A_301 = arith.addf %parallel_loop3A_289, %parallel_loop3A_300 : vector<16xf32>
        %parallel_loop3A_302 = arith.mulf %parallel_loop3A_297, %parallel_loop3A_297 : vector<16xf32>
        %parallel_loop3A_303 = arith.addf %parallel_loop3A_291, %parallel_loop3A_302 : vector<16xf32>
        %parallel_loop3A_304 = arith.index_cast %parallel_loop3A_285 : i32 to index
        %parallel_loop3A_305 = arith.constant 16 : index
        %parallel_loop3A_306 = tpu.vector_load %arg12[%parallel_loop3A_304, %parallel_loop3A_305] {strides = array<i32>} : memref<128x128xf32, #tpu.memory_space<vmem>>, vector<16xf32>,
        %parallel_loop3A_307 = arith.index_cast %parallel_loop3A_285 : i32 to index
        %parallel_loop3A_308 = arith.constant 16 : index
        %parallel_loop3A_309 = tpu.vector_load %arg13[%parallel_loop3A_307, %parallel_loop3A_308] {strides = array<i32>} : memref<128x128xf32, #tpu.memory_space<vmem>>, vector<16xf32>,
        %parallel_loop3A_310 = arith.mulf %parallel_loop3A_306, %parallel_loop3A_309 : vector<16xf32>
        %parallel_loop3A_311 = arith.addf %parallel_loop3A_299, %parallel_loop3A_310 : vector<16xf32>
        %parallel_loop3A_312 = arith.mulf %parallel_loop3A_306, %parallel_loop3A_306 : vector<16xf32>
        %parallel_loop3A_313 = arith.addf %parallel_loop3A_301, %parallel_loop3A_312 : vector<16xf32>
        %parallel_loop3A_314 = arith.mulf %parallel_loop3A_309, %parallel_loop3A_309 : vector<16xf32>
        %parallel_loop3A_315 = arith.addf %parallel_loop3A_303, %parallel_loop3A_314 : vector<16xf32>
        %parallel_loop3A_316 = arith.index_cast %parallel_loop3A_285 : i32 to index
        %parallel_loop3A_317 = arith.constant 32 : index
        %parallel_loop3A_318 = tpu.vector_load %arg12[%parallel_loop3A_316, %parallel_loop3A_317] {strides = array<i32>} : memref<128x128xf32, #tpu.memory_space<vmem>>, vector<16xf32>,
        %parallel_loop3A_319 = arith.index_cast %parallel_loop3A_285 : i32 to index
        %parallel_loop3A_320 = arith.constant 32 : index
        %parallel_loop3A_321 = tpu.vector_load %arg13[%parallel_loop3A_319, %parallel_loop3A_320] {strides = array<i32>} : memref<128x128xf32, #tpu.memory_space<vmem>>, vector<16xf32>,
        %parallel_loop3A_322 = arith.mulf %parallel_loop3A_318, %parallel_loop3A_321 : vector<16xf32>
        %parallel_loop3A_323 = arith.addf %parallel_loop3A_311, %parallel_loop3A_322 : vector<16xf32>
        %parallel_loop3A_324 = arith.mulf %parallel_loop3A_318, %parallel_loop3A_318 : vector<16xf32>
        %parallel_loop3A_325 = arith.addf %parallel_loop3A_313, %parallel_loop3A_324 : vector<16xf32>
        %parallel_loop3A_326 = arith.mulf %parallel_loop3A_321, %parallel_loop3A_321 : vector<16xf32>
        %parallel_loop3A_327 = arith.addf %parallel_loop3A_315, %parallel_loop3A_326 : vector<16xf32>
        %parallel_loop3A_328 = arith.index_cast %parallel_loop3A_285 : i32 to index
        %parallel_loop3A_329 = arith.constant 48 : index
        %parallel_loop3A_330 = tpu.vector_load %arg12[%parallel_loop3A_328, %parallel_loop3A_329] {strides = array<i32>} : memref<128x128xf32, #tpu.memory_space<vmem>>, vector<16xf32>,
        %parallel_loop3A_331 = arith.index_cast %parallel_loop3A_285 : i32 to index
        %parallel_loop3A_332 = arith.constant 48 : index
        %parallel_loop3A_333 = tpu.vector_load %arg13[%parallel_loop3A_331, %parallel_loop3A_332] {strides = array<i32>} : memref<128x128xf32, #tpu.memory_space<vmem>>, vector<16xf32>,
        %parallel_loop3A_334 = arith.mulf %parallel_loop3A_330, %parallel_loop3A_333 : vector<16xf32>
        %parallel_loop3A_335 = arith.addf %parallel_loop3A_323, %parallel_loop3A_334 : vector<16xf32>
        %parallel_loop3A_336 = arith.mulf %parallel_loop3A_330, %parallel_loop3A_330 : vector<16xf32>
        %parallel_loop3A_337 = arith.addf %parallel_loop3A_325, %parallel_loop3A_336 : vector<16xf32>
        %parallel_loop3A_338 = arith.mulf %parallel_loop3A_333, %parallel_loop3A_333 : vector<16xf32>
        %parallel_loop3A_339 = arith.addf %parallel_loop3A_327, %parallel_loop3A_338 : vector<16xf32>
        %parallel_loop3A_340 = arith.index_cast %parallel_loop3A_285 : i32 to index
        %parallel_loop3A_341 = arith.constant 64 : index
        %parallel_loop3A_342 = tpu.vector_load %arg12[%parallel_loop3A_340, %parallel_loop3A_341] {strides = array<i32>} : memref<128x128xf32, #tpu.memory_space<vmem>>, vector<16xf32>,
        %parallel_loop3A_343 = arith.index_cast %parallel_loop3A_285 : i32 to index
        %parallel_loop3A_344 = arith.constant 64 : index
        %parallel_loop3A_345 = tpu.vector_load %arg13[%parallel_loop3A_343, %parallel_loop3A_344] {strides = array<i32>} : memref<128x128xf32, #tpu.memory_space<vmem>>, vector<16xf32>,
        %parallel_loop3A_346 = arith.mulf %parallel_loop3A_342, %parallel_loop3A_345 : vector<16xf32>
        %parallel_loop3A_347 = arith.addf %parallel_loop3A_335, %parallel_loop3A_346 : vector<16xf32>
        %parallel_loop3A_348 = arith.mulf %parallel_loop3A_342, %parallel_loop3A_342 : vector<16xf32>
        %parallel_loop3A_349 = arith.addf %parallel_loop3A_337, %parallel_loop3A_348 : vector<16xf32>
        %parallel_loop3A_350 = arith.mulf %parallel_loop3A_345, %parallel_loop3A_345 : vector<16xf32>
        %parallel_loop3A_351 = arith.addf %parallel_loop3A_339, %parallel_loop3A_350 : vector<16xf32>
        %parallel_loop3A_352 = arith.index_cast %parallel_loop3A_285 : i32 to index
        %parallel_loop3A_353 = arith.constant 80 : index
        %parallel_loop3A_354 = tpu.vector_load %arg12[%parallel_loop3A_352, %parallel_loop3A_353] {strides = array<i32>} : memref<128x128xf32, #tpu.memory_space<vmem>>, vector<16xf32>,
        %parallel_loop3A_355 = arith.index_cast %parallel_loop3A_285 : i32 to index
        %parallel_loop3A_356 = arith.constant 80 : index
        %parallel_loop3A_357 = tpu.vector_load %arg13[%parallel_loop3A_355, %parallel_loop3A_356] {strides = array<i32>} : memref<128x128xf32, #tpu.memory_space<vmem>>, vector<16xf32>,
        %parallel_loop3A_358 = arith.mulf %parallel_loop3A_354, %parallel_loop3A_357 : vector<16xf32>
        %parallel_loop3A_359 = arith.addf %parallel_loop3A_347, %parallel_loop3A_358 : vector<16xf32>
        %parallel_loop3A_360 = arith.mulf %parallel_loop3A_354, %parallel_loop3A_354 : vector<16xf32>
        %parallel_loop3A_361 = arith.addf %parallel_loop3A_349, %parallel_loop3A_360 : vector<16xf32>
        %parallel_loop3A_362 = arith.mulf %parallel_loop3A_357, %parallel_loop3A_357 : vector<16xf32>
        %parallel_loop3A_363 = arith.addf %parallel_loop3A_351, %parallel_loop3A_362 : vector<16xf32>
        %parallel_loop3A_364 = arith.index_cast %parallel_loop3A_285 : i32 to index
        %parallel_loop3A_365 = arith.constant 96 : index
        %parallel_loop3A_366 = tpu.vector_load %arg12[%parallel_loop3A_364, %parallel_loop3A_365] {strides = array<i32>} : memref<128x128xf32, #tpu.memory_space<vmem>>, vector<16xf32>,
        %parallel_loop3A_367 = arith.index_cast %parallel_loop3A_285 : i32 to index
        %parallel_loop3A_368 = arith.constant 96 : index
        %parallel_loop3A_369 = tpu.vector_load %arg13[%parallel_loop3A_367, %parallel_loop3A_368] {strides = array<i32>} : memref<128x128xf32, #tpu.memory_space<vmem>>, vector<16xf32>,
        %parallel_loop3A_370 = arith.mulf %parallel_loop3A_366, %parallel_loop3A_369 : vector<16xf32>
        %parallel_loop3A_371 = arith.addf %parallel_loop3A_359, %parallel_loop3A_370 : vector<16xf32>
        %parallel_loop3A_372 = arith.mulf %parallel_loop3A_366, %parallel_loop3A_366 : vector<16xf32>
        %parallel_loop3A_373 = arith.addf %parallel_loop3A_361, %parallel_loop3A_372 : vector<16xf32>
        %parallel_loop3A_374 = arith.mulf %parallel_loop3A_369, %parallel_loop3A_369 : vector<16xf32>
        %parallel_loop3A_375 = arith.addf %parallel_loop3A_363, %parallel_loop3A_374 : vector<16xf32>
        %parallel_loop3A_376 = arith.index_cast %parallel_loop3A_285 : i32 to index
        %parallel_loop3A_377 = arith.constant 112 : index
        %parallel_loop3A_378 = tpu.vector_load %arg12[%parallel_loop3A_376, %parallel_loop3A_377] {strides = array<i32>} : memref<128x128xf32, #tpu.memory_space<vmem>>, vector<16xf32>,
        %parallel_loop3A_379 = arith.index_cast %parallel_loop3A_285 : i32 to index
        %parallel_loop3A_380 = arith.constant 112 : index
        %parallel_loop3A_381 = tpu.vector_load %arg13[%parallel_loop3A_379, %parallel_loop3A_380] {strides = array<i32>} : memref<128x128xf32, #tpu.memory_space<vmem>>, vector<16xf32>,
        %parallel_loop3A_382 = arith.mulf %parallel_loop3A_378, %parallel_loop3A_381 : vector<16xf32>
        %parallel_loop3A_383 = arith.addf %parallel_loop3A_371, %parallel_loop3A_382 : vector<16xf32>
        %parallel_loop3A_384 = arith.mulf %parallel_loop3A_378, %parallel_loop3A_378 : vector<16xf32>
        %parallel_loop3A_385 = arith.addf %parallel_loop3A_373, %parallel_loop3A_384 : vector<16xf32>
        %parallel_loop3A_386 = arith.mulf %parallel_loop3A_381, %parallel_loop3A_381 : vector<16xf32>
        %parallel_loop3A_387 = arith.addf %parallel_loop3A_375, %parallel_loop3A_386 : vector<16xf32>
        %parallel_loop3A_388 = arith.index_cast %parallel_loop3A_282 : i32 to index
        %parallel_loop3A_389 = arith.constant 0 : index
        %parallel_loop3A_390 = tpu.vector_load %arg14[%parallel_loop3A_388, %parallel_loop3A_389] {strides = array<i32>} : memref<32x17xf32, #tpu.memory_space<vmem>>, vector<16xf32>,
        tpu.vector_store %arg14[%parallel_loop3A_388, %parallel_loop3A_389], %parallel_loop3A_383 {strides = array<i32>} : memref<32x17xf32, #tpu.memory_space<vmem>>, vector<16xf32>,
        %parallel_loop3A_391 = arith.index_cast %parallel_loop3A_282 : i32 to index
        %parallel_loop3A_392 = arith.constant 0 : index
        %parallel_loop3A_393 = tpu.vector_load %arg15[%parallel_loop3A_391, %parallel_loop3A_392] {strides = array<i32>} : memref<32x17xf32, #tpu.memory_space<vmem>>, vector<16xf32>,
        tpu.vector_store %arg15[%parallel_loop3A_391, %parallel_loop3A_392], %parallel_loop3A_385 {strides = array<i32>} : memref<32x17xf32, #tpu.memory_space<vmem>>, vector<16xf32>,
        %parallel_loop3A_394 = arith.index_cast %parallel_loop3A_282 : i32 to index
        %parallel_loop3A_395 = arith.constant 0 : index
        %parallel_loop3A_396 = tpu.vector_load %arg16[%parallel_loop3A_394, %parallel_loop3A_395] {strides = array<i32>} : memref<32x17xf32, #tpu.memory_space<vmem>>, vector<16xf32>,
        tpu.vector_store %arg16[%parallel_loop3A_394, %parallel_loop3A_395], %parallel_loop3A_387 {strides = array<i32>} : memref<32x17xf32, #tpu.memory_space<vmem>>, vector<16xf32>,
      } {sc.loop_unroll_factor = 4 : i64, sc.parallel_access}
      %iota3A = tpu.iota {dimensions = array<i32: 0>} : vector<16xi32>
      %add3A_122 = arith.constant 0 : i32
      %add3A_123 = vector.broadcast %add3A_122 : i32 to vector<16xi32>
      %add3A_124 = arith.addi %iota3A, %add3A_123 : vector<16xi32>
      %broadcast_in_dim3A_125 = arith.constant 0.000000e+00 : f32
      %broadcast_in_dim3A_126 = vector.broadcast %broadcast_in_dim3A_125 : f32 to vector<16xf32>
      %parallel_loop3A_127 = arith.constant 0 : i32
      %parallel_loop3A_128 = arith.constant 16 : i32
      %parallel_loop3A_129 = arith.constant 1 : i32
      %parallel_loop3A_130:3 = scf.for %parallel_loop3A_282 = %parallel_loop3A_127 to %parallel_loop3A_128 step %parallel_loop3A_129 iter_args(%parallel_loop3A_283 = %broadcast_in_dim3A_126, %parallel_loop3A_284 = %broadcast_in_dim3A_126, %parallel_loop3A_285 = %broadcast_in_dim3A_126) -> (vector<16xf32>, vector<16xf32>, vector<16xf32>)  : i32 {
        %parallel_loop3A_286 = arith.constant 0 : i32
        %parallel_loop3A_287 = vector.broadcast %parallel_loop3A_286 : i32 to vector<16xi32>
        %parallel_loop3A_288 = vector.broadcast %parallel_loop3A_282 : i32 to vector<16xi32>
        %parallel_loop3A_289 = arith.addi %parallel_loop3A_287, %parallel_loop3A_288 : vector<16xi32>
        %parallel_loop3A_290 = tpu.vector_load_idx %arg14[%add3A_124, %parallel_loop3A_289] : memref<32x17xf32, #tpu.memory_space<vmem>>[vector<16xi32>, vector<16xi32>], vector<16xf32>,
        %parallel_loop3A_291 = arith.addf %parallel_loop3A_283, %parallel_loop3A_290 : vector<16xf32>
        %parallel_loop3A_292 = tpu.vector_load_idx %arg15[%add3A_124, %parallel_loop3A_289] : memref<32x17xf32, #tpu.memory_space<vmem>>[vector<16xi32>, vector<16xi32>], vector<16xf32>,
        %parallel_loop3A_293 = arith.addf %parallel_loop3A_284, %parallel_loop3A_292 : vector<16xf32>
        %parallel_loop3A_294 = tpu.vector_load_idx %arg16[%add3A_124, %parallel_loop3A_289] : memref<32x17xf32, #tpu.memory_space<vmem>>[vector<16xi32>, vector<16xi32>], vector<16xf32>,
        %parallel_loop3A_295 = arith.addf %parallel_loop3A_285, %parallel_loop3A_294 : vector<16xf32>
        scf.yield %parallel_loop3A_291, %parallel_loop3A_293, %parallel_loop3A_295 : vector<16xf32>, vector<16xf32>, vector<16xf32>
      } {sc.loop_unroll_factor = 4 : i64, sc.parallel_access}
      %max3A = arith.constant 1.000000e-16 : f32
      %max3A_131 = vector.broadcast %max3A : f32 to vector<16xf32>
      %max3A_132 = arith.maximumf %parallel_loop3A_130#1, %max3A_131 : vector<16xf32>
      %max3A_133 = arith.constant 1.000000e-16 : f32
      %max3A_134 = vector.broadcast %max3A_133 : f32 to vector<16xf32>
      %max3A_135 = arith.maximumf %parallel_loop3A_130#2, %max3A_134 : vector<16xf32>
      %mul3A_136 = arith.mulf %max3A_132, %max3A_135 : vector<16xf32>
      %bitcast3A = vector.bitcast %mul3A_136 : vector<16xf32> to vector<16xi32>
      %shift_right_arithmetic3A = arith.constant 1 : i32
      %shift_right_arithmetic3A_137 = vector.broadcast %shift_right_arithmetic3A : i32 to vector<16xi32>
      %shift_right_arithmetic3A_138 = arith.shrsi %bitcast3A, %shift_right_arithmetic3A_137 : vector<16xi32>
      %sub3A = arith.constant 1597463007 : i32
      %sub3A_139 = vector.broadcast %sub3A : i32 to vector<16xi32>
      %sub3A_140 = arith.subi %sub3A_139, %shift_right_arithmetic3A_138 : vector<16xi32>
      %bitcast3A_141 = vector.bitcast %sub3A_140 : vector<16xi32> to vector<16xf32>
      %mul3A_142 = arith.constant 5.000000e-01 : f32
      %mul3A_143 = vector.broadcast %mul3A_142 : f32 to vector<16xf32>
      %mul3A_144 = arith.mulf %mul3A_143, %mul3A_136 : vector<16xf32>
      %mul3A_145 = arith.mulf %mul3A_144, %bitcast3A_141 : vector<16xf32>
      %mul3A_146 = arith.mulf %mul3A_145, %bitcast3A_141 : vector<16xf32>
      %sub3A_147 = arith.constant 1.500000e+00 : f32
      %sub3A_148 = vector.broadcast %sub3A_147 : f32 to vector<16xf32>
      %sub3A_149 = arith.subf %sub3A_148, %mul3A_146 : vector<16xf32>
      %mul3A_150 = arith.mulf %bitcast3A_141, %sub3A_149 : vector<16xf32>
      %mul3A_151 = arith.constant 5.000000e-01 : f32
      %mul3A_152 = vector.broadcast %mul3A_151 : f32 to vector<16xf32>
      %mul3A_153 = arith.mulf %mul3A_152, %mul3A_136 : vector<16xf32>
      %mul3A_154 = arith.mulf %mul3A_153, %mul3A_150 : vector<16xf32>
      %mul3A_155 = arith.mulf %mul3A_154, %mul3A_150 : vector<16xf32>
      %sub3A_156 = arith.constant 1.500000e+00 : f32
      %sub3A_157 = vector.broadcast %sub3A_156 : f32 to vector<16xf32>
      %sub3A_158 = arith.subf %sub3A_157, %mul3A_155 : vector<16xf32>
      %mul3A_159 = arith.mulf %mul3A_150, %sub3A_158 : vector<16xf32>
      %mul3A_160 = arith.constant 5.000000e-01 : f32
      %mul3A_161 = vector.broadcast %mul3A_160 : f32 to vector<16xf32>
      %mul3A_162 = arith.mulf %mul3A_161, %mul3A_136 : vector<16xf32>
      %mul3A_163 = arith.mulf %mul3A_162, %mul3A_159 : vector<16xf32>
      %mul3A_164 = arith.mulf %mul3A_163, %mul3A_159 : vector<16xf32>
      %sub3A_165 = arith.constant 1.500000e+00 : f32
      %sub3A_166 = vector.broadcast %sub3A_165 : f32 to vector<16xf32>
      %sub3A_167 = arith.subf %sub3A_166, %mul3A_164 : vector<16xf32>
      %mul3A_168 = arith.mulf %mul3A_159, %sub3A_167 : vector<16xf32>
      %mul3A_169 = arith.mulf %parallel_loop3A_130#0, %mul3A_168 : vector<16xf32>
      %sub3A_170 = arith.constant 1.000000e+00 : f32
      %sub3A_171 = vector.broadcast %sub3A_170 : f32 to vector<16xf32>
      %sub3A_172 = arith.subf %sub3A_171, %mul3A_169 : vector<16xf32>
      %mul3A_173 = arith.constant 2 : i32
      %mul3A_174 = arith.muli %scan3A_118, %mul3A_173 : i32
      %mul3A_175 = arith.constant 16 : i32
      %mul3A_176 = arith.muli %mul3A_174, %mul3A_175 : i32
      %add3A_177 = arith.constant 384 : i32
      %add3A_178 = arith.addi %add3A_177, %mul3A_176 : i32
      %add3A_179 = arith.constant 0 : i32
      %add3A_180 = arith.addi %add3A_178, %add3A_179 : i32
      %get3A = arith.index_cast %add3A_180 : i32 to index
      %get3A_181 = tpu.vector_load %arg9[%get3A] {strides = array<i32>} : memref<512xf32, #tpu.memory_space<vmem>>, vector<16xf32>,
      %mul3A_182 = arith.mulf %get3A_181, %sub3A_172 : vector<16xf32>
      %sub3A_183 = arith.constant 1.000000e+00 : f32
      %sub3A_184 = vector.broadcast %sub3A_183 : f32 to vector<16xf32>
      %sub3A_185 = arith.subf %sub3A_184, %get3A_181 : vector<16xf32>
      %sub3A_186 = arith.constant 5.000000e-01 : f32
      %sub3A_187 = vector.broadcast %sub3A_186 : f32 to vector<16xf32>
      %sub3A_188 = arith.subf %sub3A_187, %sub3A_172 : vector<16xf32>
      %max3A_189 = arith.constant 0.000000e+00 : f32
      %max3A_190 = vector.broadcast %max3A_189 : f32 to vector<16xf32>
      %max3A_191 = arith.maximumf %max3A_190, %sub3A_188 : vector<16xf32>
      %mul3A_192 = arith.mulf %sub3A_185, %max3A_191 : vector<16xf32>
      %add3A_193 = arith.addf %mul3A_182, %mul3A_192 : vector<16xf32>
      %mul3A_194 = arith.mulf %add3A_193, %add3A_193 : vector<16xf32>
      %mul3A_195 = arith.constant 3.05175781E-5 : f32
      %mul3A_196 = vector.broadcast %mul3A_195 : f32 to vector<16xf32>
      %mul3A_197 = arith.mulf %mul3A_196, %mul3A_194 : vector<16xf32>
      %add3A_198 = arith.addf %scan3A_119, %mul3A_197 : vector<16xf32>
      %iota3A_199 = tpu.iota {dimensions = array<i32: 0>} : vector<16xi32>
      %add3A_200 = arith.constant 16 : i32
      %add3A_201 = vector.broadcast %add3A_200 : i32 to vector<16xi32>
      %add3A_202 = arith.addi %iota3A_199, %add3A_201 : vector<16xi32>
      %broadcast_in_dim3A_203 = arith.constant 0.000000e+00 : f32
      %broadcast_in_dim3A_204 = vector.broadcast %broadcast_in_dim3A_203 : f32 to vector<16xf32>
      %parallel_loop3A_205 = arith.constant 0 : i32
      %parallel_loop3A_206 = arith.constant 16 : i32
      %parallel_loop3A_207 = arith.constant 1 : i32
      %parallel_loop3A_208:3 = scf.for %parallel_loop3A_282 = %parallel_loop3A_205 to %parallel_loop3A_206 step %parallel_loop3A_207 iter_args(%parallel_loop3A_283 = %broadcast_in_dim3A_204, %parallel_loop3A_284 = %broadcast_in_dim3A_204, %parallel_loop3A_285 = %broadcast_in_dim3A_204) -> (vector<16xf32>, vector<16xf32>, vector<16xf32>)  : i32 {
        %parallel_loop3A_286 = arith.constant 0 : i32
        %parallel_loop3A_287 = vector.broadcast %parallel_loop3A_286 : i32 to vector<16xi32>
        %parallel_loop3A_288 = vector.broadcast %parallel_loop3A_282 : i32 to vector<16xi32>
        %parallel_loop3A_289 = arith.addi %parallel_loop3A_287, %parallel_loop3A_288 : vector<16xi32>
        %parallel_loop3A_290 = tpu.vector_load_idx %arg14[%add3A_202, %parallel_loop3A_289] : memref<32x17xf32, #tpu.memory_space<vmem>>[vector<16xi32>, vector<16xi32>], vector<16xf32>,
        %parallel_loop3A_291 = arith.addf %parallel_loop3A_283, %parallel_loop3A_290 : vector<16xf32>
        %parallel_loop3A_292 = tpu.vector_load_idx %arg15[%add3A_202, %parallel_loop3A_289] : memref<32x17xf32, #tpu.memory_space<vmem>>[vector<16xi32>, vector<16xi32>], vector<16xf32>,
        %parallel_loop3A_293 = arith.addf %parallel_loop3A_284, %parallel_loop3A_292 : vector<16xf32>
        %parallel_loop3A_294 = tpu.vector_load_idx %arg16[%add3A_202, %parallel_loop3A_289] : memref<32x17xf32, #tpu.memory_space<vmem>>[vector<16xi32>, vector<16xi32>], vector<16xf32>,
        %parallel_loop3A_295 = arith.addf %parallel_loop3A_285, %parallel_loop3A_294 : vector<16xf32>
        scf.yield %parallel_loop3A_291, %parallel_loop3A_293, %parallel_loop3A_295 : vector<16xf32>, vector<16xf32>, vector<16xf32>
      } {sc.loop_unroll_factor = 4 : i64, sc.parallel_access}
      %max3A_209 = arith.constant 1.000000e-16 : f32
      %max3A_210 = vector.broadcast %max3A_209 : f32 to vector<16xf32>
      %max3A_211 = arith.maximumf %parallel_loop3A_208#1, %max3A_210 : vector<16xf32>
      %max3A_212 = arith.constant 1.000000e-16 : f32
      %max3A_213 = vector.broadcast %max3A_212 : f32 to vector<16xf32>
      %max3A_214 = arith.maximumf %parallel_loop3A_208#2, %max3A_213 : vector<16xf32>
      %mul3A_215 = arith.mulf %max3A_211, %max3A_214 : vector<16xf32>
      %bitcast3A_216 = vector.bitcast %mul3A_215 : vector<16xf32> to vector<16xi32>
      %shift_right_arithmetic3A_217 = arith.constant 1 : i32
      %shift_right_arithmetic3A_218 = vector.broadcast %shift_right_arithmetic3A_217 : i32 to vector<16xi32>
      %shift_right_arithmetic3A_219 = arith.shrsi %bitcast3A_216, %shift_right_arithmetic3A_218 : vector<16xi32>
      %sub3A_220 = arith.constant 1597463007 : i32
      %sub3A_221 = vector.broadcast %sub3A_220 : i32 to vector<16xi32>
      %sub3A_222 = arith.subi %sub3A_221, %shift_right_arithmetic3A_219 : vector<16xi32>
      %bitcast3A_223 = vector.bitcast %sub3A_222 : vector<16xi32> to vector<16xf32>
      %mul3A_224 = arith.constant 5.000000e-01 : f32
      %mul3A_225 = vector.broadcast %mul3A_224 : f32 to vector<16xf32>
      %mul3A_226 = arith.mulf %mul3A_225, %mul3A_215 : vector<16xf32>
      %mul3A_227 = arith.mulf %mul3A_226, %bitcast3A_223 : vector<16xf32>
      %mul3A_228 = arith.mulf %mul3A_227, %bitcast3A_223 : vector<16xf32>
      %sub3A_229 = arith.constant 1.500000e+00 : f32
      %sub3A_230 = vector.broadcast %sub3A_229 : f32 to vector<16xf32>
      %sub3A_231 = arith.subf %sub3A_230, %mul3A_228 : vector<16xf32>
      %mul3A_232 = arith.mulf %bitcast3A_223, %sub3A_231 : vector<16xf32>
      %mul3A_233 = arith.constant 5.000000e-01 : f32
      %mul3A_234 = vector.broadcast %mul3A_233 : f32 to vector<16xf32>
      %mul3A_235 = arith.mulf %mul3A_234, %mul3A_215 : vector<16xf32>
      %mul3A_236 = arith.mulf %mul3A_235, %mul3A_232 : vector<16xf32>
      %mul3A_237 = arith.mulf %mul3A_236, %mul3A_232 : vector<16xf32>
      %sub3A_238 = arith.constant 1.500000e+00 : f32
      %sub3A_239 = vector.broadcast %sub3A_238 : f32 to vector<16xf32>
      %sub3A_240 = arith.subf %sub3A_239, %mul3A_237 : vector<16xf32>
      %mul3A_241 = arith.mulf %mul3A_232, %sub3A_240 : vector<16xf32>
      %mul3A_242 = arith.constant 5.000000e-01 : f32
      %mul3A_243 = vector.broadcast %mul3A_242 : f32 to vector<16xf32>
      %mul3A_244 = arith.mulf %mul3A_243, %mul3A_215 : vector<16xf32>
      %mul3A_245 = arith.mulf %mul3A_244, %mul3A_241 : vector<16xf32>
      %mul3A_246 = arith.mulf %mul3A_245, %mul3A_241 : vector<16xf32>
      %sub3A_247 = arith.constant 1.500000e+00 : f32
      %sub3A_248 = vector.broadcast %sub3A_247 : f32 to vector<16xf32>
      %sub3A_249 = arith.subf %sub3A_248, %mul3A_246 : vector<16xf32>
      %mul3A_250 = arith.mulf %mul3A_241, %sub3A_249 : vector<16xf32>
      %mul3A_251 = arith.mulf %parallel_loop3A_208#0, %mul3A_250 : vector<16xf32>
      %sub3A_252 = arith.constant 1.000000e+00 : f32
      %sub3A_253 = vector.broadcast %sub3A_252 : f32 to vector<16xf32>
      %sub3A_254 = arith.subf %sub3A_253, %mul3A_251 : vector<16xf32>
      %mul3A_255 = arith.constant 2 : i32
      %mul3A_256 = arith.muli %scan3A_118, %mul3A_255 : i32
      %mul3A_257 = arith.constant 16 : i32
      %mul3A_258 = arith.muli %mul3A_256, %mul3A_257 : i32
      %add3A_259 = arith.constant 384 : i32
      %add3A_260 = arith.addi %add3A_259, %mul3A_258 : i32
      %add3A_261 = arith.constant 16 : i32
      %add3A_262 = arith.addi %add3A_260, %add3A_261 : i32
      %get3A_263 = arith.index_cast %add3A_262 : i32 to index
      %get3A_264 = tpu.vector_load %arg9[%get3A_263] {strides = array<i32>} : memref<512xf32, #tpu.memory_space<vmem>>, vector<16xf32>,
      %mul3A_265 = arith.mulf %get3A_264, %sub3A_254 : vector<16xf32>
      %sub3A_266 = arith.constant 1.000000e+00 : f32
      %sub3A_267 = vector.broadcast %sub3A_266 : f32 to vector<16xf32>
      %sub3A_268 = arith.subf %sub3A_267, %get3A_264 : vector<16xf32>
      %sub3A_269 = arith.constant 5.000000e-01 : f32
      %sub3A_270 = vector.broadcast %sub3A_269 : f32 to vector<16xf32>
      %sub3A_271 = arith.subf %sub3A_270, %sub3A_254 : vector<16xf32>
      %max3A_272 = arith.constant 0.000000e+00 : f32
      %max3A_273 = vector.broadcast %max3A_272 : f32 to vector<16xf32>
      %max3A_274 = arith.maximumf %max3A_273, %sub3A_271 : vector<16xf32>
      %mul3A_275 = arith.mulf %sub3A_268, %max3A_274 : vector<16xf32>
      %add3A_276 = arith.addf %mul3A_265, %mul3A_275 : vector<16xf32>
      %mul3A_277 = arith.mulf %add3A_276, %add3A_276 : vector<16xf32>
      %mul3A_278 = arith.constant 3.05175781E-5 : f32
      %mul3A_279 = vector.broadcast %mul3A_278 : f32 to vector<16xf32>
      %mul3A_280 = arith.mulf %mul3A_279, %mul3A_277 : vector<16xf32>
      %add3A_281 = arith.addf %add3A_198, %mul3A_280 : vector<16xf32>
      scf.yield %add3A_281 : vector<16xf32>
    }
    %scan3A_116 = arith.constant 4 : i32
    %swap3A = arith.constant 0 : index
    %swap3A_117 = tpu.vector_load %arg17[%swap3A] {strides = array<i32>} : memref<16xf32, #tpu.memory_space<vmem>>, vector<16xf32>,
    tpu.vector_store %arg17[%swap3A], %scan3A_115 {strides = array<i32>} : memref<16xf32, #tpu.memory_space<vmem>>, vector<16xf32>,
    "tpu.region"() ({
      %run_scoped3A = tpu.sem_alloc : memref<!tpu.dma_semaphore, #tpu.memory_space<semaphore_mem>>
      %dma_start3A_118 = arith.constant 0 : i32
      %dma_start3A_119 = tpu.memref_slice %arg6[%add3A, %dma_start3A_118] : memref<32x16xf32, #tpu.memory_space<hbm>> -> memref<1x16xf32, #tpu.memory_space<hbm>>
      %dma_start3A_120 = tpu.memref_squeeze %dma_start3A_119 : memref<1x16xf32, #tpu.memory_space<hbm>> -> memref<16xf32, #tpu.memory_space<hbm>>
      %dma_start3A_121 = arith.constant 0 : i32
      %dma_start3A_122 = tpu.memref_slice %arg6[%add3A, %dma_start3A_121] : memref<32x16xf32, #tpu.memory_space<hbm>> -> memref<1x16xf32, #tpu.memory_space<hbm>>
      %dma_start3A_123 = tpu.memref_squeeze %dma_start3A_122 : memref<1x16xf32, #tpu.memory_space<hbm>> -> memref<16xf32, #tpu.memory_space<hbm>>
      tpu.enqueue_dma source(%arg17 : memref<16xf32, #tpu.memory_space<vmem>>) target(%dma_start3A_123 : memref<16xf32, #tpu.memory_space<hbm>>) target_semaphore(%run_scoped3A : memref<!tpu.dma_semaphore, #tpu.memory_space<semaphore_mem>>)
      %dma_wait3A_124 = arith.constant 0 : i32
      %dma_wait3A_125 = tpu.memref_slice %arg6[%add3A, %dma_wait3A_124] : memref<32x16xf32, #tpu.memory_space<hbm>> -> memref<1x16xf32, #tpu.memory_space<hbm>>
      %dma_wait3A_126 = tpu.memref_squeeze %dma_wait3A_125 : memref<1x16xf32, #tpu.memory_space<hbm>> -> memref<16xf32, #tpu.memory_space<hbm>>
      %dma_wait3A_127 = arith.constant 0 : i32
      %dma_wait3A_128 = tpu.memref_slice %arg6[%add3A, %dma_wait3A_127] : memref<32x16xf32, #tpu.memory_space<hbm>> -> memref<1x16xf32, #tpu.memory_space<hbm>>
      %dma_wait3A_129 = tpu.memref_squeeze %dma_wait3A_128 : memref<1x16xf32, #tpu.memory_space<hbm>> -> memref<16xf32, #tpu.memory_space<hbm>>
      tpu.wait_dma2 semaphore(%run_scoped3A : memref<!tpu.dma_semaphore, #tpu.memory_space<semaphore_mem>>) src(%arg17 : memref<16xf32, #tpu.memory_space<vmem>>) dst(%dma_wait3A_129 : memref<16xf32, #tpu.memory_space<hbm>>)
      tpu.yield
    }) : () -> ()
    return
  }
}

</mosaic_0001>

<sc_bundles>
// kernel: kernel.3.cloned.1.call-start
scs
__scs_entry_jumppad:
0x0: {  	(pc) =	sbr.rel $0x88, $3  }
0x1: {  	(tag) =	ssettag $0x0;
	lr =	simm.s32 $0x1  }
0x2: {  	[smem:$0x3F9F] =	sst lr;
	_ =	strace $0xD0000000  }
0x3: {  	_ = 	snop  }
0x4: {  	_ = 	snop  }
0x5: {  	_ = 	snop  }
0x6: {  	_ = 	snop  }
0x7: {  	_ = 	snop  }
__scs_overlays_trampoline_lowered:
0x8: {  	[smem:$0x3FAE] =	sst s0  }
0x9: {  	[smem:$0x3FAF] =	sst s1  }
0xa: {  	[smem:$0x3FB0] =	sst s2  }
0xb: {  	[smem:$0x3FB1] =	sst s3  }
0xc: {  	[smem:$0x3FB2] =	sst s4  }
0xd: {  	[smem:$0x3FB3] =	sst s5  }
0xe: {  	[smem:$0x3FB4] =	sst s6  }
0xf: {  	[smem:$0x3FB5] =	sst s7  }
0x10: {  	[smem:$0x3FB6] =	sst s8  }
0x11: {  	[smem:$0x3FB7] =	sst s9;
	s0 =	simm.s32 @!p0 $0x0  }
0x12: {  	s1 =	sld [smem:$0x3F9D];
	s0 =	simm.s32 @p0 $0x1  }
0x13: {  	[smem:$0x3FB8] =	sst s0;
	s0 =	simm.s32 @!p1 $0x0  }
0x14: {  	s2 =	sld [smem:$0x3F9C];
	s0 =	simm.s32 @p1 $0x1  }
0x15: {  	[smem:$0x3FB9] =	sst s0;
	s0 =	simm.s32 @!p2 $0x0  }
0x16: {  	s3 =	sld [smem:$0x3FDB];
	s0 =	simm.s32 @p2 $0x1  }
0x17: {  	s4 =	simm.s32 $0x1BF5;
	[smem:$0x3FBB] =	sst s0  }
0x18: {  	s0 =	sld [smem:$0x3F9E];
	_ =	swait.ge [sflag:s4], $0x0  }
0x19: {  	s7 =	sld [smem:$0x3F9F]  }
0x1a: {  	s8 =	sadd.s32 $0xFFFFE003, lr  }
0x1b: {  	s9 =	sadd.s32 $0xFFFFFEF7, lr;
	s5 =	simm.s32 $0xFFFFFFFF;
	p2 =	slt.u32 s8, $0xFFFFF086  }
0x1c: {  	p1 =	slt.u32 s9, $0xF7A;
	s5 =	simm.s32 @!p2 $0x0  }
0x1d: {  	s5 =	simm.s32 @p1 $0x1;
	p0 =	seq.s32 s7, s2  }
0x1e: {  	s7 =	smul.u32 @!p0 $0xF7A, s2;
	p2 =	seq.s32 @!p0 s5, $0x0  }
0x1f: {  	s9 =	smul.u32 $0xF7A, s1;
	s8 =	simm.s32 @!p0 $0x1BF5;
	p2 =	por !p2, p0  }
0x20: {  	[sflag:s8] =	ssyncset.s32 @!p0 $0xFFFFF086;
	s6 =	sadd.s32 @!p0 s3, s7;
	s7 =	simm.s32 @!p0 $0x108  }
0x21: {  	s3 =	sadd.s32 s3, s9;
	s6 =	sadd.s32 @!p0 $0x88, s6;
	s7 =	simm.s32 @p2 $0x1082  }
0x22: {  	[simem:s7], [sflag:s8] =	dma.local @!p0 [hbm:s6], $0xF7A  }
0x23: {  	s9 =	sor.u32 $0xD0000000, s2;
	s6 =	simm.s32 $0x108;
	_ =	swait.ge @!p0 [sflag:s8], $0x0  }
0x24: {  	s3 =	sadd.s32 $0x88, s3;
	s6 =	simm.s32 @!p1 $0x1082;
	[sflag:s4] =	ssyncset.s32 $0xFFFFF086  }
0x25: {  	[simem:s6], [sflag:s4] =	dma.local [hbm:s3], $0xF7A  }
0x26: {  	[smem:$0x3F9F] =	sst s1;
	(tag) =	ssettag s2;
	_ =	strace s9  }
0x27: {  	s1 =	sld [smem:$0x3FAF]  }
0x28: {  	s2 =	sld [smem:$0x3FB0]  }
0x29: {  	s4 =	sld [smem:$0x3FB2]  }
0x2a: {  	p0 =	seq.s32 s5, $0x0;
	s5 =	sld [smem:$0x3FB3]  }
0x2b: {  	s6 =	sld [smem:$0x3FB4]  }
0x2c: {  	s7 =	sld [smem:$0x3FB5]  }
0x2d: {  	s3 =	simm.s32 $0x108;
	s8 =	sld [smem:$0x3FB6]  }
0x2e: {  	s3 =	simm.s32 @!p0 $0x1082;
	s9 =	sld [smem:$0x3FB7]  }
0x2f: {  	lr =	sadd.s32 s0, s3;
	s0 =	sld [smem:$0x3FAE]  }
0x30: {  	s3 =	sld [smem:$0x3FB1]  }
0x31: {  	[smem:$0x3FBA] =	sst s10  }
0x32: {  	s10 =	sld [smem:$0x3FB8];
	_ =	sdelay $0x3  }
0x33: {  	p0 =	seq.s32 s10, $0x1;
	s10 =	sld [smem:$0x3FBA];
	_ =	sdelay $0x3  }
0x34: {  	[smem:$0x3FBA] =	sst s10  }
0x35: {  	s10 =	sld [smem:$0x3FB9];
	_ =	sdelay $0x3  }
0x36: {  	p1 =	seq.s32 s10, $0x1;
	s10 =	sld [smem:$0x3FBA];
	_ =	sdelay $0x3  }
0x37: {  	[smem:$0x3FBA] =	sst s10  }
0x38: {  	s10 =	sld [smem:$0x3FBB]  }
0x39: {  	_ = 	snop;
	(pc) =	sbr.ind lr, $3  }
0x3a: {  	_ = 	snop  }
0x3b: {  	_ = 	snop  }
0x3c: {  	p2 =	seq.s32 s10, $0x1;
	s10 =	sld [smem:$0x3FBA]  }
0x3d: {  	_ =	shalt  }
0x3e: {  	_ =	shalt  }
0x3f: {  	_ =	shalt  }
0x40: {  	_ =	shalt  }
0x41: {  	_ =	shalt  }
0x42: {  	_ =	shalt  }
0x43: {  	_ =	shalt  }
0x44: {  	_ =	shalt  }
0x45: {  	_ =	shalt  }
0x46: {  	_ =	shalt  }
0x47: {  	_ =	shalt  }
0x48: {  	_ =	shalt  }
0x49: {  	_ =	shalt  }
0x4a: {  	_ =	shalt  }
0x4b: {  	_ =	shalt  }
0x4c: {  	_ =	shalt  }
0x4d: {  	_ =	shalt  }
0x4e: {  	_ =	shalt  }
0x4f: {  	_ =	shalt  }
0x50: {  	_ =	shalt  }
0x51: {  	_ =	shalt  }
0x52: {  	_ =	shalt  }
0x53: {  	_ =	shalt  }
0x54: {  	_ =	shalt  }
0x55: {  	_ =	shalt  }
0x56: {  	_ =	shalt  }
0x57: {  	_ =	shalt  }
0x58: {  	_ =	shalt  }
0x59: {  	_ =	shalt  }
0x5a: {  	_ =	shalt  }
0x5b: {  	_ =	shalt  }
0x5c: {  	_ =	shalt  }
0x5d: {  	_ =	shalt  }
0x5e: {  	_ =	shalt  }
0x5f: {  	_ =	shalt  }
0x60: {  	_ =	shalt  }
0x61: {  	_ =	shalt  }
0x62: {  	_ =	shalt  }
0x63: {  	_ =	shalt  }
0x64: {  	_ =	shalt  }
0x65: {  	_ =	shalt  }
0x66: {  	_ =	shalt  }
0x67: {  	_ =	shalt  }
0x68: {  	_ =	shalt  }
0x69: {  	_ =	shalt  }
0x6a: {  	_ =	shalt  }
0x6b: {  	_ =	shalt  }
0x6c: {  	_ =	shalt  }
0x6d: {  	_ =	shalt  }
0x6e: {  	_ =	shalt  }
0x6f: {  	_ =	shalt  }
0x70: {  	_ =	shalt  }
0x71: {  	_ =	shalt  }
0x72: {  	_ =	shalt  }
0x73: {  	_ =	shalt  }
0x74: {  	_ =	shalt  }
0x75: {  	_ =	shalt  }
0x76: {  	_ =	shalt  }
0x77: {  	_ =	shalt  }
0x78: {  	_ =	shalt  }
0x79: {  	_ =	shalt  }
0x7a: {  	_ =	shalt  }
0x7b: {  	_ =	shalt  }
0x7c: {  	_ =	shalt  }
0x7d: {  	_ =	shalt  }
0x7e: {  	_ =	shalt  }
0x7f: {  	_ =	shalt  }
0x80: {  	_ =	shalt  }
0x81: {  	_ =	shalt  }
0x82: {  	_ =	shalt  }
0x83: {  	_ =	shalt  }
0x84: {  	_ =	shalt  }
0x85: {  	_ =	shalt  }
0x86: {  	_ =	shalt  }
0x87: {  	_ =	shalt  }
.Lfunc_end0:
.L_simem_size_0:
called_computation_lowered:
.L_overlay_start_0:
0x88: {  	s2 =	sld [smem:$0x3FD9]  }
0x89: {  	s3 =	sld [smem:$0x3FFE];
	_ =	sdelay $0x1  }
0x8a: {  	s1 =	srdreg.scid  }
0x8b: {  	s0 =	sand.u32 $0x1, s1  }
0x8c: {  	s17 =	sshll.u32 s0, $0xA;
	s2 =	sadd.s32 s3, s2  }
0x8d: {  	s2 =	sadd.s32 s2, s17  }
0x8e: {  	[smem:$0x3FC6] =	sst s2  }
0x8f: {  	_ = 	snop  }
0x90: {  	s2 =	sld [smem:$0x3FC9];
	(tm) =	ssettm $0x1  }
0x91: {  	s18 =	sld [smem:$0x3FFB];
	_ =	sdelay $0x3  }
0x92: {  	_ =	strace s18  }
0x93: {  	s3 =	sld [smem:$0x3FFC];
	_ =	sdelay $0x3  }
0x94: {  	_ =	strace s3  }
0x95: {  	s3 =	sld [smem:$0x3FFD];
	_ =	sdelay $0x3  }
0x96: {  	_ =	strace s3  }
0x97: {  	_ =	strace $0x8FFFFFFF  }
0x98: {  	s19 =	sld [smem:$0x3FDB];
	_ =	sdelay $0x1  }
0x99: {  	s4 =	simm.s32 $_scs_section_size  }
0x9a: {  	s5 =	simm.s32 $_size__tile_overlayer_lowered;
	s6 =	simm.s32 $_tile_overlayer_lowered  }
0x9b: {  	s22 =	simm.s32 $0x1BFF;
	s21 =	sshll.u32 s6, $0x1;
	s3 =	sadd.s32 s4, s19  }
0x9c: {  	s7 =	simm.s32 $0x0;
	s20 =	sshll.u32 s5, $0x1;
	s5 =	sadd.s32 s21, s3  }
0x9d: {  	[timem:s7], [sflag:s22] =	dma.local [hbm:s5], s20  }
0x9e: {  	_ =	swait.ge [sflag:s22], s20  }
0x9f: {  	s4 =	ssub.s32 $0x0, s20;
	[sflag:s22] =	ssyncset.done $0x0  }
0xa0: {  	[sflag:s22] =	ssyncadd.s32 s4;
	_ =	sdelay $0x1  }
0xa1: {  	s23 =	simm.s32 $0x1B8B  }
0xa2: {  	_ =	swait.ge [sflag:s23], $0x1  }
0xa3: {  	[sflag:s23] =	ssyncset.done $0x0  }
0xa4: {  	s25 =	simm.s32 $0x1B8E;
	s24 =	sld [smem:$0x3FFE];
	[sflag:s23] =	ssyncadd.s32 $0xFFFFFFFF  }
0xa5: {  	s26 =	simm.s32 $execute0_lowered;
	[smem:$0x3FD2] =	sst s25  }
0xa6: {  	s5 =	sshll.u32 s26, $0x1;
	_ =	strace $0x80000046;
	[dreg:$0x1] =	wrdreg $0xFFFFFFFF  }
0xa7: {  	s28 =	simm.s32 $_size_execute0_lowered;
	s3 =	sadd.s32 s3, s5;
	[dreg:$0x0] =	wrdreg $0x0  }
0xa8: {  	s5 =	sshll.u32 s28, $0x1;
	[dreg:$0x2] =	wrdreg s3  }
0xa9: {  	[dreg:$0x3] =	wrdreg s5  }
0xaa: {  	[dreg:$0x4] =	wrdreg $0xC0  }
0xab: {  	_ =	task [dreg:s7], $0x5FFFF  }
0xac: {  	[dreg:$0x1] =	wrdreg $0xFFFFFFFF  }
0xad: {  	[dreg:$0x0] =	wrdreg $0x60  }
0xae: {  	[dreg:$0x2] =	wrdreg s2  }
0xaf: {  	[dreg:$0x3] =	wrdreg s24  }
0xb0: {  	[dreg:$0x4] =	wrdreg $0x9  }
0xb1: {  	_ =	task.clear_ibuf [dreg:s7], $0x5FFFF;
	_ =	strace $0x90000046  }
0xb2: {  	s29 =	simm.s32 $0x9;
	_ =	strace $0x80000048  }
0xb3: {  	_ =	swait.ge [sflag:s29], $0x1  }
0xb4: {  	[sflag:s29] =	ssyncadd.s32 $0xFFFFFFFF  }
0xb5: {  	_ =	strace $0x90000048  }
0xb6: {  	_ =	sfence  }
0xb7: {  	s30 =	sld [smem:$0x0];
	_ =	sdelay $0x2  }
0xb8: {  	s31 =	sshll.u32 s1, $0xD;
	s1 =	sshrl.u32 s1, $0x2  }
0xb9: {  	s3 =	sand.u32 $0x4000, s31;
	s1 =	sadd.s32 s1, s30  }
0xba: {  	s0 =	sor.u32 s3, s0;
	s1 =	sshll.u32 s1, $0x11  }
0xbb: {  	s0 =	sor.u32 s1, s0  }
0xbc: {  	s0 =	sadd.s32 $0x8F2B, s0  }
0xbd: {  	[sflag:s0] =	ssyncadd.remote.s32 $0x1  }
0xbe: {  	_ =	sfence.sel $0xFFFF  }
0xbf: {  	[dreg:$0x0] =	wrdreg $0xFFFFFFFF;
	(pc) =	sbr.abs _section_cstart, $3  }
0xc0: {  	[dreg:$0x1] =	wrdreg $0xFFFFFFFF  }
0xc1: {  	_ =	task.clear_ibuf [dreg:s7], $0x2FFFF;
	_ =	strace $0x9FFFFFFF  }
0xc2: {  	(tm) =	ssettm $0x7FFFFFFF  }
0xc3: {  	_ =	shalt  }
tec
execute0_lowered:
.L_overlay_start_1:
0x0: {  	(tag) =	ssettag $0x1  }
0x1: {  	s2 =	rddreg [dreg:$0x0]  }
0x2: {  	s0 =	srdreg.scid;
	s1 =	rddreg [dreg:$0x1]  }
0x3: {  	s7 =	stileid.u32;
	s3 =	simm.s32 $0x0;
	s9 =	simm.s32 $0x200  }
0x4: {  	s11 =	simm.s32 $0x1;
	s12 =	simm.s32 $0x80;
	s13 =	simm.s32 $0x600  }
0x5: {  	s14 =	simm.s32 $0x4600;
	s15 =	simm.s32 $0x2;
	s16 =	simm.s32 $0x8600  }
0x6: {  	s18 =	simm.s32 $0xC600;
	s19 =	simm.s32 $0x10600;
	s20 =	simm.s32 $0x11600  }
0x7: {  	s21 =	simm.s32 $0x12600;
	s28 =	simm.s32 $0x3;
	s0 =	sand.u32 $0x1, s0  }
0x8: {  	s29 =	simm.s32 $0x0;
	[smem:$0x7FF] =	sst s3;
	s4 =	sshll.u32 s0, $0x4  }
0x9: {  	s26 =	sshll.u32 s7, $0x4;
	s0 =	ssub.s32 $0x2, s0;
	s4 =	sor.u32 s7, s4  }
0xa: {  	_ =	strace $0x80000047;
	s30 =	sshrl.u32 s0, $0x1;
	s5 =	sshll.u32 s4, $0x6  }
0xb: {  	s4 =	sshll.u32 s4, $0x4;
	s6 =	sadd.s32 s5, s1;
	s5 =	sand.u32 $0x70, s26  }
0xc: {  	s0 =	ssub.s32 s0, s30;
	s31 =	sand.u32 $0x180, s4;
	s1 =	sadd.s32 s5, s1  }
0xd: {  	v0 =	vlaneseq.u32;
	s8 =	smax.u32 s0, $0x1;
	s4 =	sadd.s32 $0x1200, s6;
	s1 =	sadd.s32 s31, s1  }
0xe: {  	v0 =	vmul.u32 $0x80, v0;
	s5 =	sadd.s32 $0xA00, s6;
	s6 =	sadd.s32 $0x200, s6;
	s7 =	sadd.s32 $0x1A00, s1  }
.LBB2_1:
0xf: {  	[tilespmem:s3], [sflag:$0x1] =	stream.linear.gather [hbm4b:s4+s3], $0x200, $0x38;
	[tilespmem:$0x13680] =	vst v63  }
0x10: {  	_ = 	snop  }
0x11: {  	[tilespmem:s9], [sflag:$0x1] =	stream.linear.gather [hbm4b:s5+s3], $0x200, $0x38;
	[tilespmem:$0x13680] =	vst v63  }
0x12: {  	s0 =	simm.s32 $0x400  }
0x13: {  	[tilespmem:s0], [sflag:$0x2] =	stream.linear.gather [hbm4b:s6+s3], $0x200, $0x38;
	[tilespmem:$0x13680] =	vst v63  }
0x14: {  	_ =	swait.ge [sflag:s11], $0x200  }
0x15: {  	[sflag:s11] =	ssyncset.done $0x0  }
0x16: {  	[sflag:s11] =	ssyncadd.s32 $0xFFFFFE00  }
0x17: {  	_ =	swait.ge [sflag:s11], $0x200  }
0x18: {  	[sflag:s11] =	ssyncset.done $0x0  }
0x19: {  	[sflag:s11] =	ssyncadd.s32 $0xFFFFFE00  }
0x1a: {  	[tilespmem:s13], [sflag:$0x1] =	stream.indirect.gather [hbm4b:s2+s12], $0x80, s3, s12, $0xb8;
	[tilespmem:$0x13680] =	vst v63  }
0x1b: {  	_ = 	snop  }
0x1c: {  	[tilespmem:s14], [sflag:$0x1] =	stream.indirect.gather [hbm4b:s2+s12], $0x80, s9, s12, $0xb8;
	[tilespmem:$0x13680] =	vst v63  }
0x1d: {  	_ =	swait.ge [sflag:s15], $0x200  }
0x1e: {  	[sflag:s15] =	ssyncset.done $0x0  }
0x1f: {  	[sflag:s15] =	ssyncadd.s32 $0xFFFFFE00  }
0x20: {  	_ =	swait.ge [sflag:s11], $0x4000  }
0x21: {  	[sflag:s11] =	ssyncset.done $0x0  }
0x22: {  	[sflag:s11] =	ssyncadd.s32 $0xFFFFC000  }
0x23: {  	_ =	swait.ge [sflag:s11], $0x4000  }
0x24: {  	[sflag:s11] =	ssyncset.done $0x0  }
0x25: {  	s26 =	simm.s32 $0x280;
	[sflag:s11] =	ssyncadd.s32 $0xFFFFC000  }
0x26: {  	[tilespmem:s16], [sflag:$0x2] =	stream.indirect.gather [hbm4b:s2+s12], $0x80, s12, s12, $0xb8;
	[tilespmem:$0x13680] =	vst v63  }
0x27: {  	s30 =	simm.s32 $0x700;
	s31 =	simm.s32 $0x4700;
	s0 =	simm.s32 $0x0  }
0x28: {  	v1 =	vimm.f32 $0.0e+00;
	[tilespmem:s18], [sflag:$0x2] =	stream.indirect.gather [hbm4b:s2+s12], $0x80, s26, s12, $0xb8;
	[tilespmem:$0x13680] =	vst v63  }
.LBB2_2:
0x29: {  	v2 =	vld [tilespmem:s30+$0xA0]  }
0x2a: {  	v3 =	vld [tilespmem:s31+$0xA0]  }
0x2b: {  	v4 =	vld [tilespmem:s30+$0x80]  }
0x2c: {  	v5 =	vld [tilespmem:s31+$0x80]  }
0x2d: {  	v6 =	vld [tilespmem:s30+$0x90]  }
0x2e: {  	v7 =	vld [tilespmem:s31+$0x90]  }
0x2f: {  	v8 =	vld [tilespmem:s31+$0xFFFFFF00]  }
0x30: {  	v9 =	vld [tilespmem:s30+$0xB0]  }
0x31: {  	v11 =	vld [tilespmem:s31+$0xB0];
	v10 =	vmul.f32 v5, v4  }
0x32: {  	v12 =	vld [tilespmem:s30+$0xC0]  }
0x33: {  	v15 =	vld [tilespmem:s31+$0xC0];
	v13 =	vmul.f32 v7, v6;
	v14 =	vmul.f32 v3, v2;
	v10 =	vadd.f32 $0.0e+00, v10  }
0x34: {  	v16 =	vld [tilespmem:s30+$0xD0];
	v4 =	vmul.f32 v4, v4;
	v6 =	vmul.f32 v6, v6  }
0x35: {  	v5 =	vmul.f32 v5, v5;
	v7 =	vmul.f32 v7, v7;
	v10 =	vadd.f32 v13, v10;
	v13 =	vld [tilespmem:s31+$0xD0]  }
0x36: {  	v17 =	vld [tilespmem:s30+$0xE0];
	v2 =	vmul.f32 v2, v2;
	v3 =	vmul.f32 v3, v3;
	v4 =	vadd.f32 v6, v4  }
0x37: {  	v6 =	vmul.f32 v11, v9;
	v5 =	vadd.f32 v7, v5;
	v7 =	vadd.f32 v14, v10;
	v10 =	vld [tilespmem:s31+$0xE0]  }
0x38: {  	v2 =	vadd.f32 v2, v4;
	v4 =	vmul.f32 v9, v9;
	v9 =	vmul.f32 v15, v12;
	v14 =	vld [tilespmem:s30+$0xF0]  }
0x39: {  	v3 =	vadd.f32 v3, v5;
	v5 =	vadd.f32 v6, v7;
	v6 =	vmul.f32 v11, v11;
	v7 =	vld [tilespmem:s31+$0xF0]  }
0x3a: {  	v18 =	vld [tilespmem:s31+$0xFFFFFF80];
	v2 =	vadd.f32 v4, v2;
	v4 =	vmul.f32 v12, v12;
	v12 =	vmul.f32 v13, v16  }
0x3b: {  	v11 =	vld [tilespmem:s30+$0xFFFFFF80];
	v3 =	vadd.f32 v6, v3;
	v5 =	vadd.f32 v9, v5;
	v6 =	vmul.f32 v15, v15  }
0x3c: {  	v2 =	vadd.f32 v4, v2;
	v4 =	vmul.f32 v16, v16;
	v16 =	vld [tilespmem:s31+$0x0];
	v15 =	vmul.f32 v10, v17  }
0x3d: {  	v9 =	vld [tilespmem:s30+$0x0];
	v3 =	vadd.f32 v6, v3;
	v5 =	vadd.f32 v12, v5;
	v6 =	vmul.f32 v13, v13  }
0x3e: {  	v2 =	vadd.f32 v4, v2;
	v4 =	vmul.f32 v17, v17;
	v12 =	vld [tilespmem:s30+$0xFFFFFF00];
	v13 =	vmul.f32 v7, v14  }
0x3f: {  	v17 =	vld [tilespmem:s30+$0xFFFFFF10];
	v3 =	vadd.f32 v6, v3;
	v5 =	vadd.f32 v15, v5;
	v6 =	vmul.f32 v10, v10  }
0x40: {  	v2 =	vadd.f32 v4, v2;
	v14 =	vmul.f32 v14, v14;
	v10 =	vld [tilespmem:s31+$0xFFFFFF10];
	v15 =	vmul.f32 v18, v11  }
0x41: {  	v19 =	vld [tilespmem:s30+$0xFFFFFF90];
	v6 =	vadd.f32 v6, v3;
	v4 =	vadd.f32 v13, v5;
	v5 =	vmul.f32 v7, v7  }
0x42: {  	v7 =	vadd.f32 $0.0e+00, v15;
	v13 =	vld [tilespmem:s31+$0xFFFFFF90];
	v15 =	vmul.f32 v16, v9;
	v3 =	vadd.f32 v14, v2  }
0x43: {  	v20 =	vld [tilespmem:s30+$0x10];
	v14 =	vmul.f32 v8, v12;
	v12 =	vmul.f32 v12, v12;
	v2 =	vadd.f32 v5, v6  }
0x44: {  	v5 =	vmul.f32 v8, v8;
	v6 =	vmul.f32 v17, v17;
	v8 =	vadd.f32 $0.0e+00, v15;
	v15 =	vld [tilespmem:s31+$0x10]  }
0x45: {  	v21 =	vld [tilespmem:s30+$0xFFFFFF20];
	v11 =	vmul.f32 v11, v11;
	v14 =	vadd.f32 $0.0e+00, v14;
	v17 =	vmul.f32 v10, v17  }
0x46: {  	v18 =	vmul.f32 v18, v18;
	v10 =	vmul.f32 v10, v10;
	v6 =	vadd.f32 v6, v12;
	v12 =	vld [tilespmem:s31+$0xFFFFFF20]  }
0x47: {  	v22 =	vld [tilespmem:s30+$0xFFFFFFA0];
	v9 =	vmul.f32 v9, v9;
	v14 =	vadd.f32 v17, v14;
	v17 =	vmul.f32 v13, v19  }
0x48: {  	v19 =	vmul.f32 v19, v19;
	v5 =	vadd.f32 v10, v5;
	v10 =	vmul.f32 v13, v13;
	v13 =	vld [tilespmem:s31+$0xFFFFFFA0]  }
0x49: {  	v23 =	vld [tilespmem:s30+$0x20];
	v16 =	vmul.f32 v16, v16;
	v7 =	vadd.f32 v17, v7;
	v17 =	vmul.f32 v15, v20  }
0x4a: {  	v11 =	vadd.f32 v19, v11;
	v19 =	vmul.f32 v20, v20;
	v15 =	vmul.f32 v15, v15;
	v20 =	vld [tilespmem:s31+$0x20]  }
0x4b: {  	v10 =	vadd.f32 v10, v18;
	v18 =	vmul.f32 v12, v21;
	v8 =	vadd.f32 v17, v8;
	v17 =	vld [tilespmem:s30+$0xFFFFFF30]  }
0x4c: {  	v21 =	vmul.f32 v21, v21;
	v9 =	vadd.f32 v19, v9;
	v19 =	vld [tilespmem:s31+$0xFFFFFF30];
	v15 =	vadd.f32 v15, v16  }
0x4d: {  	v12 =	vmul.f32 v12, v12;
	v16 =	vmul.f32 v13, v22;
	v14 =	vadd.f32 v18, v14;
	v18 =	vld [tilespmem:s30+$0xFFFFFFB0]  }
0x4e: {  	v13 =	vmul.f32 v13, v13;
	v6 =	vadd.f32 v21, v6;
	v21 =	vmul.f32 v22, v22;
	v22 =	vld [tilespmem:s31+$0xFFFFFFB0]  }
0x4f: {  	v5 =	vadd.f32 v12, v5;
	v12 =	vld [tilespmem:s30+$0x30];
	v7 =	vadd.f32 v16, v7;
	v16 =	vmul.f32 v20, v23  }
0x50: {  	v23 =	vmul.f32 v23, v23;
	v20 =	vmul.f32 v20, v20;
	v11 =	vadd.f32 v21, v11;
	v21 =	vld [tilespmem:s31+$0x30]  }
0x51: {  	v10 =	vadd.f32 v13, v10;
	v13 =	vmul.f32 v19, v17;
	v8 =	vadd.f32 v16, v8;
	v16 =	vld [tilespmem:s30+$0xFFFFFF40]  }
0x52: {  	v17 =	vmul.f32 v17, v17;
	v9 =	vadd.f32 v23, v9;
	v23 =	vld [tilespmem:s31+$0xFFFFFF40];
	v15 =	vadd.f32 v20, v15  }
0x53: {  	v20 =	vld [tilespmem:s30+$0xFFFFFFC0];
	v13 =	vadd.f32 v13, v14;
	v14 =	vmul.f32 v19, v19;
	v19 =	vmul.f32 v22, v18  }
0x54: {  	v6 =	vadd.f32 v17, v6;
	v17 =	vmul.f32 v18, v18;
	v18 =	vmul.f32 v22, v22;
	v22 =	vld [tilespmem:s31+$0xFFFFFFC0]  }
0x55: {  	v7 =	vadd.f32 v19, v7;
	v19 =	vmul.f32 v21, v12;
	v5 =	vadd.f32 v14, v5;
	v14 =	vld [tilespmem:s30+$0x40]  }
0x56: {  	v12 =	vmul.f32 v12, v12;
	v11 =	vadd.f32 v17, v11;
	v17 =	vmul.f32 v21, v21;
	v21 =	vld [tilespmem:s31+$0x40]  }
0x57: {  	v10 =	vadd.f32 v18, v10;
	v18 =	vmul.f32 v23, v16;
	v8 =	vadd.f32 v19, v8;
	v19 =	vld [tilespmem:s30+$0xFFFFFF50]  }
0x58: {  	v16 =	vmul.f32 v16, v16;
	v9 =	vadd.f32 v12, v9;
	v12 =	vld [tilespmem:s31+$0xFFFFFF50];
	v15 =	vadd.f32 v17, v15  }
0x59: {  	v17 =	vmul.f32 v23, v23;
	v23 =	vld [tilespmem:s30+$0xFFFFFFD0];
	v13 =	vadd.f32 v18, v13;
	v18 =	vmul.f32 v22, v20  }
0x5a: {  	v6 =	vadd.f32 v16, v6;
	v16 =	vmul.f32 v20, v20;
	v20 =	vmul.f32 v22, v22;
	v22 =	vld [tilespmem:s31+$0xFFFFFFD0]  }
0x5b: {  	v24 =	vld [tilespmem:s30+$0xFFFFFF60];
	v5 =	vadd.f32 v17, v5;
	v7 =	vadd.f32 v18, v7;
	v18 =	vmul.f32 v21, v14  }
0x5c: {  	v17 =	vld [tilespmem:s30+$0x50];
	v14 =	vmul.f32 v14, v14;
	v11 =	vadd.f32 v16, v11;
	v16 =	vmul.f32 v21, v21  }
0x5d: {  	v21 =	vld [tilespmem:s31+$0x50];
	v10 =	vadd.f32 v20, v10;
	v20 =	vmul.f32 v12, v19;
	v18 =	vadd.f32 v18, v8  }
0x5e: {  	v8 =	vmul.f32 v19, v19;
	v14 =	vadd.f32 v14, v9;
	v19 =	vld [tilespmem:s31+$0xFFFFFF60];
	v15 =	vadd.f32 v16, v15  }
0x5f: {  	v9 =	vmul.f32 v12, v12;
	v16 =	vld [tilespmem:s30+$0xFFFFFFE0];
	v12 =	vmul.f32 v22, v23;
	v13 =	vadd.f32 v20, v13  }
0x60: {  	v26 =	vld [tilespmem:s30+$0x60];
	v20 =	vadd.f32 v8, v6;
	v6 =	vmul.f32 v23, v23;
	v8 =	vmul.f32 v22, v22  }
0x61: {  	v22 =	vld [tilespmem:s31+$0xFFFFFFE0];
	v25 =	vadd.f32 v9, v5;
	v5 =	vmul.f32 v17, v17;
	v23 =	vadd.f32 v12, v7  }
0x62: {  	v7 =	vmul.f32 v21, v17;
	v27 =	vadd.f32 v6, v11;
	v11 =	vmul.f32 v21, v21;
	v21 =	vld [tilespmem:s31+$0x60]  }
0x63: {  	v8 =	vadd.f32 v8, v10;
	v6 =	vld [tilespmem:s30+$0xFFFFFF70];
	v10 =	vadd.f32 v5, v14;
	v17 =	vmul.f32 v19, v24  }
0x64: {  	v5 =	vld [tilespmem:s31+$0xFFFFFF70];
	v9 =	vadd.f32 v7, v18;
	v18 =	vmul.f32 v24, v24;
	v63 =	vmul.f32 v16, v16  }
0x65: {  	s1 =	simm.s32 $0x10700;
	v14 =	vld [tilespmem:s31+$0xFFFFFFF0];
	v12 =	vadd.f32 v11, v15;
	v11 =	vadd.f32 v17, v13;
	v13 =	vmul.f32 v19, v19  }
0x66: {  	s10 =	simm.s32 $0x11700;
	[tilespmem:s1+$0x80] =	vst v4;
	v7 =	vld [tilespmem:s30+$0xFFFFFFF0];
	v15 =	vmul.f32 v22, v16;
	v4 =	vadd.f32 v18, v20;
	v18 =	vmul.f32 v22, v22  }
0x67: {  	s17 =	simm.s32 $0x12700;
	[tilespmem:s10+$0x80] =	vst v3;
	v19 =	vmul.f32 v26, v26;
	v17 =	vld [tilespmem:s30+$0x70];
	v3 =	vadd.f32 v63, v27;
	v20 =	vmul.f32 v21, v26  }
0x68: {  	s22 =	simm.s32 $0x0;
	s23 =	sadd.s32 $0x200, s30;
	s24 =	smov.u32 s31;
	[tilespmem:s17+$0x80] =	vst v2;
	v15 =	vadd.f32 v15, v23;
	v16 =	vadd.f32 v13, v25;
	v21 =	vmul.f32 v21, v21;
	v13 =	vld [tilespmem:s31+$0x70]  }
.LBB2_3:
0x69: {  	v22 =	vld [tilespmem:s23+$0xA0];
	v2 =	vmul.f32 v5, v6;
	v8 =	vadd.f32 v18, v8;
	v9 =	vadd.f32 v20, v9;
	s24 =	sadd.s32 $0x200, s24  }
0x6a: {  	v6 =	vmul.f32 v6, v6;
	v10 =	vadd.f32 v19, v10;
	v18 =	vld [tilespmem:s24+$0xA0];
	v12 =	vadd.f32 v21, v12  }
0x6b: {  	v5 =	vmul.f32 v5, v5;
	v19 =	vld [tilespmem:s23+$0x80];
	v2 =	vadd.f32 v2, v11;
	v11 =	vmul.f32 v14, v7  }
0x6c: {  	v4 =	vadd.f32 v6, v4;
	v6 =	vmul.f32 v7, v7;
	v7 =	vmul.f32 v14, v14;
	v20 =	vld [tilespmem:s24+$0x80]  }
0x6d: {  	v14 =	vld [tilespmem:s23+$0x90];
	[tilespmem:s1+$0xFFFFFF00] =	vst v2;
	v2 =	vadd.f32 v11, v15;
	v11 =	vmul.f32 v13, v17;
	v15 =	vmul.f32 v17, v17  }
0x6e: {  	s22 =	sadd.s32 $0x4, s22;
	v5 =	vadd.f32 v5, v16;
	v3 =	vadd.f32 v6, v3;
	v17 =	vld [tilespmem:s24+$0x90];
	[tilespmem:s10+$0xFFFFFF00] =	vst v4;
	v4 =	vmul.f32 v13, v13  }
0x6f: {  	p0 =	slt.u32 s22, $0x1C;
	v7 =	vadd.f32 v7, v8;
	v6 =	vld [tilespmem:s24+$0xFFFFFF00];
	[tilespmem:s1+$0xFFFFFF80] =	vst v2;
	v2 =	vadd.f32 v11, v9  }
0x70: {  	v8 =	vld [tilespmem:s23+$0xB0];
	[tilespmem:s17+$0xFFFFFF00] =	vst v5;
	v5 =	vadd.f32 v15, v10;
	v4 =	vadd.f32 v4, v12  }
0x71: {  	v9 =	vmul.f32 v20, v19;
	v10 =	vld [tilespmem:s24+$0xB0];
	[tilespmem:s10+$0xFFFFFF80] =	vst v3  }
0x72: {  	v3 =	vld [tilespmem:s23+$0xC0];
	[tilespmem:s17+$0xFFFFFF80] =	vst v7  }
0x73: {  	v11 =	vmul.f32 v18, v22;
	v7 =	vadd.f32 $0.0e+00, v9;
	v9 =	vmul.f32 v17, v14;
	v12 =	vld [tilespmem:s24+$0xC0];
	[tilespmem:s1+$0x0] =	vst v2  }
0x74: {  	v13 =	vmul.f32 v19, v19;
	v2 =	vimm.f32 $0.0e+00;
	v14 =	vmul.f32 v14, v14;
	v15 =	vld [tilespmem:s23+$0xD0];
	[tilespmem:s10+$0x0] =	vst v5  }
0x75: {  	v5 =	vmul.f32 v20, v20;
	v7 =	vadd.f32 v9, v7;
	v9 =	vmul.f32 v17, v17;
	v16 =	vld [tilespmem:s24+$0xD0];
	[tilespmem:s17+$0x0] =	vst v4  }
0x76: {  	v4 =	vadd.f32 v14, v13;
	v13 =	vmul.f32 v22, v22;
	v14 =	vmul.f32 v10, v8;
	v17 =	vld [tilespmem:s23+$0xE0]  }
0x77: {  	v5 =	vadd.f32 v9, v5;
	v7 =	vadd.f32 v11, v7;
	v9 =	vmul.f32 v18, v18;
	v11 =	vld [tilespmem:s24+$0xE0]  }
0x78: {  	v8 =	vmul.f32 v8, v8;
	v4 =	vadd.f32 v13, v4;
	v13 =	vmul.f32 v12, v3;
	v18 =	vld [tilespmem:s23+$0xF0]  }
0x79: {  	v5 =	vadd.f32 v9, v5;
	v7 =	vadd.f32 v14, v7;
	v9 =	vmul.f32 v10, v10;
	v10 =	vld [tilespmem:s24+$0xF0]  }
0x7a: {  	v3 =	vmul.f32 v3, v3;
	v4 =	vadd.f32 v8, v4;
	v14 =	vld [tilespmem:s23+$0xFFFFFF80];
	v8 =	vmul.f32 v16, v15  }
0x7b: {  	v19 =	vld [tilespmem:s24+$0xFFFFFF80];
	v5 =	vadd.f32 v9, v5;
	v7 =	vadd.f32 v13, v7;
	v9 =	vmul.f32 v12, v12  }
0x7c: {  	v3 =	vadd.f32 v3, v4;
	v4 =	vmul.f32 v15, v15;
	v12 =	vld [tilespmem:s23+$0x0];
	v13 =	vmul.f32 v11, v17  }
0x7d: {  	v15 =	vld [tilespmem:s24+$0x0];
	v5 =	vadd.f32 v9, v5;
	v7 =	vadd.f32 v8, v7;
	v8 =	vmul.f32 v16, v16  }
0x7e: {  	v3 =	vadd.f32 v4, v3;
	v4 =	vmul.f32 v17, v17;
	v9 =	vld [tilespmem:s23+$0xFFFFFF00];
	v16 =	vmul.f32 v10, v18  }
0x7f: {  	v17 =	vld [tilespmem:s23+$0xFFFFFF10];
	v5 =	vadd.f32 v8, v5;
	v7 =	vadd.f32 v13, v7;
	v8 =	vmul.f32 v11, v11  }
0x80: {  	v3 =	vadd.f32 v4, v3;
	v4 =	vmul.f32 v18, v18;
	v11 =	vld [tilespmem:s24+$0xFFFFFF10];
	v13 =	vmul.f32 v19, v14  }
0x81: {  	v18 =	vld [tilespmem:s23+$0xFFFFFF90];
	v5 =	vadd.f32 v8, v5;
	v7 =	vadd.f32 v16, v7;
	v8 =	vmul.f32 v10, v10  }
0x82: {  	s1 =	sadd.s32 $0x200, s1;
	v3 =	vadd.f32 v4, v3;
	v10 =	vadd.f32 $0.0e+00, v13;
	v13 =	vld [tilespmem:s24+$0xFFFFFF90];
	v16 =	vmul.f32 v15, v12  }
0x83: {  	s10 =	sadd.s32 $0x200, s10;
	v4 =	vmul.f32 v6, v9;
	v9 =	vmul.f32 v9, v9;
	v20 =	vld [tilespmem:s23+$0x10];
	v5 =	vadd.f32 v8, v5;
	[tilespmem:s1+$0x80] =	vst v7  }
0x84: {  	s17 =	sadd.s32 $0x200, s17;
	v6 =	vmul.f32 v6, v6;
	v7 =	vmul.f32 v17, v17;
	v8 =	vadd.f32 $0.0e+00, v16;
	v16 =	vld [tilespmem:s24+$0x10];
	[tilespmem:s10+$0x80] =	vst v3  }
0x85: {  	s25 =	simm.s32 $0x0;
	v3 =	vadd.f32 $0.0e+00, v4;
	v4 =	vmul.f32 v11, v17;
	v11 =	vmul.f32 v11, v11;
	v17 =	vld [tilespmem:s23+$0xFFFFFF20];
	[tilespmem:s17+$0x80] =	vst v5  }
0x86: {  	v5 =	vadd.f32 v7, v9;
	v7 =	vld [tilespmem:s24+$0xFFFFFF20];
	v9 =	vmul.f32 v14, v14;
	v14 =	vmul.f32 v19, v19  }
0x87: {  	v3 =	vadd.f32 v4, v3;
	v4 =	vmul.f32 v13, v18;
	v18 =	vmul.f32 v18, v18;
	v19 =	vld [tilespmem:s23+$0xFFFFFFA0]  }
0x88: {  	v12 =	vmul.f32 v12, v12;
	v6 =	vadd.f32 v11, v6;
	v11 =	vmul.f32 v13, v13;
	v13 =	vld [tilespmem:s24+$0xFFFFFFA0]  }
0x89: {  	v4 =	vadd.f32 v4, v10;
	v10 =	vmul.f32 v15, v15;
	v15 =	vmul.f32 v16, v20;
	v21 =	vld [tilespmem:s23+$0x20]  }
0x8a: {  	v9 =	vadd.f32 v18, v9;
	v18 =	vmul.f32 v20, v20;
	v16 =	vmul.f32 v16, v16;
	v20 =	vld [tilespmem:s24+$0x20]  }
0x8b: {  	v11 =	vadd.f32 v11, v14;
	v22 =	vmul.f32 v7, v17;
	v23 =	vld [tilespmem:s23+$0xFFFFFF30];
	v8 =	vadd.f32 v15, v8  }
0x8c: {  	v14 =	vmul.f32 v17, v17;
	v12 =	vadd.f32 v18, v12;
	v10 =	vadd.f32 v16, v10;
	v15 =	vld [tilespmem:s24+$0xFFFFFF30]  }
0x8d: {  	v7 =	vmul.f32 v7, v7;
	v3 =	vadd.f32 v22, v3;
	v16 =	vmul.f32 v13, v19;
	v17 =	vld [tilespmem:s23+$0xFFFFFFB0]  }
0x8e: {  	v5 =	vadd.f32 v14, v5;
	v14 =	vmul.f32 v19, v19;
	v13 =	vmul.f32 v13, v13;
	v18 =	vld [tilespmem:s24+$0xFFFFFFB0]  }
0x8f: {  	v19 =	vmul.f32 v21, v21;
	v4 =	vadd.f32 v16, v4;
	v16 =	vmul.f32 v20, v21;
	v21 =	vld [tilespmem:s23+$0x30]  }
0x90: {  	v6 =	vadd.f32 v7, v6;
	v7 =	vadd.f32 v14, v9;
	v9 =	vmul.f32 v20, v20;
	v14 =	vld [tilespmem:s24+$0x30]  }
0x91: {  	v11 =	vadd.f32 v13, v11;
	v20 =	vmul.f32 v15, v23;
	v22 =	vld [tilespmem:s23+$0xFFFFFF40];
	v8 =	vadd.f32 v16, v8  }
0x92: {  	v13 =	vmul.f32 v23, v23;
	v12 =	vadd.f32 v19, v12;
	v9 =	vadd.f32 v9, v10;
	v16 =	vld [tilespmem:s24+$0xFFFFFF40]  }
0x93: {  	v10 =	vmul.f32 v15, v15;
	v3 =	vadd.f32 v20, v3;
	v15 =	vmul.f32 v18, v17;
	v19 =	vld [tilespmem:s23+$0xFFFFFFC0]  }
0x94: {  	v5 =	vadd.f32 v13, v5;
	v13 =	vmul.f32 v17, v17;
	v17 =	vmul.f32 v18, v18;
	v18 =	vld [tilespmem:s24+$0xFFFFFFC0]  }
0x95: {  	v20 =	vmul.f32 v21, v21;
	v4 =	vadd.f32 v15, v4;
	v15 =	vmul.f32 v14, v21;
	v21 =	vld [tilespmem:s23+$0x40]  }
0x96: {  	v6 =	vadd.f32 v10, v6;
	v7 =	vadd.f32 v13, v7;
	v10 =	vmul.f32 v14, v14;
	v13 =	vld [tilespmem:s24+$0x40]  }
0x97: {  	v11 =	vadd.f32 v17, v11;
	v14 =	vmul.f32 v16, v22;
	v23 =	vld [tilespmem:s23+$0xFFFFFF50];
	v8 =	vadd.f32 v15, v8  }
0x98: {  	v12 =	vadd.f32 v20, v12;
	v15 =	vmul.f32 v22, v22;
	v9 =	vadd.f32 v10, v9;
	v17 =	vld [tilespmem:s24+$0xFFFFFF50]  }
0x99: {  	v10 =	vmul.f32 v16, v16;
	v3 =	vadd.f32 v14, v3;
	v14 =	vmul.f32 v18, v19;
	v16 =	vld [tilespmem:s23+$0xFFFFFFD0]  }
0x9a: {  	v5 =	vadd.f32 v15, v5;
	v15 =	vmul.f32 v19, v19;
	v18 =	vmul.f32 v18, v18;
	v19 =	vld [tilespmem:s24+$0xFFFFFFD0]  }
0x9b: {  	v20 =	vmul.f32 v21, v21;
	v4 =	vadd.f32 v14, v4;
	v14 =	vmul.f32 v13, v21;
	v21 =	vld [tilespmem:s23+$0x50]  }
0x9c: {  	v6 =	vadd.f32 v10, v6;
	v7 =	vadd.f32 v15, v7;
	v10 =	vmul.f32 v13, v13;
	v13 =	vld [tilespmem:s24+$0x50]  }
0x9d: {  	v11 =	vadd.f32 v18, v11;
	v15 =	vmul.f32 v17, v23;
	v22 =	vld [tilespmem:s23+$0xFFFFFF60];
	v14 =	vadd.f32 v14, v8  }
0x9e: {  	v12 =	vadd.f32 v20, v12;
	v8 =	vmul.f32 v23, v23;
	v20 =	vadd.f32 v10, v9;
	v18 =	vld [tilespmem:s24+$0xFFFFFF60]  }
0x9f: {  	v9 =	vmul.f32 v17, v17;
	v3 =	vadd.f32 v15, v3;
	v10 =	vmul.f32 v19, v16;
	v15 =	vld [tilespmem:s23+$0xFFFFFFE0]  }
0xa0: {  	v17 =	vadd.f32 v8, v5;
	v5 =	vmul.f32 v16, v16;
	v8 =	vmul.f32 v19, v19;
	v16 =	vld [tilespmem:s24+$0xFFFFFFE0]  }
0xa1: {  	v19 =	vadd.f32 v10, v4;
	v4 =	vmul.f32 v13, v21;
	v10 =	vmul.f32 v21, v21;
	v21 =	vld [tilespmem:s23+$0x60]  }
0xa2: {  	v23 =	vadd.f32 v9, v6;
	v24 =	vadd.f32 v5, v7;
	v7 =	vmul.f32 v13, v13;
	v13 =	vld [tilespmem:s24+$0x60]  }
0xa3: {  	v8 =	vadd.f32 v8, v11;
	v25 =	vmul.f32 v18, v22;
	v6 =	vld [tilespmem:s23+$0xFFFFFF70];
	v9 =	vadd.f32 v4, v14  }
.Ltmp0:
0xa4: {  	v4 =	vmul.f32 v22, v22;
	v10 =	vadd.f32 v10, v12;
	v12 =	vadd.f32 v7, v20;
	v5 =	vld [tilespmem:s24+$0xFFFFFF70];
	(pc) =	sbr.rel @p0 .LBB2_3-.Ltmp0, $4  }
0xa5: {  	v11 =	vadd.f32 v25, v3;
	v3 =	vmul.f32 v18, v18;
	v20 =	vmul.f32 v16, v15;
	v7 =	vld [tilespmem:s23+$0xFFFFFFF0]  }
0xa6: {  	v22 =	vmul.f32 v15, v15;
	v4 =	vadd.f32 v4, v17;
	v18 =	vmul.f32 v16, v16;
	v14 =	vld [tilespmem:s24+$0xFFFFFFF0]  }
0xa7: {  	v15 =	vadd.f32 v20, v19;
	v20 =	vmul.f32 v13, v21;
	v19 =	vmul.f32 v21, v21;
	v17 =	vld [tilespmem:s23+$0x70]  }
0xa8: {  	v16 =	vadd.f32 v3, v23;
	v3 =	vadd.f32 v22, v24;
	v21 =	vmul.f32 v13, v13;
	s23 =	sadd.s32 $0x200, s23;
	v13 =	vld [tilespmem:s24+$0x70]  }
0xa9: {  	_ = 	snop  }
0xaa: {  	v22 =	vmul.f32 v5, v6;
	v8 =	vadd.f32 v18, v8;
	v6 =	vmul.f32 v6, v6  }
0xab: {  	v9 =	vadd.f32 v20, v9;
	v10 =	vadd.f32 v19, v10;
	v18 =	vmul.f32 v14, v7  }
0xac: {  	v5 =	vmul.f32 v5, v5;
	v11 =	vadd.f32 v22, v11;
	v4 =	vadd.f32 v6, v4  }
0xad: {  	v6 =	vmul.f32 v7, v7;
	v7 =	vmul.f32 v14, v14;
	v14 =	vadd.f32 v18, v15  }
0xae: {  	[tilespmem:s1+$0xFFFFFF00] =	vst v11;
	v11 =	vmul.f32 v13, v17;
	v15 =	vmul.f32 v17, v17;
	v17 =	vmov s25  }
0xaf: {  	v12 =	vadd.f32 v21, v12;
	v5 =	vadd.f32 v5, v16;
	[tilespmem:s10+$0xFFFFFF00] =	vst v4;
	v4 =	vand.u32 $0x7C, v17  }
0xb0: {  	s22 =	simm.s32 $0x3;
	v3 =	vadd.f32 v6, v3;
	v6 =	vmul.f32 v13, v13;
	[tilespmem:s1+$0xFFFFFF80] =	vst v14;
	v4 =	vbroadcast v4, $0x0  }
0xb1: {  	v7 =	vadd.f32 v7, v8;
	s25 =	simm.s32 $0x2;
	v8 =	vadd.f32 v11, v9;
	[tilespmem:s17+$0xFFFFFF00] =	vst v5;
	v9 =	vmov s22  }
0xb2: {  	[tilespmem:s10+$0xFFFFFF80] =	vst v3;
	v3 =	vmov s25;
	v9 =	vand.u32 $0x7F, v9;
	v4 =	vor.u32 v0, v4  }
0xb3: {  	s26 =	simm.s32 $0x1;
	v5 =	vadd.f32 v15, v10;
	[tilespmem:s17+$0xFFFFFF80] =	vst v7;
	v3 =	vand.u32 $0x7E, v3;
	v9 =	vbroadcast v9, $0x0  }
0xb4: {  	v6 =	vadd.f32 v6, v12;
	v7 =	vmov s26;
	[tilespmem:s1+$0x0] =	vst v8;
	v8 =	vbroadcast v3, $0x0  }
0xb5: {  	v7 =	vand.u32 $0x7D, v7;
	[tilespmem:s10+$0x0] =	vst v5;
	v3 =	vor.u32 v0, v9  }
0xb6: {  	v7 =	vbroadcast v7, $0x0;
	[tilespmem:s17+$0x0] =	vst v6;
	v9 =	vor.u32 v0, v8  }
0xb7: {  	v5 =	vld.idx.msk [tilespmem:v4+s19+$0x0], $0xffff  }
0xb8: {  	v13 =	vor.u32 v0, v7;
	v6 =	vld.idx.msk [tilespmem:v4+s20+$0x0], $0xffff  }
0xb9: {  	s23 =	simm.s32 $0x4;
	s24 =	simm.s32 $0x7;
	v7 =	vld.idx.msk [tilespmem:v4+s21+$0x0], $0xffff  }
0xba: {  	v14 =	vmov s24;
	v4 =	vmov s23;
	v8 =	vld.idx.msk [tilespmem:v3+s19+$0x0], $0xffff  }
0xbb: {  	v14 =	vand.u32 $0x7F, v14;
	v10 =	vand.u32 $0x7C, v4;
	v4 =	vld.idx.msk [tilespmem:v9+s19+$0x0], $0xffff  }
0xbc: {  	v17 =	vbroadcast v14, $0x0;
	v12 =	vbroadcast v10, $0x0;
	v14 =	vld.idx.msk [tilespmem:v9+s20+$0x0], $0xffff  }
0xbd: {  	s25 =	simm.s32 $0x6;
	v10 =	vld.idx.msk [tilespmem:v13+s19+$0x0], $0xffff  }
0xbe: {  	v16 =	vimm.f32 $0.0e+00;
	s26 =	simm.s32 $0x5;
	v15 =	vmov s25;
	v11 =	vld.idx.msk [tilespmem:v13+s20+$0x0], $0xffff;
	v12 =	vor.u32 v0, v12  }
0xbf: {  	s1 =	simm.s32 $0x8;
	v18 =	vmov s26;
	v19 =	vand.u32 $0x7E, v15;
	v15 =	vimm.f32 $0.0e+00;
	v13 =	vld.idx.msk [tilespmem:v13+s21+$0x0], $0xffff  }
.LBB2_5:
0xc0: {  	p0 =	slt.u32 s1, $0xC;
	v18 =	vand.u32 $0x7D, v18;
	v19 =	vbroadcast v19, $0x0;
	v20 =	vld.idx.msk [tilespmem:v9+s21+$0x0], $0xffff;
	v21 =	vmov v8  }
0xc1: {  	v2 =	vadd.f32 v5, v2;
	v8 =	vbroadcast v18, $0x0;
	v17 =	vor.u32 v0, v17;
	v18 =	vld.idx.msk [tilespmem:v3+s20+$0x0], $0xffff  }
0xc2: {  	v16 =	vadd.f32 v6, v16;
	v7 =	vadd.f32 v7, v15;
	v9 =	vor.u32 v0, v19;
	v15 =	vld.idx.msk [tilespmem:v3+s21+$0x0], $0xffff  }
0xc3: {  	v2 =	vadd.f32 v10, v2;
	v3 =	vmov v17;
	v5 =	vld.idx.msk [tilespmem:v12+s19+$0x0], $0xffff;
	v19 =	vor.u32 v0, v8  }
0xc4: {  	v10 =	vadd.f32 v11, v16;
	v11 =	vadd.f32 v13, v7;
	v6 =	vld.idx.msk [tilespmem:v12+s20+$0x0], $0xffff  }
0xc5: {  	v2 =	vadd.f32 v4, v2;
	v7 =	vld.idx.msk [tilespmem:v12+s21+$0x0], $0xffff  }
0xc6: {  	v4 =	vmov s1;
	v12 =	vadd.f32 v14, v10;
	v11 =	vadd.f32 v20, v11;
	v8 =	vld.idx.msk [tilespmem:v17+s19+$0x0], $0xffff  }
.Ltmp1:
0xc7: {  	v10 =	vand.u32 $0x7C, v4;
	v2 =	vadd.f32 v21, v2;
	v4 =	vld.idx.msk [tilespmem:v9+s19+$0x0], $0xffff;
	(pc) =	sbr.rel @p0 .LBB2_5-.Ltmp1, $4  }
0xc8: {  	s10 =	sadd.s32 $0x3, s1;
	v13 =	vbroadcast v10, $0x0;
	v16 =	vadd.f32 v18, v12;
	v15 =	vadd.f32 v15, v11;
	v10 =	vld.idx.msk [tilespmem:v19+s19+$0x0], $0xffff  }
0xc9: {  	s17 =	sadd.s32 $0x2, s1;
	v14 =	vmov s10;
	v11 =	vld.idx.msk [tilespmem:v19+s20+$0x0], $0xffff  }
0xca: {  	s10 =	sadd.s32 $0x1, s1;
	v17 =	vmov s17;
	v14 =	vand.u32 $0x7F, v14;
	v12 =	vor.u32 v0, v13;
	v13 =	vld.idx.msk [tilespmem:v19+s21+$0x0], $0xffff  }
0xcb: {  	s1 =	sadd.s32 $0x4, s1;
	v18 =	vmov s10;
	v19 =	vand.u32 $0x7E, v17;
	v17 =	vbroadcast v14, $0x0;
	v14 =	vld.idx.msk [tilespmem:v9+s20+$0x0], $0xffff  }
0xcc: {  	_ =	sdelay $0x3  }
0xcd: {  	v9 =	vld.idx.msk [tilespmem:v9+s21+$0x0], $0xffff  }
0xce: {  	v20 =	vld.idx.msk [tilespmem:v3+s20+$0x0], $0xffff;
	v17 =	vor.u32 v0, v17  }
0xcf: {  	v18 =	vand.u32 $0x7D, v18;
	v19 =	vbroadcast v19, $0x0;
	v3 =	vld.idx.msk [tilespmem:v3+s21+$0x0], $0xffff  }
0xd0: {  	v2 =	vadd.f32 v5, v2;
	v5 =	vld.idx.msk [tilespmem:v12+s19+$0x0], $0xffff;
	v18 =	vbroadcast v18, $0x0  }
0xd1: {  	v6 =	vadd.f32 v6, v16;
	v16 =	vld.idx.msk [tilespmem:v12+s20+$0x0], $0xffff;
	v19 =	vor.u32 v0, v19  }
0xd2: {  	v7 =	vadd.f32 v7, v15;
	v2 =	vadd.f32 v10, v2;
	v10 =	vld.idx.msk [tilespmem:v12+s21+$0x0], $0xffff;
	v18 =	vor.u32 v0, v18  }
0xd3: {  	s1 =	simm.s32 $0x0;
	v6 =	vadd.f32 v11, v6;
	v11 =	vld.idx.msk [tilespmem:v17+s19+$0x0], $0xffff  }
0xd4: {  	v12 =	vmov s1;
	v7 =	vadd.f32 v13, v7;
	v22 =	vld.idx.msk [tilespmem:v17+s20+$0x0], $0xffff  }
0xd5: {  	s17 =	simm.s32 $0x3;
	v12 =	vand.u32 $0x7C, v12;
	v2 =	vadd.f32 v4, v2;
	v6 =	vadd.f32 v14, v6;
	v17 =	vld.idx.msk [tilespmem:v17+s21+$0x0], $0xffff  }
0xd6: {  	v12 =	vbroadcast v12, $0x0;
	v14 =	vmov s17;
	v7 =	vadd.f32 v9, v7;
	v4 =	vld.idx.msk [tilespmem:v19+s19+$0x0], $0xffff  }
0xd7: {  	s10 =	simm.s32 $0x2;
	v14 =	vand.u32 $0x7F, v14;
	v8 =	vadd.f32 v8, v2;
	v2 =	vor.u32 $0x800, v0;
	v13 =	vld.idx.msk [tilespmem:v18+s19+$0x0], $0xffff  }
0xd8: {  	s22 =	simm.s32 $0x1;
	v6 =	vadd.f32 v20, v6;
	v20 =	vor.u32 v2, v12;
	v12 =	vmov s10;
	v9 =	vld.idx.msk [tilespmem:v18+s20+$0x0], $0xffff  }
0xd9: {  	v21 =	vmov s22;
	v14 =	vbroadcast v14, $0x0;
	v15 =	vld.idx.msk [tilespmem:v18+s21+$0x0], $0xffff;
	v12 =	vand.u32 $0x7E, v12  }
0xda: {  	s23 =	sshll.u32 s0, $0x5;
	v3 =	vadd.f32 v3, v7;
	v7 =	vand.u32 $0x7D, v21;
	v18 =	vld.idx.msk [tilespmem:v19+s20+$0x0], $0xffff;
	v21 =	vbroadcast v12, $0x0  }
0xdb: {  	s1 =	sand.u32 $0x3FFFFFE0, s23;
	v19 =	vld.idx.msk [tilespmem:v19+s21+$0x0], $0xffff;
	v7 =	vbroadcast v7, $0x0;
	v12 =	vor.u32 v2, v14  }
0xdc: {  	v5 =	vadd.f32 v5, v8;
	v8 =	vadd.f32 v10, v3;
	v3 =	vld [tilespmem:s1+$0x400];
	v14 =	vor.u32 v2, v21  }
0xdd: {  	v6 =	vadd.f32 v16, v6;
	v21 =	vor.u32 v2, v7;
	v16 =	vld.idx.msk [tilespmem:v20+s21+$0x0], $0xffff  }
0xde: {  	s24 =	simm.s32 $0x4;
	v10 =	vadd.f32 v13, v5;
	v5 =	vld.idx.msk [tilespmem:v20+s19+$0x0], $0xffff;
	v7 =	vadd.f32 v15, v8  }
0xdf: {  	v6 =	vadd.f32 v9, v6;
	v15 =	vld.idx.msk [tilespmem:v20+s20+$0x0], $0xffff;
	v8 =	vmov s24  }
0xe0: {  	s25 =	simm.s32 $0x7;
	s17 =	simm.s32 $0x6;
	v8 =	vand.u32 $0x7C, v8;
	v4 =	vadd.f32 v4, v10;
	v10 =	vadd.f32 v19, v7;
	v7 =	vld.idx.msk [tilespmem:v12+s19+$0x0], $0xffff  }
0xe1: {  	v9 =	vadd.f32 v18, v6;
	v18 =	vmov s25;
	v19 =	vmov s17;
	v6 =	vld.idx.msk [tilespmem:v14+s19+$0x0], $0xffff  }
0xe2: {  	s26 =	simm.s32 $0x5;
	v20 =	vand.u32 $0x7F, v18;
	v18 =	vld.idx.msk [tilespmem:v21+s21+$0x0], $0xffff;
	v4 =	vadd.f32 v11, v4;
	v11 =	vbroadcast v8, $0x0  }
0xe3: {  	v24 =	vmov s26;
	v13 =	vimm.f32 $0.0e+00;
	v23 =	vand.u32 $0x7E, v19;
	v19 =	vld.idx.msk [tilespmem:v14+s20+$0x0], $0xffff  }
0xe4: {  	v8 =	vadd.f32 v22, v9;
	v9 =	vadd.f32 v17, v10;
	v10 =	vld.idx.msk [tilespmem:v21+s19+$0x0], $0xffff;
	v11 =	vor.u32 v2, v11  }
0xe5: {  	s10 =	simm.s32 $0x8;
	v17 =	vld.idx.msk [tilespmem:v21+s20+$0x0], $0xffff;
	v22 =	vbroadcast v20, $0x0;
	v21 =	vimm.f32 $0.0e+00;
	v20 =	vimm.f32 $0.0e+00  }
.LBB2_7:
0xe6: {  	p0 =	slt.u32 s10, $0xC;
	v24 =	vand.u32 $0x7D, v24;
	v23 =	vbroadcast v23, $0x0;
	v25 =	vld.idx.msk [tilespmem:v14+s21+$0x0], $0xffff;
	v26 =	vmov v7  }
0xe7: {  	v13 =	vadd.f32 v5, v13;
	v7 =	vbroadcast v24, $0x0;
	v22 =	vor.u32 v2, v22;
	v24 =	vld.idx.msk [tilespmem:v12+s20+$0x0], $0xffff  }
0xe8: {  	v21 =	vadd.f32 v15, v21;
	v16 =	vadd.f32 v16, v20;
	v14 =	vor.u32 v2, v23;
	v20 =	vld.idx.msk [tilespmem:v12+s21+$0x0], $0xffff  }
0xe9: {  	v12 =	vmov v22;
	v5 =	vld.idx.msk [tilespmem:v11+s19+$0x0], $0xffff;
	v23 =	vor.u32 v2, v7;
	v7 =	vadd.f32 v10, v13  }
0xea: {  	v10 =	vadd.f32 v17, v21;
	v13 =	vadd.f32 v18, v16;
	v15 =	vld.idx.msk [tilespmem:v11+s20+$0x0], $0xffff  }
0xeb: {  	v16 =	vld.idx.msk [tilespmem:v11+s21+$0x0], $0xffff;
	v11 =	vadd.f32 v6, v7  }
0xec: {  	v6 =	vmov s10;
	v17 =	vadd.f32 v19, v10;
	v18 =	vadd.f32 v25, v13;
	v7 =	vld.idx.msk [tilespmem:v22+s19+$0x0], $0xffff  }
.Ltmp2:
0xed: {  	v10 =	vand.u32 $0x7C, v6;
	v6 =	vld.idx.msk [tilespmem:v14+s19+$0x0], $0xffff;
	v13 =	vadd.f32 v26, v11;
	(pc) =	sbr.rel @p0 .LBB2_7-.Ltmp2, $4  }
0xee: {  	s17 =	sadd.s32 $0x3, s10;
	v11 =	vbroadcast v10, $0x0;
	v21 =	vadd.f32 v24, v17;
	v20 =	vadd.f32 v20, v18;
	v10 =	vld.idx.msk [tilespmem:v23+s19+$0x0], $0xffff  }
0xef: {  	s22 =	sadd.s32 $0x2, s10;
	v18 =	vmov s17;
	v17 =	vld.idx.msk [tilespmem:v23+s20+$0x0], $0xffff  }
0xf0: {  	v19 =	vmov s22;
	s17 =	sadd.s32 $0x1, s10;
	v22 =	vand.u32 $0x7F, v18;
	v11 =	vor.u32 v2, v11;
	v18 =	vld.idx.msk [tilespmem:v23+s21+$0x0], $0xffff  }
0xf1: {  	s10 =	sadd.s32 $0x4, s10;
	v24 =	vmov s17;
	v22 =	vbroadcast v22, $0x0;
	v23 =	vand.u32 $0x7E, v19;
	v19 =	vld.idx.msk [tilespmem:v14+s20+$0x0], $0xffff  }
0xf2: {  	_ = 	snop  }
0xf3: {  	v24 =	vand.u32 $0x7D, v24  }
0xf4: {  	v24 =	vbroadcast v24, $0x0;
	_ =	sdelay $0x1  }
0xf5: {  	v23 =	vbroadcast v23, $0x0;
	v14 =	vld.idx.msk [tilespmem:v14+s21+$0x0], $0xffff;
	v62 =	vor.u32 v2, v24  }
0xf6: {  	v15 =	vadd.f32 v15, v21;
	v63 =	vld.idx.msk [tilespmem:v12+s20+$0x0], $0xffff;
	v16 =	vadd.f32 v16, v20  }
0xf7: {  	v26 =	vld.idx.msk [tilespmem:v12+s21+$0x0], $0xffff;
	v25 =	vor.u32 v2, v23  }
0xf8: {  	v27 =	vld.idx.msk [tilespmem:v11+s20+$0x0], $0xffff;
	v15 =	vadd.f32 v17, v15;
	v16 =	vadd.f32 v18, v16  }
0xf9: {  	v29 =	vld.idx.msk [tilespmem:v11+s21+$0x0], $0xffff;
	v28 =	vor.u32 v2, v22  }
0xfa: {  	v15 =	vadd.f32 v19, v15;
	v14 =	vadd.f32 v14, v16;
	v30 =	vld.idx.msk [tilespmem:v62+s20+$0x0], $0xffff  }
0xfb: {  	v31 =	vld.idx.msk [tilespmem:v62+s21+$0x0], $0xffff  }
0xfc: {  	v15 =	vadd.f32 v63, v15;
	v12 =	vadd.f32 v26, v14;
	v32 =	vld.idx.msk [tilespmem:v25+s20+$0x0], $0xffff  }
0xfd: {  	v23 =	vld.idx.msk [tilespmem:v25+s21+$0x0], $0xffff  }
0xfe: {  	v33 =	vld.idx.msk [tilespmem:v28+s20+$0x0], $0xffff;
	v15 =	vadd.f32 v27, v15;
	v12 =	vadd.f32 v29, v12  }
0xff: {  	v34 =	vld.idx.msk [tilespmem:v28+s21+$0x0], $0xffff  }
0x100: {  	v15 =	vadd.f32 v30, v15;
	v12 =	vadd.f32 v31, v12;
	_ =	sdelay $0x1  }
0x101: {  	v14 =	vadd.f32 v32, v15;
	v12 =	vadd.f32 v23, v12  }
0x102: {  	v8 =	vmax.f32 v8, $1.000000020e-16  }
0x103: {  	v9 =	vmax.f32 v9, $1.000000020e-16;
	v14 =	vadd.f32 v33, v14;
	v12 =	vadd.f32 v34, v12  }
0x104: {  	v8 =	vmul.f32 v9, v8  }
0x105: {  	v35 =	vmax.f32 v14, $1.000000020e-16;
	v12 =	vmax.f32 v12, $1.000000020e-16  }
0x106: {  	v36 =	vshra.s32 v8, $0x1;
	v8 =	vmul.f32 $5.000000000e-01, v8;
	v9 =	vmul.f32 v12, v35  }
0x107: {  	v37 =	vsub.s32 $0x5F3759DF, v36  }
0x108: {  	v14 =	vmul.f32 v37, v8;
	v38 =	vshra.s32 v9, $0x1;
	v9 =	vmul.f32 $5.000000000e-01, v9  }
0x109: {  	v15 =	vsub.s32 $0x5F3759DF, v38  }
0x10a: {  	v14 =	vmul.f32 v37, v14;
	v39 =	vmul.f32 v15, v9;
	_ =	sdelay $0x1  }
0x10b: {  	v14 =	vsub.f32 $1.500000000e+00, v14;
	v16 =	vmul.f32 v15, v39;
	_ =	sdelay $0x1  }
0x10c: {  	v12 =	vmul.f32 v37, v14;
	v40 =	vsub.f32 $1.500000000e+00, v16;
	_ =	sdelay $0x1  }
0x10d: {  	v41 =	vmul.f32 v12, v8;
	v14 =	vmul.f32 v15, v40;
	_ =	sdelay $0x1  }
0x10e: {  	v5 =	vadd.f32 v5, v13;
	v42 =	vmul.f32 v41, v12;
	v15 =	vmul.f32 v14, v9;
	_ =	sdelay $0x1  }
0x10f: {  	v5 =	vadd.f32 v10, v5;
	v43 =	vsub.f32 $1.500000000e+00, v42;
	v44 =	vmul.f32 v15, v14  }
0x110: {  	v45 =	vld.idx.msk [tilespmem:v11+s19+$0x0], $0xffff  }
0x111: {  	v5 =	vadd.f32 v6, v5;
	v46 =	vmul.f32 v43, v12;
	v47 =	vsub.f32 $1.500000000e+00, v44  }
0x112: {  	v48 =	vld.idx.msk [tilespmem:v62+s19+$0x0], $0xffff  }
0x113: {  	v5 =	vadd.f32 v7, v5;
	v49 =	vmul.f32 v46, v8;
	v50 =	vmul.f32 v47, v14  }
0x114: {  	v51 =	vld.idx.msk [tilespmem:v25+s19+$0x0], $0xffff  }
0x115: {  	v5 =	vadd.f32 v45, v5;
	v7 =	vmul.f32 v49, v46;
	v9 =	vmul.f32 v50, v9  }
0x116: {  	v52 =	vld.idx.msk [tilespmem:v28+s19+$0x0], $0xffff  }
0x117: {  	v5 =	vadd.f32 v48, v5;
	v7 =	vsub.f32 $1.500000000e+00, v7;
	v9 =	vmul.f32 v9, v50;
	_ =	sdelay $0x1  }
0x118: {  	v5 =	vadd.f32 v51, v5;
	v6 =	vmul.f32 v7, v46;
	v53 =	vsub.f32 $1.500000000e+00, v9;
	_ =	sdelay $0x1  }
0x119: {  	v5 =	vadd.f32 v52, v5;
	v4 =	vmul.f32 v6, v4;
	v54 =	vmul.f32 v53, v50;
	_ =	sdelay $0x1  }
0x11a: {  	v55 =	vld [tilespmem:s1+$0x410];
	v4 =	vsub.f32 $1.000000000e+00, v4;
	v5 =	vmul.f32 v54, v5;
	_ =	sdelay $0x1  }
0x11b: {  	v56 =	vsub.f32 $5.000000000e-01, v4;
	v5 =	vsub.f32 $1.000000000e+00, v5  }
0x11c: {  	v57 =	vsub.f32 $1.000000000e+00, v3  }
0x11d: {  	v7 =	vmax.f32 v56, $0.0e+00;
	v58 =	vsub.f32 $5.000000000e-01, v5  }
0x11e: {  	v60 =	vsub.f32 $1.000000000e+00, v55;
	v3 =	vmul.f32 v3, v4;
	v59 =	vmul.f32 v57, v7  }
0x11f: {  	v61 =	vmax.f32 v58, $0.0e+00  }
0x120: {  	v3 =	vadd.f32 v59, v3;
	v62 =	vmul.f32 v55, v5;
	v63 =	vmul.f32 v60, v61;
	_ =	sdelay $0x1  }
0x121: {  	s0 =	sadd.s32 $0x1, s0;
	v3 =	vmul.f32 v3, v3;
	v4 =	vadd.f32 v63, v62  }
0x122: {  	p0 =	sne.s32 s0, $0x4  }
.Ltmp3:
0x123: {  	v3 =	vmul.f32 $3.051757810e-05, v3;
	v4 =	vmul.f32 v4, v4;
	(pc) =	sbr.rel @p0 .LBB2_2-.Ltmp3, $3  }
0x124: {  	_ = 	snop  }
0x125: {  	v1 =	vadd.f32 v3, v1;
	v3 =	vmul.f32 $3.051757810e-05, v4;
	_ =	sdelay $0x1  }
0x126: {  	s30 =	sadd.s32 $0x1000, s30;
	s31 =	sadd.s32 $0x1000, s31;
	v1 =	vadd.f32 v3, v1  }
0x127: {  	_ =	swait.ge [sflag:s15], $0x4000  }
0x128: {  	[sflag:s15] =	ssyncset.done $0x0  }
0x129: {  	[sflag:s15] =	ssyncadd.s32 $0xFFFFC000  }
0x12a: {  	_ =	swait.ge [sflag:s15], $0x4000  }
0x12b: {  	[sflag:s15] =	ssyncset.done $0x0  }
0x12c: {  	s0 =	simm.s32 $0x100;
	s31 =	simm.s32 $0x300;
	[sflag:s15] =	ssyncadd.s32 $0xFFFFC000  }
0x12d: {  	[tilespmem:s13], [sflag:$0x1] =	stream.indirect.gather [hbm4b:s2+s12], $0x80, s0, s12, $0xb8;
	[tilespmem:$0x13680] =	vst v63  }
0x12e: {  	s30 =	simm.s32 $0x8700;
	s25 =	simm.s32 $0xC700;
	s0 =	simm.s32 $0x0  }
0x12f: {  	[tilespmem:s14], [sflag:$0x1] =	stream.indirect.gather [hbm4b:s2+s12], $0x80, s31, s12, $0xb8;
	[tilespmem:$0x13680] =	vst v63  }
.LBB2_10:
0x130: {  	v3 =	vld [tilespmem:s30+$0xA0]  }
0x131: {  	v4 =	vld [tilespmem:s25+$0xA0]  }
0x132: {  	v5 =	vld [tilespmem:s30+$0x80]  }
0x133: {  	v6 =	vld [tilespmem:s25+$0x80]  }
0x134: {  	v7 =	vld [tilespmem:s30+$0x90]  }
0x135: {  	v8 =	vld [tilespmem:s25+$0x90]  }
0x136: {  	v9 =	vld [tilespmem:s25+$0xFFFFFF00]  }
0x137: {  	v10 =	vld [tilespmem:s30+$0xB0]  }
0x138: {  	v12 =	vld [tilespmem:s25+$0xB0];
	v11 =	vmul.f32 v6, v5  }
0x139: {  	v13 =	vld [tilespmem:s30+$0xC0]  }
0x13a: {  	v16 =	vld [tilespmem:s25+$0xC0];
	v14 =	vmul.f32 v8, v7;
	v15 =	vmul.f32 v4, v3;
	v11 =	vadd.f32 $0.0e+00, v11  }
0x13b: {  	v17 =	vld [tilespmem:s30+$0xD0];
	v5 =	vmul.f32 v5, v5;
	v7 =	vmul.f32 v7, v7  }
0x13c: {  	v6 =	vmul.f32 v6, v6;
	v8 =	vmul.f32 v8, v8;
	v11 =	vadd.f32 v14, v11;
	v14 =	vld [tilespmem:s25+$0xD0]  }
0x13d: {  	v18 =	vld [tilespmem:s30+$0xE0];
	v3 =	vmul.f32 v3, v3;
	v4 =	vmul.f32 v4, v4;
	v5 =	vadd.f32 v7, v5  }
0x13e: {  	v7 =	vmul.f32 v12, v10;
	v6 =	vadd.f32 v8, v6;
	v8 =	vadd.f32 v15, v11;
	v11 =	vld [tilespmem:s25+$0xE0]  }
0x13f: {  	v3 =	vadd.f32 v3, v5;
	v5 =	vmul.f32 v10, v10;
	v10 =	vmul.f32 v16, v13;
	v15 =	vld [tilespmem:s30+$0xF0]  }
0x140: {  	v4 =	vadd.f32 v4, v6;
	v6 =	vadd.f32 v7, v8;
	v7 =	vmul.f32 v12, v12;
	v8 =	vld [tilespmem:s25+$0xF0]  }
0x141: {  	v19 =	vld [tilespmem:s25+$0xFFFFFF80];
	v3 =	vadd.f32 v5, v3;
	v5 =	vmul.f32 v13, v13;
	v13 =	vmul.f32 v14, v17  }
0x142: {  	v12 =	vld [tilespmem:s30+$0xFFFFFF80];
	v4 =	vadd.f32 v7, v4;
	v6 =	vadd.f32 v10, v6;
	v7 =	vmul.f32 v16, v16  }
0x143: {  	v3 =	vadd.f32 v5, v3;
	v5 =	vmul.f32 v17, v17;
	v17 =	vld [tilespmem:s25+$0x0];
	v16 =	vmul.f32 v11, v18  }
0x144: {  	v10 =	vld [tilespmem:s30+$0x0];
	v4 =	vadd.f32 v7, v4;
	v6 =	vadd.f32 v13, v6;
	v7 =	vmul.f32 v14, v14  }
0x145: {  	v3 =	vadd.f32 v5, v3;
	v5 =	vmul.f32 v18, v18;
	v13 =	vld [tilespmem:s30+$0xFFFFFF00];
	v14 =	vmul.f32 v8, v15  }
0x146: {  	v18 =	vld [tilespmem:s30+$0xFFFFFF10];
	v4 =	vadd.f32 v7, v4;
	v6 =	vadd.f32 v16, v6;
	v7 =	vmul.f32 v11, v11  }
0x147: {  	v3 =	vadd.f32 v5, v3;
	v15 =	vmul.f32 v15, v15;
	v11 =	vld [tilespmem:s25+$0xFFFFFF10];
	v16 =	vmul.f32 v19, v12  }
0x148: {  	v20 =	vld [tilespmem:s30+$0xFFFFFF90];
	v7 =	vadd.f32 v7, v4;
	v5 =	vadd.f32 v14, v6;
	v6 =	vmul.f32 v8, v8  }
0x149: {  	v8 =	vadd.f32 $0.0e+00, v16;
	v14 =	vld [tilespmem:s25+$0xFFFFFF90];
	v16 =	vmul.f32 v17, v10;
	v4 =	vadd.f32 v15, v3  }
0x14a: {  	v21 =	vld [tilespmem:s30+$0x10];
	v15 =	vmul.f32 v9, v13;
	v13 =	vmul.f32 v13, v13;
	v3 =	vadd.f32 v6, v7  }
0x14b: {  	v6 =	vmul.f32 v9, v9;
	v7 =	vmul.f32 v18, v18;
	v9 =	vadd.f32 $0.0e+00, v16;
	v16 =	vld [tilespmem:s25+$0x10]  }
0x14c: {  	v22 =	vld [tilespmem:s30+$0xFFFFFF20];
	v12 =	vmul.f32 v12, v12;
	v15 =	vadd.f32 $0.0e+00, v15;
	v18 =	vmul.f32 v11, v18  }
0x14d: {  	v19 =	vmul.f32 v19, v19;
	v11 =	vmul.f32 v11, v11;
	v7 =	vadd.f32 v7, v13;
	v13 =	vld [tilespmem:s25+$0xFFFFFF20]  }
0x14e: {  	v23 =	vld [tilespmem:s30+$0xFFFFFFA0];
	v10 =	vmul.f32 v10, v10;
	v15 =	vadd.f32 v18, v15;
	v18 =	vmul.f32 v14, v20  }
0x14f: {  	v20 =	vmul.f32 v20, v20;
	v6 =	vadd.f32 v11, v6;
	v11 =	vmul.f32 v14, v14;
	v14 =	vld [tilespmem:s25+$0xFFFFFFA0]  }
0x150: {  	v24 =	vld [tilespmem:s30+$0x20];
	v17 =	vmul.f32 v17, v17;
	v8 =	vadd.f32 v18, v8;
	v18 =	vmul.f32 v16, v21  }
0x151: {  	v12 =	vadd.f32 v20, v12;
	v20 =	vmul.f32 v21, v21;
	v16 =	vmul.f32 v16, v16;
	v21 =	vld [tilespmem:s25+$0x20]  }
0x152: {  	v11 =	vadd.f32 v11, v19;
	v19 =	vmul.f32 v13, v22;
	v9 =	vadd.f32 v18, v9;
	v18 =	vld [tilespmem:s30+$0xFFFFFF30]  }
0x153: {  	v22 =	vmul.f32 v22, v22;
	v10 =	vadd.f32 v20, v10;
	v20 =	vld [tilespmem:s25+$0xFFFFFF30];
	v16 =	vadd.f32 v16, v17  }
0x154: {  	v13 =	vmul.f32 v13, v13;
	v17 =	vmul.f32 v14, v23;
	v15 =	vadd.f32 v19, v15;
	v19 =	vld [tilespmem:s30+$0xFFFFFFB0]  }
0x155: {  	v14 =	vmul.f32 v14, v14;
	v7 =	vadd.f32 v22, v7;
	v22 =	vmul.f32 v23, v23;
	v23 =	vld [tilespmem:s25+$0xFFFFFFB0]  }
0x156: {  	v6 =	vadd.f32 v13, v6;
	v13 =	vld [tilespmem:s30+$0x30];
	v8 =	vadd.f32 v17, v8;
	v17 =	vmul.f32 v21, v24  }
0x157: {  	v24 =	vmul.f32 v24, v24;
	v21 =	vmul.f32 v21, v21;
	v12 =	vadd.f32 v22, v12;
	v22 =	vld [tilespmem:s25+$0x30]  }
0x158: {  	v60 =	vld [tilespmem:s25+$0xFFFFFF40];
	v11 =	vadd.f32 v14, v11;
	v14 =	vmul.f32 v20, v18;
	v9 =	vadd.f32 v17, v9  }
0x159: {  	v17 =	vld [tilespmem:s30+$0xFFFFFF40];
	v18 =	vmul.f32 v18, v18;
	v10 =	vadd.f32 v24, v10;
	v16 =	vadd.f32 v21, v16  }
0x15a: {  	v21 =	vld [tilespmem:s30+$0xFFFFFFC0];
	v14 =	vadd.f32 v14, v15;
	v15 =	vmul.f32 v20, v20;
	v20 =	vmul.f32 v23, v19  }
0x15b: {  	v7 =	vadd.f32 v18, v7;
	v18 =	vmul.f32 v19, v19;
	v19 =	vmul.f32 v23, v23;
	v23 =	vld [tilespmem:s25+$0xFFFFFFC0]  }
0x15c: {  	v8 =	vadd.f32 v20, v8;
	v20 =	vmul.f32 v22, v13;
	v6 =	vadd.f32 v15, v6;
	v15 =	vld [tilespmem:s30+$0x40]  }
0x15d: {  	v13 =	vmul.f32 v13, v13;
	v12 =	vadd.f32 v18, v12;
	v18 =	vmul.f32 v22, v22;
	v22 =	vld [tilespmem:s25+$0x40]  }
0x15e: {  	v11 =	vadd.f32 v19, v11;
	v19 =	vmul.f32 v60, v17;
	v9 =	vadd.f32 v20, v9;
	v20 =	vld [tilespmem:s30+$0xFFFFFF50]  }
0x15f: {  	v17 =	vmul.f32 v17, v17;
	v10 =	vadd.f32 v13, v10;
	v13 =	vld [tilespmem:s25+$0xFFFFFF50];
	v16 =	vadd.f32 v18, v16  }
0x160: {  	v61 =	vld [tilespmem:s30+$0xFFFFFFD0];
	v18 =	vmul.f32 v60, v60;
	v14 =	vadd.f32 v19, v14;
	v19 =	vmul.f32 v23, v21  }
0x161: {  	v7 =	vadd.f32 v17, v7;
	v17 =	vmul.f32 v21, v21;
	v21 =	vmul.f32 v23, v23;
	v23 =	vld [tilespmem:s25+$0xFFFFFFD0]  }
0x162: {  	v25 =	vld [tilespmem:s30+$0xFFFFFF60];
	v6 =	vadd.f32 v18, v6;
	v8 =	vadd.f32 v19, v8;
	v19 =	vmul.f32 v22, v15  }
0x163: {  	v18 =	vld [tilespmem:s30+$0x50];
	v15 =	vmul.f32 v15, v15;
	v12 =	vadd.f32 v17, v12;
	v17 =	vmul.f32 v22, v22  }
0x164: {  	v22 =	vld [tilespmem:s25+$0x50];
	v11 =	vadd.f32 v21, v11;
	v21 =	vmul.f32 v13, v20;
	v19 =	vadd.f32 v19, v9  }
0x165: {  	v9 =	vmul.f32 v20, v20;
	v15 =	vadd.f32 v15, v10;
	v20 =	vld [tilespmem:s25+$0xFFFFFF60];
	v16 =	vadd.f32 v17, v16  }
0x166: {  	v10 =	vmul.f32 v13, v13;
	v17 =	vld [tilespmem:s30+$0xFFFFFFE0];
	v13 =	vmul.f32 v23, v61;
	v14 =	vadd.f32 v21, v14  }
0x167: {  	v27 =	vld [tilespmem:s30+$0x60];
	v21 =	vadd.f32 v9, v7;
	v7 =	vmul.f32 v61, v61;
	v9 =	vmul.f32 v23, v23  }
0x168: {  	v23 =	vld [tilespmem:s25+$0xFFFFFFE0];
	v26 =	vadd.f32 v10, v6;
	v6 =	vmul.f32 v18, v18;
	v62 =	vadd.f32 v13, v8  }
0x169: {  	v8 =	vmul.f32 v22, v18;
	v28 =	vadd.f32 v7, v12;
	v12 =	vmul.f32 v22, v22;
	v22 =	vld [tilespmem:s25+$0x60]  }
0x16a: {  	v9 =	vadd.f32 v9, v11;
	v7 =	vld [tilespmem:s30+$0xFFFFFF70];
	v11 =	vadd.f32 v6, v15;
	v18 =	vmul.f32 v20, v25  }
0x16b: {  	v6 =	vld [tilespmem:s25+$0xFFFFFF70];
	v10 =	vadd.f32 v8, v19;
	v19 =	vmul.f32 v25, v25;
	v63 =	vmul.f32 v17, v17  }
0x16c: {  	s10 =	simm.s32 $0x10700;
	v8 =	vld [tilespmem:s30+$0xFFFFFFF0];
	v13 =	vadd.f32 v12, v16;
	v16 =	vmul.f32 v20, v20;
	v20 =	vmul.f32 v27, v27  }
0x16d: {  	s17 =	simm.s32 $0x11700;
	[tilespmem:s10+$0x80] =	vst v5;
	v12 =	vadd.f32 v18, v14;
	v15 =	vmul.f32 v23, v17;
	v5 =	vadd.f32 v19, v21;
	v14 =	vld [tilespmem:s25+$0xFFFFFFF0]  }
0x16e: {  	s22 =	simm.s32 $0x12700;
	s1 =	sshll.u32 s0, $0x5;
	[tilespmem:s17+$0x80] =	vst v4;
	v19 =	vmul.f32 v23, v23;
	v17 =	vld [tilespmem:s30+$0x70];
	v4 =	vadd.f32 v63, v28;
	v21 =	vmul.f32 v22, v27  }
0x16f: {  	s23 =	simm.s32 $0x0;
	s24 =	sadd.s32 $0x200, s30;
	s31 =	smov.u32 s25;
	[tilespmem:s22+$0x80] =	vst v3;
	v18 =	vadd.f32 v16, v26;
	v16 =	vld [tilespmem:s25+$0x70];
	v15 =	vadd.f32 v15, v62;
	v22 =	vmul.f32 v22, v22  }
.LBB2_11:
0x170: {  	v23 =	vld [tilespmem:s24+$0xA0];
	v3 =	vmul.f32 v6, v7;
	v9 =	vadd.f32 v19, v9;
	v10 =	vadd.f32 v21, v10;
	s31 =	sadd.s32 $0x200, s31  }
0x171: {  	v7 =	vmul.f32 v7, v7;
	v11 =	vadd.f32 v20, v11;
	v19 =	vld [tilespmem:s31+$0xA0];
	v13 =	vadd.f32 v22, v13  }
0x172: {  	v6 =	vmul.f32 v6, v6;
	v20 =	vld [tilespmem:s24+$0x80];
	v3 =	vadd.f32 v3, v12;
	v12 =	vmul.f32 v14, v8  }
0x173: {  	v5 =	vadd.f32 v7, v5;
	v7 =	vmul.f32 v8, v8;
	v8 =	vmul.f32 v14, v14;
	v21 =	vld [tilespmem:s31+$0x80]  }
0x174: {  	v14 =	vld [tilespmem:s24+$0x90];
	[tilespmem:s10+$0xFFFFFF00] =	vst v3;
	v3 =	vadd.f32 v12, v15;
	v12 =	vmul.f32 v16, v17;
	v15 =	vmul.f32 v17, v17  }
0x175: {  	s23 =	sadd.s32 $0x4, s23;
	v6 =	vadd.f32 v6, v18;
	v4 =	vadd.f32 v7, v4;
	v17 =	vld [tilespmem:s31+$0x90];
	[tilespmem:s17+$0xFFFFFF00] =	vst v5;
	v5 =	vmul.f32 v16, v16  }
0x176: {  	p0 =	slt.u32 s23, $0x1C;
	v8 =	vadd.f32 v8, v9;
	v7 =	vld [tilespmem:s31+$0xFFFFFF00];
	[tilespmem:s10+$0xFFFFFF80] =	vst v3;
	v3 =	vadd.f32 v12, v10  }
0x177: {  	v9 =	vld [tilespmem:s24+$0xB0];
	[tilespmem:s22+$0xFFFFFF00] =	vst v6;
	v6 =	vadd.f32 v15, v11;
	v5 =	vadd.f32 v5, v13  }
0x178: {  	v10 =	vmul.f32 v21, v20;
	v11 =	vld [tilespmem:s31+$0xB0];
	[tilespmem:s17+$0xFFFFFF80] =	vst v4  }
0x179: {  	v4 =	vld [tilespmem:s24+$0xC0];
	[tilespmem:s22+$0xFFFFFF80] =	vst v8  }
0x17a: {  	v12 =	vmul.f32 v19, v23;
	v8 =	vadd.f32 $0.0e+00, v10;
	v10 =	vmul.f32 v17, v14;
	v13 =	vld [tilespmem:s31+$0xC0];
	[tilespmem:s10+$0x0] =	vst v3  }
0x17b: {  	v15 =	vmul.f32 v20, v20;
	v3 =	vimm.f32 $0.0e+00;
	v14 =	vmul.f32 v14, v14;
	v16 =	vld [tilespmem:s24+$0xD0];
	[tilespmem:s17+$0x0] =	vst v6  }
0x17c: {  	v6 =	vmul.f32 v21, v21;
	v8 =	vadd.f32 v10, v8;
	v10 =	vmul.f32 v17, v17;
	v17 =	vld [tilespmem:s31+$0xD0];
	[tilespmem:s22+$0x0] =	vst v5  }
0x17d: {  	v5 =	vadd.f32 v14, v15;
	v14 =	vmul.f32 v23, v23;
	v15 =	vmul.f32 v11, v9;
	v18 =	vld [tilespmem:s24+$0xE0]  }
0x17e: {  	v6 =	vadd.f32 v10, v6;
	v8 =	vadd.f32 v12, v8;
	v10 =	vmul.f32 v19, v19;
	v12 =	vld [tilespmem:s31+$0xE0]  }
0x17f: {  	v9 =	vmul.f32 v9, v9;
	v5 =	vadd.f32 v14, v5;
	v14 =	vmul.f32 v13, v4;
	v19 =	vld [tilespmem:s24+$0xF0]  }
0x180: {  	v6 =	vadd.f32 v10, v6;
	v8 =	vadd.f32 v15, v8;
	v10 =	vmul.f32 v11, v11;
	v11 =	vld [tilespmem:s31+$0xF0]  }
0x181: {  	v4 =	vmul.f32 v4, v4;
	v5 =	vadd.f32 v9, v5;
	v15 =	vld [tilespmem:s24+$0xFFFFFF80];
	v9 =	vmul.f32 v17, v16  }
0x182: {  	v20 =	vld [tilespmem:s31+$0xFFFFFF80];
	v6 =	vadd.f32 v10, v6;
	v8 =	vadd.f32 v14, v8;
	v10 =	vmul.f32 v13, v13  }
0x183: {  	v4 =	vadd.f32 v4, v5;
	v5 =	vmul.f32 v16, v16;
	v13 =	vld [tilespmem:s24+$0x0];
	v14 =	vmul.f32 v12, v18  }
0x184: {  	v16 =	vld [tilespmem:s31+$0x0];
	v6 =	vadd.f32 v10, v6;
	v8 =	vadd.f32 v9, v8;
	v9 =	vmul.f32 v17, v17  }
0x185: {  	v4 =	vadd.f32 v5, v4;
	v5 =	vmul.f32 v18, v18;
	v10 =	vld [tilespmem:s24+$0xFFFFFF00];
	v17 =	vmul.f32 v11, v19  }
0x186: {  	v18 =	vld [tilespmem:s24+$0xFFFFFF10];
	v6 =	vadd.f32 v9, v6;
	v8 =	vadd.f32 v14, v8;
	v9 =	vmul.f32 v12, v12  }
0x187: {  	v4 =	vadd.f32 v5, v4;
	v5 =	vmul.f32 v19, v19;
	v12 =	vld [tilespmem:s31+$0xFFFFFF10];
	v14 =	vmul.f32 v20, v15  }
0x188: {  	v19 =	vld [tilespmem:s24+$0xFFFFFF90];
	v6 =	vadd.f32 v9, v6;
	v8 =	vadd.f32 v17, v8;
	v9 =	vmul.f32 v11, v11  }
0x189: {  	s10 =	sadd.s32 $0x200, s10;
	v4 =	vadd.f32 v5, v4;
	v11 =	vadd.f32 $0.0e+00, v14;
	v14 =	vld [tilespmem:s31+$0xFFFFFF90];
	v17 =	vmul.f32 v16, v13  }
0x18a: {  	s17 =	sadd.s32 $0x200, s17;
	v5 =	vmul.f32 v7, v10;
	v10 =	vmul.f32 v10, v10;
	v21 =	vld [tilespmem:s24+$0x10];
	v6 =	vadd.f32 v9, v6;
	[tilespmem:s10+$0x80] =	vst v8  }
0x18b: {  	s22 =	sadd.s32 $0x200, s22;
	v7 =	vmul.f32 v7, v7;
	v8 =	vmul.f32 v18, v18;
	v9 =	vadd.f32 $0.0e+00, v17;
	v17 =	vld [tilespmem:s31+$0x10];
	[tilespmem:s17+$0x80] =	vst v4  }
0x18c: {  	s26 =	simm.s32 $0x0;
	v4 =	vadd.f32 $0.0e+00, v5;
	v5 =	vmul.f32 v12, v18;
	v12 =	vmul.f32 v12, v12;
	v18 =	vld [tilespmem:s24+$0xFFFFFF20];
	[tilespmem:s22+$0x80] =	vst v6  }
0x18d: {  	v6 =	vadd.f32 v8, v10;
	v8 =	vld [tilespmem:s31+$0xFFFFFF20];
	v10 =	vmul.f32 v15, v15;
	v15 =	vmul.f32 v20, v20  }
0x18e: {  	v4 =	vadd.f32 v5, v4;
	v5 =	vmul.f32 v14, v19;
	v19 =	vmul.f32 v19, v19;
	v20 =	vld [tilespmem:s24+$0xFFFFFFA0]  }
0x18f: {  	v13 =	vmul.f32 v13, v13;
	v7 =	vadd.f32 v12, v7;
	v12 =	vmul.f32 v14, v14;
	v14 =	vld [tilespmem:s31+$0xFFFFFFA0]  }
0x190: {  	v5 =	vadd.f32 v5, v11;
	v11 =	vmul.f32 v16, v16;
	v16 =	vmul.f32 v17, v21;
	v22 =	vld [tilespmem:s24+$0x20]  }
0x191: {  	v10 =	vadd.f32 v19, v10;
	v19 =	vmul.f32 v21, v21;
	v17 =	vmul.f32 v17, v17;
	v21 =	vld [tilespmem:s31+$0x20]  }
0x192: {  	v12 =	vadd.f32 v12, v15;
	v23 =	vmul.f32 v8, v18;
	v24 =	vld [tilespmem:s24+$0xFFFFFF30];
	v9 =	vadd.f32 v16, v9  }
0x193: {  	v15 =	vmul.f32 v18, v18;
	v13 =	vadd.f32 v19, v13;
	v11 =	vadd.f32 v17, v11;
	v16 =	vld [tilespmem:s31+$0xFFFFFF30]  }
0x194: {  	v8 =	vmul.f32 v8, v8;
	v4 =	vadd.f32 v23, v4;
	v17 =	vmul.f32 v14, v20;
	v18 =	vld [tilespmem:s24+$0xFFFFFFB0]  }
0x195: {  	v6 =	vadd.f32 v15, v6;
	v15 =	vmul.f32 v20, v20;
	v14 =	vmul.f32 v14, v14;
	v19 =	vld [tilespmem:s31+$0xFFFFFFB0]  }
0x196: {  	v20 =	vmul.f32 v22, v22;
	v5 =	vadd.f32 v17, v5;
	v17 =	vmul.f32 v21, v22;
	v22 =	vld [tilespmem:s24+$0x30]  }
0x197: {  	v7 =	vadd.f32 v8, v7;
	v8 =	vadd.f32 v15, v10;
	v10 =	vmul.f32 v21, v21;
	v15 =	vld [tilespmem:s31+$0x30]  }
0x198: {  	v12 =	vadd.f32 v14, v12;
	v21 =	vmul.f32 v16, v24;
	v23 =	vld [tilespmem:s24+$0xFFFFFF40];
	v9 =	vadd.f32 v17, v9  }
0x199: {  	v14 =	vmul.f32 v24, v24;
	v13 =	vadd.f32 v20, v13;
	v10 =	vadd.f32 v10, v11;
	v17 =	vld [tilespmem:s31+$0xFFFFFF40]  }
0x19a: {  	v11 =	vmul.f32 v16, v16;
	v4 =	vadd.f32 v21, v4;
	v16 =	vmul.f32 v19, v18;
	v20 =	vld [tilespmem:s24+$0xFFFFFFC0]  }
0x19b: {  	v6 =	vadd.f32 v14, v6;
	v14 =	vmul.f32 v18, v18;
	v18 =	vmul.f32 v19, v19;
	v19 =	vld [tilespmem:s31+$0xFFFFFFC0]  }
0x19c: {  	v21 =	vmul.f32 v22, v22;
	v5 =	vadd.f32 v16, v5;
	v16 =	vmul.f32 v15, v22;
	v22 =	vld [tilespmem:s24+$0x40]  }
0x19d: {  	v7 =	vadd.f32 v11, v7;
	v8 =	vadd.f32 v14, v8;
	v11 =	vmul.f32 v15, v15;
	v14 =	vld [tilespmem:s31+$0x40]  }
0x19e: {  	v12 =	vadd.f32 v18, v12;
	v15 =	vmul.f32 v17, v23;
	v24 =	vld [tilespmem:s24+$0xFFFFFF50];
	v9 =	vadd.f32 v16, v9  }
0x19f: {  	v13 =	vadd.f32 v21, v13;
	v16 =	vmul.f32 v23, v23;
	v10 =	vadd.f32 v11, v10;
	v18 =	vld [tilespmem:s31+$0xFFFFFF50]  }
0x1a0: {  	v11 =	vmul.f32 v17, v17;
	v4 =	vadd.f32 v15, v4;
	v15 =	vmul.f32 v19, v20;
	v17 =	vld [tilespmem:s24+$0xFFFFFFD0]  }
0x1a1: {  	v6 =	vadd.f32 v16, v6;
	v16 =	vmul.f32 v20, v20;
	v19 =	vmul.f32 v19, v19;
	v20 =	vld [tilespmem:s31+$0xFFFFFFD0]  }
0x1a2: {  	v21 =	vmul.f32 v22, v22;
	v5 =	vadd.f32 v15, v5;
	v15 =	vmul.f32 v14, v22;
	v22 =	vld [tilespmem:s24+$0x50]  }
0x1a3: {  	v7 =	vadd.f32 v11, v7;
	v8 =	vadd.f32 v16, v8;
	v11 =	vmul.f32 v14, v14;
	v14 =	vld [tilespmem:s31+$0x50]  }
0x1a4: {  	v12 =	vadd.f32 v19, v12;
	v16 =	vmul.f32 v18, v24;
	v23 =	vld [tilespmem:s24+$0xFFFFFF60];
	v15 =	vadd.f32 v15, v9  }
0x1a5: {  	v13 =	vadd.f32 v21, v13;
	v9 =	vmul.f32 v24, v24;
	v21 =	vadd.f32 v11, v10;
	v19 =	vld [tilespmem:s31+$0xFFFFFF60]  }
0x1a6: {  	v10 =	vmul.f32 v18, v18;
	v4 =	vadd.f32 v16, v4;
	v11 =	vmul.f32 v20, v17;
	v16 =	vld [tilespmem:s24+$0xFFFFFFE0]  }
0x1a7: {  	v18 =	vadd.f32 v9, v6;
	v6 =	vmul.f32 v17, v17;
	v9 =	vmul.f32 v20, v20;
	v17 =	vld [tilespmem:s31+$0xFFFFFFE0]  }
0x1a8: {  	v20 =	vadd.f32 v11, v5;
	v5 =	vmul.f32 v14, v22;
	v11 =	vmul.f32 v22, v22;
	v22 =	vld [tilespmem:s24+$0x60]  }
0x1a9: {  	v24 =	vadd.f32 v10, v7;
	v25 =	vadd.f32 v6, v8;
	v8 =	vmul.f32 v14, v14;
	v26 =	vld [tilespmem:s31+$0x60]  }
0x1aa: {  	v9 =	vadd.f32 v9, v12;
	v14 =	vmul.f32 v19, v23;
	v7 =	vld [tilespmem:s24+$0xFFFFFF70];
	v10 =	vadd.f32 v5, v15  }
.Ltmp4:
0x1ab: {  	v5 =	vmul.f32 v23, v23;
	v11 =	vadd.f32 v11, v13;
	v13 =	vadd.f32 v8, v21;
	v6 =	vld [tilespmem:s31+$0xFFFFFF70];
	(pc) =	sbr.rel @p0 .LBB2_11-.Ltmp4, $4  }
0x1ac: {  	v12 =	vadd.f32 v14, v4;
	v4 =	vmul.f32 v19, v19;
	v15 =	vmul.f32 v17, v16;
	v8 =	vld [tilespmem:s24+$0xFFFFFFF0]  }
0x1ad: {  	v5 =	vadd.f32 v5, v18;
	v16 =	vmul.f32 v16, v16;
	v19 =	vmul.f32 v17, v17;
	v14 =	vld [tilespmem:s31+$0xFFFFFFF0]  }
0x1ae: {  	v15 =	vadd.f32 v15, v20;
	v21 =	vmul.f32 v26, v22;
	v20 =	vmul.f32 v22, v22;
	v17 =	vld [tilespmem:s24+$0x70]  }
0x1af: {  	v18 =	vadd.f32 v4, v24;
	v4 =	vadd.f32 v16, v25;
	v22 =	vmul.f32 v26, v26;
	s24 =	sadd.s32 $0x200, s24;
	v16 =	vld [tilespmem:s31+$0x70]  }
0x1b0: {  	v23 =	vmul.f32 v6, v7  }
0x1b1: {  	v9 =	vadd.f32 v19, v9;
	v10 =	vadd.f32 v21, v10;
	v7 =	vmul.f32 v7, v7  }
0x1b2: {  	v11 =	vadd.f32 v20, v11;
	v13 =	vadd.f32 v22, v13;
	v19 =	vmul.f32 v14, v8  }
0x1b3: {  	v6 =	vmul.f32 v6, v6;
	v12 =	vadd.f32 v23, v12;
	v5 =	vadd.f32 v7, v5  }
0x1b4: {  	v7 =	vmul.f32 v8, v8;
	v8 =	vmul.f32 v14, v14;
	v14 =	vadd.f32 v19, v15  }
0x1b5: {  	[tilespmem:s10+$0xFFFFFF00] =	vst v12;
	v12 =	vmul.f32 v16, v17;
	v15 =	vmul.f32 v17, v17;
	v17 =	vmov s26  }
0x1b6: {  	v6 =	vadd.f32 v6, v18;
	v4 =	vadd.f32 v7, v4;
	[tilespmem:s17+$0xFFFFFF00] =	vst v5;
	v5 =	vand.u32 $0x7C, v17  }
0x1b7: {  	s23 =	simm.s32 $0x3;
	v7 =	vmul.f32 v16, v16;
	v8 =	vadd.f32 v8, v9;
	[tilespmem:s10+$0xFFFFFF80] =	vst v14;
	v5 =	vbroadcast v5, $0x0  }
0x1b8: {  	s26 =	simm.s32 $0x2;
	v9 =	vadd.f32 v12, v10;
	[tilespmem:s22+$0xFFFFFF00] =	vst v6;
	v6 =	vadd.f32 v15, v11;
	v10 =	vmov s23  }
0x1b9: {  	s31 =	simm.s32 $0x1;
	[tilespmem:s17+$0xFFFFFF80] =	vst v4;
	v10 =	vand.u32 $0x7F, v10;
	v4 =	vor.u32 v0, v5;
	v5 =	vmov s26  }
0x1ba: {  	[tilespmem:s22+$0xFFFFFF80] =	vst v8;
	v8 =	vmov s31;
	v10 =	vbroadcast v10, $0x0;
	v5 =	vand.u32 $0x7E, v5  }
0x1bb: {  	v7 =	vadd.f32 v7, v13;
	[tilespmem:s10+$0x0] =	vst v9;
	v8 =	vand.u32 $0x7D, v8;
	v9 =	vbroadcast v5, $0x0  }
0x1bc: {  	[tilespmem:s17+$0x0] =	vst v6;
	v8 =	vbroadcast v8, $0x0;
	v5 =	vor.u32 v0, v10  }
0x1bd: {  	[tilespmem:s22+$0x0] =	vst v7;
	v10 =	vor.u32 v0, v9  }
0x1be: {  	v14 =	vor.u32 v0, v8;
	v6 =	vld.idx.msk [tilespmem:v4+s19+$0x0], $0xffff  }
0x1bf: {  	v8 =	vld.idx.msk [tilespmem:v4+s20+$0x0], $0xffff  }
0x1c0: {  	s23 =	simm.s32 $0x4;
	v9 =	vld.idx.msk [tilespmem:v4+s21+$0x0], $0xffff  }
0x1c1: {  	v4 =	vmov s23;
	v7 =	vld.idx.msk [tilespmem:v5+s19+$0x0], $0xffff  }
0x1c2: {  	s24 =	simm.s32 $0x7;
	v11 =	vand.u32 $0x7C, v4;
	v4 =	vld.idx.msk [tilespmem:v10+s19+$0x0], $0xffff  }
0x1c3: {  	v15 =	vmov s24;
	v13 =	vbroadcast v11, $0x0;
	v11 =	vld.idx.msk [tilespmem:v14+s19+$0x0], $0xffff  }
0x1c4: {  	v17 =	vimm.f32 $0.0e+00;
	v15 =	vand.u32 $0x7F, v15;
	s26 =	simm.s32 $0x6;
	v12 =	vld.idx.msk [tilespmem:v14+s20+$0x0], $0xffff  }
0x1c5: {  	s31 =	simm.s32 $0x5;
	v18 =	vbroadcast v15, $0x0;
	v16 =	vmov s26;
	v13 =	vor.u32 v0, v13;
	v14 =	vld.idx.msk [tilespmem:v14+s21+$0x0], $0xffff  }
0x1c6: {  	s10 =	simm.s32 $0x8;
	v19 =	vmov s31;
	v20 =	vand.u32 $0x7E, v16;
	v16 =	vimm.f32 $0.0e+00;
	v15 =	vld.idx.msk [tilespmem:v10+s20+$0x0], $0xffff  }
.LBB2_13:
0x1c7: {  	p0 =	slt.u32 s10, $0xC;
	v19 =	vand.u32 $0x7D, v19;
	v20 =	vbroadcast v20, $0x0;
	v21 =	vld.idx.msk [tilespmem:v10+s21+$0x0], $0xffff;
	v22 =	vmov v7  }
0x1c8: {  	v3 =	vadd.f32 v6, v3;
	v7 =	vbroadcast v19, $0x0;
	v18 =	vor.u32 v0, v18;
	v19 =	vld.idx.msk [tilespmem:v5+s20+$0x0], $0xffff  }
0x1c9: {  	v17 =	vadd.f32 v8, v17;
	v9 =	vadd.f32 v9, v16;
	v10 =	vor.u32 v0, v20;
	v16 =	vld.idx.msk [tilespmem:v5+s21+$0x0], $0xffff  }
0x1ca: {  	v3 =	vadd.f32 v11, v3;
	v5 =	vmov v18;
	v6 =	vld.idx.msk [tilespmem:v13+s19+$0x0], $0xffff;
	v20 =	vor.u32 v0, v7  }
0x1cb: {  	v11 =	vadd.f32 v12, v17;
	v12 =	vadd.f32 v14, v9;
	v8 =	vld.idx.msk [tilespmem:v13+s20+$0x0], $0xffff  }
0x1cc: {  	v3 =	vadd.f32 v4, v3;
	v9 =	vld.idx.msk [tilespmem:v13+s21+$0x0], $0xffff  }
0x1cd: {  	v4 =	vmov s10;
	v13 =	vadd.f32 v15, v11;
	v12 =	vadd.f32 v21, v12;
	v7 =	vld.idx.msk [tilespmem:v18+s19+$0x0], $0xffff  }
.Ltmp5:
0x1ce: {  	v11 =	vand.u32 $0x7C, v4;
	v3 =	vadd.f32 v22, v3;
	v4 =	vld.idx.msk [tilespmem:v10+s19+$0x0], $0xffff;
	(pc) =	sbr.rel @p0 .LBB2_13-.Ltmp5, $4  }
0x1cf: {  	s17 =	sadd.s32 $0x3, s10;
	v14 =	vbroadcast v11, $0x0;
	v17 =	vadd.f32 v19, v13;
	v16 =	vadd.f32 v16, v12;
	v11 =	vld.idx.msk [tilespmem:v20+s19+$0x0], $0xffff  }
0x1d0: {  	s22 =	sadd.s32 $0x2, s10;
	v15 =	vmov s17;
	v12 =	vld.idx.msk [tilespmem:v20+s20+$0x0], $0xffff  }
0x1d1: {  	s17 =	sadd.s32 $0x1, s10;
	v18 =	vmov s22;
	v15 =	vand.u32 $0x7F, v15;
	v13 =	vor.u32 v0, v14;
	v14 =	vld.idx.msk [tilespmem:v20+s21+$0x0], $0xffff  }
0x1d2: {  	s10 =	sadd.s32 $0x4, s10;
	v19 =	vmov s17;
	v20 =	vand.u32 $0x7E, v18;
	v18 =	vbroadcast v15, $0x0;
	v15 =	vld.idx.msk [tilespmem:v10+s20+$0x0], $0xffff  }
0x1d3: {  	_ =	sdelay $0x3  }
0x1d4: {  	v20 =	vbroadcast v20, $0x0;
	v10 =	vld.idx.msk [tilespmem:v10+s21+$0x0], $0xffff  }
0x1d5: {  	v19 =	vand.u32 $0x7D, v19;
	v21 =	vld.idx.msk [tilespmem:v5+s20+$0x0], $0xffff;
	v18 =	vor.u32 v0, v18  }
0x1d6: {  	v5 =	vld.idx.msk [tilespmem:v5+s21+$0x0], $0xffff;
	v19 =	vbroadcast v19, $0x0;
	v20 =	vor.u32 v0, v20  }
0x1d7: {  	v22 =	vld.idx.msk [tilespmem:v13+s19+$0x0], $0xffff  }
0x1d8: {  	v3 =	vadd.f32 v6, v3;
	v6 =	vadd.f32 v8, v17;
	v8 =	vld.idx.msk [tilespmem:v13+s20+$0x0], $0xffff;
	v19 =	vor.u32 v0, v19  }
0x1d9: {  	v13 =	vld.idx.msk [tilespmem:v13+s21+$0x0], $0xffff  }
0x1da: {  	v9 =	vadd.f32 v9, v16;
	s10 =	simm.s32 $0x0;
	v3 =	vadd.f32 v11, v3;
	v11 =	vld.idx.msk [tilespmem:v18+s19+$0x0], $0xffff  }
0x1db: {  	s31 =	simm.s32 $0x3;
	v6 =	vadd.f32 v12, v6;
	v12 =	vmov s10;
	v16 =	vld.idx.msk [tilespmem:v20+s19+$0x0], $0xffff  }
0x1dc: {  	v9 =	vadd.f32 v14, v9;
	v12 =	vand.u32 $0x7C, v12;
	v14 =	vmov s31;
	v17 =	vld.idx.msk [tilespmem:v20+s20+$0x0], $0xffff  }
0x1dd: {  	s22 =	simm.s32 $0x1;
	v3 =	vadd.f32 v4, v3;
	v4 =	vadd.f32 v15, v6;
	v12 =	vbroadcast v12, $0x0;
	v6 =	vld.idx.msk [tilespmem:v19+s19+$0x0], $0xffff  }
0x1de: {  	s17 =	simm.s32 $0x2;
	v14 =	vand.u32 $0x7F, v14;
	v15 =	vmov s22;
	v9 =	vadd.f32 v10, v9;
	v10 =	vld.idx.msk [tilespmem:v19+s20+$0x0], $0xffff  }
0x1df: {  	v3 =	vadd.f32 v7, v3;
	v7 =	vld.idx.msk [tilespmem:v19+s21+$0x0], $0xffff;
	v19 =	vor.u32 v2, v12;
	v12 =	vmov s17  }
0x1e0: {  	v14 =	vbroadcast v14, $0x0;
	v15 =	vand.u32 $0x7D, v15;
	v20 =	vld.idx.msk [tilespmem:v20+s21+$0x0], $0xffff;
	v12 =	vand.u32 $0x7E, v12  }
0x1e1: {  	v4 =	vadd.f32 v21, v4;
	v5 =	vadd.f32 v5, v9;
	v9 =	vld.idx.msk [tilespmem:v18+s20+$0x0], $0xffff;
	v21 =	vbroadcast v12, $0x0  }
0x1e2: {  	v15 =	vbroadcast v15, $0x0;
	v18 =	vld.idx.msk [tilespmem:v18+s21+$0x0], $0xffff;
	v22 =	vadd.f32 v22, v3;
	v12 =	vor.u32 v2, v14  }
0x1e3: {  	v4 =	vadd.f32 v8, v4;
	v3 =	vld [tilespmem:s1+$0x480];
	v8 =	vadd.f32 v13, v5;
	v14 =	vor.u32 v2, v21  }
0x1e4: {  	v21 =	vor.u32 v2, v15;
	v6 =	vadd.f32 v6, v22;
	v5 =	vld.idx.msk [tilespmem:v19+s19+$0x0], $0xffff  }
0x1e5: {  	v4 =	vadd.f32 v10, v4;
	v7 =	vadd.f32 v7, v8;
	v15 =	vld.idx.msk [tilespmem:v19+s20+$0x0], $0xffff  }
0x1e6: {  	s23 =	simm.s32 $0x4;
	v6 =	vadd.f32 v16, v6;
	v16 =	vld.idx.msk [tilespmem:v19+s21+$0x0], $0xffff  }
0x1e7: {  	s31 =	simm.s32 $0x5;
	v8 =	vmov s23;
	v10 =	vadd.f32 v17, v4;
	v13 =	vadd.f32 v20, v7;
	v7 =	vld.idx.msk [tilespmem:v12+s19+$0x0], $0xffff  }
0x1e8: {  	s26 =	simm.s32 $0x6;
	v24 =	vmov s31;
	v8 =	vand.u32 $0x7C, v8;
	v4 =	vadd.f32 v11, v6;
	v6 =	vld.idx.msk [tilespmem:v14+s19+$0x0], $0xffff  }
0x1e9: {  	s24 =	simm.s32 $0x7;
	v19 =	vmov s26;
	v11 =	vbroadcast v8, $0x0;
	v8 =	vadd.f32 v9, v10;
	v10 =	vld.idx.msk [tilespmem:v21+s19+$0x0], $0xffff  }
0x1ea: {  	v23 =	vand.u32 $0x7E, v19;
	v9 =	vadd.f32 v18, v13;
	v18 =	vmov s24;
	v17 =	vld.idx.msk [tilespmem:v21+s20+$0x0], $0xffff  }
0x1eb: {  	v13 =	vimm.f32 $0.0e+00;
	v19 =	vld.idx.msk [tilespmem:v14+s20+$0x0], $0xffff;
	v20 =	vand.u32 $0x7F, v18;
	v11 =	vor.u32 v2, v11  }
0x1ec: {  	s10 =	simm.s32 $0x8;
	v18 =	vld.idx.msk [tilespmem:v21+s21+$0x0], $0xffff;
	v21 =	vimm.f32 $0.0e+00;
	v22 =	vbroadcast v20, $0x0;
	v20 =	vimm.f32 $0.0e+00  }
.LBB2_15:
0x1ed: {  	p0 =	slt.u32 s10, $0xC;
	v24 =	vand.u32 $0x7D, v24;
	v23 =	vbroadcast v23, $0x0;
	v25 =	vld.idx.msk [tilespmem:v14+s21+$0x0], $0xffff;
	v26 =	vmov v7  }
0x1ee: {  	v13 =	vadd.f32 v5, v13;
	v7 =	vbroadcast v24, $0x0;
	v22 =	vor.u32 v2, v22;
	v24 =	vld.idx.msk [tilespmem:v12+s20+$0x0], $0xffff  }
0x1ef: {  	v21 =	vadd.f32 v15, v21;
	v16 =	vadd.f32 v16, v20;
	v14 =	vor.u32 v2, v23;
	v20 =	vld.idx.msk [tilespmem:v12+s21+$0x0], $0xffff  }
0x1f0: {  	v12 =	vmov v22;
	v5 =	vld.idx.msk [tilespmem:v11+s19+$0x0], $0xffff;
	v23 =	vor.u32 v2, v7;
	v7 =	vadd.f32 v10, v13  }
0x1f1: {  	v10 =	vadd.f32 v17, v21;
	v13 =	vadd.f32 v18, v16;
	v15 =	vld.idx.msk [tilespmem:v11+s20+$0x0], $0xffff  }
0x1f2: {  	v16 =	vld.idx.msk [tilespmem:v11+s21+$0x0], $0xffff;
	v11 =	vadd.f32 v6, v7  }
0x1f3: {  	v6 =	vmov s10;
	v17 =	vadd.f32 v19, v10;
	v18 =	vadd.f32 v25, v13;
	v7 =	vld.idx.msk [tilespmem:v22+s19+$0x0], $0xffff  }
.Ltmp6:
0x1f4: {  	v10 =	vand.u32 $0x7C, v6;
	v6 =	vld.idx.msk [tilespmem:v14+s19+$0x0], $0xffff;
	v13 =	vadd.f32 v26, v11;
	(pc) =	sbr.rel @p0 .LBB2_15-.Ltmp6, $4  }
0x1f5: {  	s17 =	sadd.s32 $0x3, s10;
	v11 =	vbroadcast v10, $0x0;
	v21 =	vadd.f32 v24, v17;
	v20 =	vadd.f32 v20, v18;
	v10 =	vld.idx.msk [tilespmem:v23+s19+$0x0], $0xffff  }
0x1f6: {  	s22 =	sadd.s32 $0x2, s10;
	v18 =	vmov s17;
	v17 =	vld.idx.msk [tilespmem:v23+s20+$0x0], $0xffff  }
0x1f7: {  	v19 =	vmov s22;
	s17 =	sadd.s32 $0x1, s10;
	v22 =	vand.u32 $0x7F, v18;
	v11 =	vor.u32 v2, v11;
	v18 =	vld.idx.msk [tilespmem:v23+s21+$0x0], $0xffff  }
0x1f8: {  	s10 =	sadd.s32 $0x4, s10;
	v24 =	vmov s17;
	v22 =	vbroadcast v22, $0x0;
	v23 =	vand.u32 $0x7E, v19;
	v19 =	vld.idx.msk [tilespmem:v14+s20+$0x0], $0xffff  }
0x1f9: {  	_ = 	snop  }
0x1fa: {  	v24 =	vand.u32 $0x7D, v24  }
0x1fb: {  	v24 =	vbroadcast v24, $0x0;
	_ =	sdelay $0x1  }
0x1fc: {  	v23 =	vbroadcast v23, $0x0;
	v14 =	vld.idx.msk [tilespmem:v14+s21+$0x0], $0xffff;
	v62 =	vor.u32 v2, v24  }
0x1fd: {  	v15 =	vadd.f32 v15, v21;
	v63 =	vld.idx.msk [tilespmem:v12+s20+$0x0], $0xffff;
	v16 =	vadd.f32 v16, v20  }
0x1fe: {  	v26 =	vld.idx.msk [tilespmem:v12+s21+$0x0], $0xffff;
	v25 =	vor.u32 v2, v23  }
0x1ff: {  	v27 =	vld.idx.msk [tilespmem:v11+s20+$0x0], $0xffff;
	v15 =	vadd.f32 v17, v15;
	v16 =	vadd.f32 v18, v16  }
0x200: {  	v29 =	vld.idx.msk [tilespmem:v11+s21+$0x0], $0xffff;
	v28 =	vor.u32 v2, v22  }
0x201: {  	v15 =	vadd.f32 v19, v15;
	v14 =	vadd.f32 v14, v16;
	v30 =	vld.idx.msk [tilespmem:v62+s20+$0x0], $0xffff  }
0x202: {  	v31 =	vld.idx.msk [tilespmem:v62+s21+$0x0], $0xffff  }
0x203: {  	v15 =	vadd.f32 v63, v15;
	v12 =	vadd.f32 v26, v14;
	v32 =	vld.idx.msk [tilespmem:v25+s20+$0x0], $0xffff  }
0x204: {  	v23 =	vld.idx.msk [tilespmem:v25+s21+$0x0], $0xffff  }
0x205: {  	v33 =	vld.idx.msk [tilespmem:v28+s20+$0x0], $0xffff;
	v15 =	vadd.f32 v27, v15;
	v12 =	vadd.f32 v29, v12  }
0x206: {  	v34 =	vld.idx.msk [tilespmem:v28+s21+$0x0], $0xffff  }
0x207: {  	v15 =	vadd.f32 v30, v15;
	v12 =	vadd.f32 v31, v12;
	_ =	sdelay $0x1  }
0x208: {  	v14 =	vadd.f32 v32, v15;
	v12 =	vadd.f32 v23, v12  }
0x209: {  	v8 =	vmax.f32 v8, $1.000000020e-16  }
0x20a: {  	v9 =	vmax.f32 v9, $1.000000020e-16;
	v14 =	vadd.f32 v33, v14;
	v12 =	vadd.f32 v34, v12  }
0x20b: {  	v8 =	vmul.f32 v9, v8  }
0x20c: {  	v35 =	vmax.f32 v14, $1.000000020e-16;
	v12 =	vmax.f32 v12, $1.000000020e-16  }
0x20d: {  	v36 =	vshra.s32 v8, $0x1;
	v8 =	vmul.f32 $5.000000000e-01, v8;
	v9 =	vmul.f32 v12, v35  }
0x20e: {  	v37 =	vsub.s32 $0x5F3759DF, v36  }
0x20f: {  	v14 =	vmul.f32 v37, v8;
	v38 =	vshra.s32 v9, $0x1;
	v9 =	vmul.f32 $5.000000000e-01, v9  }
0x210: {  	v15 =	vsub.s32 $0x5F3759DF, v38  }
0x211: {  	v14 =	vmul.f32 v37, v14;
	v39 =	vmul.f32 v15, v9;
	_ =	sdelay $0x1  }
0x212: {  	v14 =	vsub.f32 $1.500000000e+00, v14;
	v16 =	vmul.f32 v15, v39;
	_ =	sdelay $0x1  }
0x213: {  	v12 =	vmul.f32 v37, v14;
	v40 =	vsub.f32 $1.500000000e+00, v16;
	_ =	sdelay $0x1  }
0x214: {  	v41 =	vmul.f32 v12, v8;
	v14 =	vmul.f32 v15, v40;
	_ =	sdelay $0x1  }
0x215: {  	v5 =	vadd.f32 v5, v13;
	v42 =	vmul.f32 v41, v12;
	v15 =	vmul.f32 v14, v9;
	_ =	sdelay $0x1  }
0x216: {  	v5 =	vadd.f32 v10, v5;
	v43 =	vsub.f32 $1.500000000e+00, v42;
	v44 =	vmul.f32 v15, v14  }
0x217: {  	v45 =	vld.idx.msk [tilespmem:v11+s19+$0x0], $0xffff  }
0x218: {  	v5 =	vadd.f32 v6, v5;
	v46 =	vmul.f32 v43, v12;
	v47 =	vsub.f32 $1.500000000e+00, v44  }
0x219: {  	v48 =	vld.idx.msk [tilespmem:v62+s19+$0x0], $0xffff  }
0x21a: {  	v5 =	vadd.f32 v7, v5;
	v49 =	vmul.f32 v46, v8;
	v50 =	vmul.f32 v47, v14  }
0x21b: {  	v51 =	vld.idx.msk [tilespmem:v25+s19+$0x0], $0xffff  }
0x21c: {  	v5 =	vadd.f32 v45, v5;
	v7 =	vmul.f32 v49, v46;
	v9 =	vmul.f32 v50, v9  }
0x21d: {  	v52 =	vld.idx.msk [tilespmem:v28+s19+$0x0], $0xffff  }
0x21e: {  	v5 =	vadd.f32 v48, v5;
	v7 =	vsub.f32 $1.500000000e+00, v7;
	v9 =	vmul.f32 v9, v50;
	_ =	sdelay $0x1  }
0x21f: {  	v5 =	vadd.f32 v51, v5;
	v6 =	vmul.f32 v7, v46;
	v53 =	vsub.f32 $1.500000000e+00, v9;
	_ =	sdelay $0x1  }
0x220: {  	v5 =	vadd.f32 v52, v5;
	v4 =	vmul.f32 v6, v4;
	v54 =	vmul.f32 v53, v50;
	_ =	sdelay $0x1  }
0x221: {  	v55 =	vld [tilespmem:s1+$0x490];
	v4 =	vsub.f32 $1.000000000e+00, v4;
	v5 =	vmul.f32 v54, v5;
	_ =	sdelay $0x1  }
0x222: {  	v56 =	vsub.f32 $5.000000000e-01, v4;
	v5 =	vsub.f32 $1.000000000e+00, v5  }
0x223: {  	v57 =	vsub.f32 $1.000000000e+00, v3  }
0x224: {  	v7 =	vmax.f32 v56, $0.0e+00;
	v58 =	vsub.f32 $5.000000000e-01, v5  }
0x225: {  	v60 =	vsub.f32 $1.000000000e+00, v55;
	v3 =	vmul.f32 v3, v4;
	v59 =	vmul.f32 v57, v7  }
0x226: {  	v61 =	vmax.f32 v58, $0.0e+00  }
0x227: {  	v3 =	vadd.f32 v59, v3;
	v62 =	vmul.f32 v55, v5;
	v63 =	vmul.f32 v60, v61;
	_ =	sdelay $0x1  }
0x228: {  	s0 =	sadd.s32 $0x1, s0;
	v3 =	vmul.f32 v3, v3;
	v4 =	vadd.f32 v63, v62  }
0x229: {  	p0 =	sne.s32 s0, $0x4  }
.Ltmp7:
0x22a: {  	v3 =	vmul.f32 $3.051757810e-05, v3;
	v4 =	vmul.f32 v4, v4;
	(pc) =	sbr.rel @p0 .LBB2_10-.Ltmp7, $3  }
0x22b: {  	_ = 	snop  }
0x22c: {  	v1 =	vadd.f32 v3, v1;
	v3 =	vmul.f32 $3.051757810e-05, v4;
	_ =	sdelay $0x1  }
0x22d: {  	s30 =	sadd.s32 $0x1000, s30;
	s25 =	sadd.s32 $0x1000, s25;
	v1 =	vadd.f32 v3, v1  }
0x22e: {  	_ =	swait.ge [sflag:s11], $0x4000  }
0x22f: {  	[sflag:s11] =	ssyncset.done $0x0  }
0x230: {  	[sflag:s11] =	ssyncadd.s32 $0xFFFFC000  }
0x231: {  	_ =	swait.ge [sflag:s11], $0x4000  }
0x232: {  	[sflag:s11] =	ssyncset.done $0x0  }
0x233: {  	s0 =	simm.s32 $0x180;
	s26 =	simm.s32 $0x380;
	[sflag:s11] =	ssyncadd.s32 $0xFFFFC000  }
0x234: {  	[tilespmem:s16], [sflag:$0x2] =	stream.indirect.gather [hbm4b:s2+s12], $0x80, s0, s12, $0xb8;
	[tilespmem:$0x13680] =	vst v63  }
0x235: {  	s30 =	simm.s32 $0x700;
	s31 =	simm.s32 $0x4700;
	s0 =	simm.s32 $0x0  }
0x236: {  	[tilespmem:s18], [sflag:$0x2] =	stream.indirect.gather [hbm4b:s2+s12], $0x80, s26, s12, $0xb8;
	[tilespmem:$0x13680] =	vst v63  }
.LBB2_18:
0x237: {  	v3 =	vld [tilespmem:s30+$0xA0]  }
0x238: {  	v4 =	vld [tilespmem:s31+$0xA0]  }
0x239: {  	v5 =	vld [tilespmem:s30+$0x80]  }
0x23a: {  	v6 =	vld [tilespmem:s31+$0x80]  }
0x23b: {  	v7 =	vld [tilespmem:s30+$0x90]  }
0x23c: {  	v8 =	vld [tilespmem:s31+$0x90]  }
0x23d: {  	v9 =	vld [tilespmem:s31+$0xFFFFFF00]  }
0x23e: {  	v10 =	vld [tilespmem:s30+$0xB0]  }
0x23f: {  	v12 =	vld [tilespmem:s31+$0xB0];
	v11 =	vmul.f32 v6, v5  }
0x240: {  	v13 =	vld [tilespmem:s30+$0xC0]  }
0x241: {  	v16 =	vld [tilespmem:s31+$0xC0];
	v14 =	vmul.f32 v8, v7;
	v15 =	vmul.f32 v4, v3;
	v11 =	vadd.f32 $0.0e+00, v11  }
0x242: {  	v17 =	vld [tilespmem:s30+$0xD0];
	v5 =	vmul.f32 v5, v5;
	v7 =	vmul.f32 v7, v7  }
0x243: {  	v6 =	vmul.f32 v6, v6;
	v8 =	vmul.f32 v8, v8;
	v11 =	vadd.f32 v14, v11;
	v14 =	vld [tilespmem:s31+$0xD0]  }
0x244: {  	v18 =	vld [tilespmem:s30+$0xE0];
	v3 =	vmul.f32 v3, v3;
	v4 =	vmul.f32 v4, v4;
	v5 =	vadd.f32 v7, v5  }
0x245: {  	v7 =	vmul.f32 v12, v10;
	v6 =	vadd.f32 v8, v6;
	v8 =	vadd.f32 v15, v11;
	v11 =	vld [tilespmem:s31+$0xE0]  }
0x246: {  	v3 =	vadd.f32 v3, v5;
	v5 =	vmul.f32 v10, v10;
	v10 =	vmul.f32 v16, v13;
	v15 =	vld [tilespmem:s30+$0xF0]  }
0x247: {  	v4 =	vadd.f32 v4, v6;
	v6 =	vadd.f32 v7, v8;
	v7 =	vmul.f32 v12, v12;
	v8 =	vld [tilespmem:s31+$0xF0]  }
0x248: {  	v19 =	vld [tilespmem:s31+$0xFFFFFF80];
	v3 =	vadd.f32 v5, v3;
	v5 =	vmul.f32 v13, v13;
	v13 =	vmul.f32 v14, v17  }
0x249: {  	v12 =	vld [tilespmem:s30+$0xFFFFFF80];
	v4 =	vadd.f32 v7, v4;
	v6 =	vadd.f32 v10, v6;
	v7 =	vmul.f32 v16, v16  }
0x24a: {  	v3 =	vadd.f32 v5, v3;
	v5 =	vmul.f32 v17, v17;
	v17 =	vld [tilespmem:s31+$0x0];
	v16 =	vmul.f32 v11, v18  }
0x24b: {  	v10 =	vld [tilespmem:s30+$0x0];
	v4 =	vadd.f32 v7, v4;
	v6 =	vadd.f32 v13, v6;
	v7 =	vmul.f32 v14, v14  }
0x24c: {  	v3 =	vadd.f32 v5, v3;
	v5 =	vmul.f32 v18, v18;
	v13 =	vld [tilespmem:s30+$0xFFFFFF00];
	v14 =	vmul.f32 v8, v15  }
0x24d: {  	v18 =	vld [tilespmem:s30+$0xFFFFFF10];
	v4 =	vadd.f32 v7, v4;
	v6 =	vadd.f32 v16, v6;
	v7 =	vmul.f32 v11, v11  }
0x24e: {  	v3 =	vadd.f32 v5, v3;
	v15 =	vmul.f32 v15, v15;
	v11 =	vld [tilespmem:s31+$0xFFFFFF10];
	v16 =	vmul.f32 v19, v12  }
0x24f: {  	v20 =	vld [tilespmem:s30+$0xFFFFFF90];
	v7 =	vadd.f32 v7, v4;
	v5 =	vadd.f32 v14, v6;
	v6 =	vmul.f32 v8, v8  }
0x250: {  	v8 =	vadd.f32 $0.0e+00, v16;
	v14 =	vld [tilespmem:s31+$0xFFFFFF90];
	v16 =	vmul.f32 v17, v10;
	v4 =	vadd.f32 v15, v3  }
0x251: {  	v21 =	vld [tilespmem:s30+$0x10];
	v15 =	vmul.f32 v9, v13;
	v13 =	vmul.f32 v13, v13;
	v3 =	vadd.f32 v6, v7  }
0x252: {  	v6 =	vmul.f32 v9, v9;
	v7 =	vmul.f32 v18, v18;
	v9 =	vadd.f32 $0.0e+00, v16;
	v16 =	vld [tilespmem:s31+$0x10]  }
0x253: {  	v22 =	vld [tilespmem:s30+$0xFFFFFF20];
	v12 =	vmul.f32 v12, v12;
	v15 =	vadd.f32 $0.0e+00, v15;
	v18 =	vmul.f32 v11, v18  }
0x254: {  	v19 =	vmul.f32 v19, v19;
	v11 =	vmul.f32 v11, v11;
	v7 =	vadd.f32 v7, v13;
	v13 =	vld [tilespmem:s31+$0xFFFFFF20]  }
0x255: {  	v23 =	vld [tilespmem:s30+$0xFFFFFFA0];
	v10 =	vmul.f32 v10, v10;
	v15 =	vadd.f32 v18, v15;
	v18 =	vmul.f32 v14, v20  }
0x256: {  	v20 =	vmul.f32 v20, v20;
	v6 =	vadd.f32 v11, v6;
	v11 =	vmul.f32 v14, v14;
	v14 =	vld [tilespmem:s31+$0xFFFFFFA0]  }
0x257: {  	v24 =	vld [tilespmem:s30+$0x20];
	v17 =	vmul.f32 v17, v17;
	v8 =	vadd.f32 v18, v8;
	v18 =	vmul.f32 v16, v21  }
0x258: {  	v12 =	vadd.f32 v20, v12;
	v20 =	vmul.f32 v21, v21;
	v16 =	vmul.f32 v16, v16;
	v21 =	vld [tilespmem:s31+$0x20]  }
0x259: {  	v11 =	vadd.f32 v11, v19;
	v19 =	vmul.f32 v13, v22;
	v9 =	vadd.f32 v18, v9;
	v18 =	vld [tilespmem:s30+$0xFFFFFF30]  }
0x25a: {  	v22 =	vmul.f32 v22, v22;
	v10 =	vadd.f32 v20, v10;
	v20 =	vld [tilespmem:s31+$0xFFFFFF30];
	v16 =	vadd.f32 v16, v17  }
0x25b: {  	v13 =	vmul.f32 v13, v13;
	v17 =	vmul.f32 v14, v23;
	v15 =	vadd.f32 v19, v15;
	v19 =	vld [tilespmem:s30+$0xFFFFFFB0]  }
0x25c: {  	v14 =	vmul.f32 v14, v14;
	v7 =	vadd.f32 v22, v7;
	v22 =	vmul.f32 v23, v23;
	v23 =	vld [tilespmem:s31+$0xFFFFFFB0]  }
0x25d: {  	v6 =	vadd.f32 v13, v6;
	v13 =	vld [tilespmem:s30+$0x30];
	v8 =	vadd.f32 v17, v8;
	v17 =	vmul.f32 v21, v24  }
0x25e: {  	v24 =	vmul.f32 v24, v24;
	v21 =	vmul.f32 v21, v21;
	v12 =	vadd.f32 v22, v12;
	v22 =	vld [tilespmem:s31+$0x30]  }
0x25f: {  	v60 =	vld [tilespmem:s31+$0xFFFFFF40];
	v11 =	vadd.f32 v14, v11;
	v14 =	vmul.f32 v20, v18;
	v9 =	vadd.f32 v17, v9  }
0x260: {  	v17 =	vld [tilespmem:s30+$0xFFFFFF40];
	v18 =	vmul.f32 v18, v18;
	v10 =	vadd.f32 v24, v10;
	v16 =	vadd.f32 v21, v16  }
0x261: {  	v21 =	vld [tilespmem:s30+$0xFFFFFFC0];
	v14 =	vadd.f32 v14, v15;
	v15 =	vmul.f32 v20, v20;
	v20 =	vmul.f32 v23, v19  }
0x262: {  	v7 =	vadd.f32 v18, v7;
	v18 =	vmul.f32 v19, v19;
	v19 =	vmul.f32 v23, v23;
	v23 =	vld [tilespmem:s31+$0xFFFFFFC0]  }
0x263: {  	v8 =	vadd.f32 v20, v8;
	v20 =	vmul.f32 v22, v13;
	v6 =	vadd.f32 v15, v6;
	v15 =	vld [tilespmem:s30+$0x40]  }
0x264: {  	v13 =	vmul.f32 v13, v13;
	v12 =	vadd.f32 v18, v12;
	v18 =	vmul.f32 v22, v22;
	v22 =	vld [tilespmem:s31+$0x40]  }
0x265: {  	v11 =	vadd.f32 v19, v11;
	v19 =	vmul.f32 v60, v17;
	v9 =	vadd.f32 v20, v9;
	v20 =	vld [tilespmem:s30+$0xFFFFFF50]  }
0x266: {  	v17 =	vmul.f32 v17, v17;
	v10 =	vadd.f32 v13, v10;
	v13 =	vld [tilespmem:s31+$0xFFFFFF50];
	v16 =	vadd.f32 v18, v16  }
0x267: {  	v61 =	vld [tilespmem:s30+$0xFFFFFFD0];
	v18 =	vmul.f32 v60, v60;
	v14 =	vadd.f32 v19, v14;
	v19 =	vmul.f32 v23, v21  }
0x268: {  	v7 =	vadd.f32 v17, v7;
	v17 =	vmul.f32 v21, v21;
	v21 =	vmul.f32 v23, v23;
	v23 =	vld [tilespmem:s31+$0xFFFFFFD0]  }
0x269: {  	v25 =	vld [tilespmem:s30+$0xFFFFFF60];
	v6 =	vadd.f32 v18, v6;
	v8 =	vadd.f32 v19, v8;
	v19 =	vmul.f32 v22, v15  }
0x26a: {  	v18 =	vld [tilespmem:s30+$0x50];
	v15 =	vmul.f32 v15, v15;
	v12 =	vadd.f32 v17, v12;
	v17 =	vmul.f32 v22, v22  }
0x26b: {  	v22 =	vld [tilespmem:s31+$0x50];
	v11 =	vadd.f32 v21, v11;
	v21 =	vmul.f32 v13, v20;
	v19 =	vadd.f32 v19, v9  }
0x26c: {  	v9 =	vmul.f32 v20, v20;
	v15 =	vadd.f32 v15, v10;
	v20 =	vld [tilespmem:s31+$0xFFFFFF60];
	v16 =	vadd.f32 v17, v16  }
0x26d: {  	v10 =	vmul.f32 v13, v13;
	v17 =	vld [tilespmem:s30+$0xFFFFFFE0];
	v13 =	vmul.f32 v23, v61;
	v14 =	vadd.f32 v21, v14  }
0x26e: {  	v27 =	vld [tilespmem:s30+$0x60];
	v21 =	vadd.f32 v9, v7;
	v7 =	vmul.f32 v61, v61;
	v9 =	vmul.f32 v23, v23  }
0x26f: {  	v23 =	vld [tilespmem:s31+$0xFFFFFFE0];
	v26 =	vadd.f32 v10, v6;
	v6 =	vmul.f32 v18, v18;
	v62 =	vadd.f32 v13, v8  }
0x270: {  	v8 =	vmul.f32 v22, v18;
	v28 =	vadd.f32 v7, v12;
	v12 =	vmul.f32 v22, v22;
	v22 =	vld [tilespmem:s31+$0x60]  }
0x271: {  	v9 =	vadd.f32 v9, v11;
	v7 =	vld [tilespmem:s30+$0xFFFFFF70];
	v11 =	vadd.f32 v6, v15;
	v18 =	vmul.f32 v20, v25  }
0x272: {  	v6 =	vld [tilespmem:s31+$0xFFFFFF70];
	v10 =	vadd.f32 v8, v19;
	v19 =	vmul.f32 v25, v25;
	v63 =	vmul.f32 v17, v17  }
0x273: {  	s10 =	simm.s32 $0x10700;
	v8 =	vld [tilespmem:s30+$0xFFFFFFF0];
	v13 =	vadd.f32 v12, v16;
	v16 =	vmul.f32 v20, v20;
	v20 =	vmul.f32 v27, v27  }
0x274: {  	s17 =	simm.s32 $0x11700;
	[tilespmem:s10+$0x80] =	vst v5;
	v12 =	vadd.f32 v18, v14;
	v15 =	vmul.f32 v23, v17;
	v5 =	vadd.f32 v19, v21;
	v14 =	vld [tilespmem:s31+$0xFFFFFFF0]  }
0x275: {  	s22 =	simm.s32 $0x12700;
	s1 =	sshll.u32 s0, $0x5;
	[tilespmem:s17+$0x80] =	vst v4;
	v19 =	vmul.f32 v23, v23;
	v17 =	vld [tilespmem:s30+$0x70];
	v4 =	vadd.f32 v63, v28;
	v21 =	vmul.f32 v22, v27  }
0x276: {  	s23 =	simm.s32 $0x0;
	s24 =	sadd.s32 $0x200, s30;
	s25 =	smov.u32 s31;
	[tilespmem:s22+$0x80] =	vst v3;
	v18 =	vadd.f32 v16, v26;
	v16 =	vld [tilespmem:s31+$0x70];
	v15 =	vadd.f32 v15, v62;
	v22 =	vmul.f32 v22, v22  }
.LBB2_19:
0x277: {  	v23 =	vld [tilespmem:s24+$0xA0];
	v3 =	vmul.f32 v6, v7;
	v9 =	vadd.f32 v19, v9;
	v10 =	vadd.f32 v21, v10;
	s25 =	sadd.s32 $0x200, s25  }
0x278: {  	v7 =	vmul.f32 v7, v7;
	v11 =	vadd.f32 v20, v11;
	v19 =	vld [tilespmem:s25+$0xA0];
	v13 =	vadd.f32 v22, v13  }
0x279: {  	v6 =	vmul.f32 v6, v6;
	v20 =	vld [tilespmem:s24+$0x80];
	v3 =	vadd.f32 v3, v12;
	v12 =	vmul.f32 v14, v8  }
0x27a: {  	v5 =	vadd.f32 v7, v5;
	v7 =	vmul.f32 v8, v8;
	v8 =	vmul.f32 v14, v14;
	v21 =	vld [tilespmem:s25+$0x80]  }
0x27b: {  	v14 =	vld [tilespmem:s24+$0x90];
	[tilespmem:s10+$0xFFFFFF00] =	vst v3;
	v3 =	vadd.f32 v12, v15;
	v12 =	vmul.f32 v16, v17;
	v15 =	vmul.f32 v17, v17  }
0x27c: {  	s23 =	sadd.s32 $0x4, s23;
	v6 =	vadd.f32 v6, v18;
	v4 =	vadd.f32 v7, v4;
	v17 =	vld [tilespmem:s25+$0x90];
	[tilespmem:s17+$0xFFFFFF00] =	vst v5;
	v5 =	vmul.f32 v16, v16  }
0x27d: {  	p0 =	slt.u32 s23, $0x1C;
	v8 =	vadd.f32 v8, v9;
	v7 =	vld [tilespmem:s25+$0xFFFFFF00];
	[tilespmem:s10+$0xFFFFFF80] =	vst v3;
	v3 =	vadd.f32 v12, v10  }
0x27e: {  	v9 =	vld [tilespmem:s24+$0xB0];
	[tilespmem:s22+$0xFFFFFF00] =	vst v6;
	v6 =	vadd.f32 v15, v11;
	v5 =	vadd.f32 v5, v13  }
0x27f: {  	v10 =	vmul.f32 v21, v20;
	v11 =	vld [tilespmem:s25+$0xB0];
	[tilespmem:s17+$0xFFFFFF80] =	vst v4  }
0x280: {  	v4 =	vld [tilespmem:s24+$0xC0];
	[tilespmem:s22+$0xFFFFFF80] =	vst v8  }
0x281: {  	v12 =	vmul.f32 v19, v23;
	v8 =	vadd.f32 $0.0e+00, v10;
	v10 =	vmul.f32 v17, v14;
	v13 =	vld [tilespmem:s25+$0xC0];
	[tilespmem:s10+$0x0] =	vst v3  }
0x282: {  	v15 =	vmul.f32 v20, v20;
	v3 =	vimm.f32 $0.0e+00;
	v14 =	vmul.f32 v14, v14;
	v16 =	vld [tilespmem:s24+$0xD0];
	[tilespmem:s17+$0x0] =	vst v6  }
0x283: {  	v6 =	vmul.f32 v21, v21;
	v8 =	vadd.f32 v10, v8;
	v10 =	vmul.f32 v17, v17;
	v17 =	vld [tilespmem:s25+$0xD0];
	[tilespmem:s22+$0x0] =	vst v5  }
0x284: {  	v5 =	vadd.f32 v14, v15;
	v14 =	vmul.f32 v23, v23;
	v15 =	vmul.f32 v11, v9;
	v18 =	vld [tilespmem:s24+$0xE0]  }
0x285: {  	v6 =	vadd.f32 v10, v6;
	v8 =	vadd.f32 v12, v8;
	v10 =	vmul.f32 v19, v19;
	v12 =	vld [tilespmem:s25+$0xE0]  }
0x286: {  	v9 =	vmul.f32 v9, v9;
	v5 =	vadd.f32 v14, v5;
	v14 =	vmul.f32 v13, v4;
	v19 =	vld [tilespmem:s24+$0xF0]  }
0x287: {  	v6 =	vadd.f32 v10, v6;
	v8 =	vadd.f32 v15, v8;
	v10 =	vmul.f32 v11, v11;
	v11 =	vld [tilespmem:s25+$0xF0]  }
0x288: {  	v4 =	vmul.f32 v4, v4;
	v5 =	vadd.f32 v9, v5;
	v15 =	vld [tilespmem:s24+$0xFFFFFF80];
	v9 =	vmul.f32 v17, v16  }
0x289: {  	v20 =	vld [tilespmem:s25+$0xFFFFFF80];
	v6 =	vadd.f32 v10, v6;
	v8 =	vadd.f32 v14, v8;
	v10 =	vmul.f32 v13, v13  }
0x28a: {  	v4 =	vadd.f32 v4, v5;
	v5 =	vmul.f32 v16, v16;
	v13 =	vld [tilespmem:s24+$0x0];
	v14 =	vmul.f32 v12, v18  }
0x28b: {  	v16 =	vld [tilespmem:s25+$0x0];
	v6 =	vadd.f32 v10, v6;
	v8 =	vadd.f32 v9, v8;
	v9 =	vmul.f32 v17, v17  }
0x28c: {  	v4 =	vadd.f32 v5, v4;
	v5 =	vmul.f32 v18, v18;
	v10 =	vld [tilespmem:s24+$0xFFFFFF00];
	v17 =	vmul.f32 v11, v19  }
0x28d: {  	v18 =	vld [tilespmem:s24+$0xFFFFFF10];
	v6 =	vadd.f32 v9, v6;
	v8 =	vadd.f32 v14, v8;
	v9 =	vmul.f32 v12, v12  }
0x28e: {  	v4 =	vadd.f32 v5, v4;
	v5 =	vmul.f32 v19, v19;
	v12 =	vld [tilespmem:s25+$0xFFFFFF10];
	v14 =	vmul.f32 v20, v15  }
0x28f: {  	v19 =	vld [tilespmem:s24+$0xFFFFFF90];
	v6 =	vadd.f32 v9, v6;
	v8 =	vadd.f32 v17, v8;
	v9 =	vmul.f32 v11, v11  }
0x290: {  	s10 =	sadd.s32 $0x200, s10;
	v4 =	vadd.f32 v5, v4;
	v11 =	vadd.f32 $0.0e+00, v14;
	v14 =	vld [tilespmem:s25+$0xFFFFFF90];
	v17 =	vmul.f32 v16, v13  }
0x291: {  	s17 =	sadd.s32 $0x200, s17;
	v5 =	vmul.f32 v7, v10;
	v10 =	vmul.f32 v10, v10;
	v21 =	vld [tilespmem:s24+$0x10];
	v6 =	vadd.f32 v9, v6;
	[tilespmem:s10+$0x80] =	vst v8  }
0x292: {  	s22 =	sadd.s32 $0x200, s22;
	v7 =	vmul.f32 v7, v7;
	v8 =	vmul.f32 v18, v18;
	v9 =	vadd.f32 $0.0e+00, v17;
	v17 =	vld [tilespmem:s25+$0x10];
	[tilespmem:s17+$0x80] =	vst v4  }
0x293: {  	s26 =	simm.s32 $0x0;
	v4 =	vadd.f32 $0.0e+00, v5;
	v5 =	vmul.f32 v12, v18;
	v12 =	vmul.f32 v12, v12;
	v18 =	vld [tilespmem:s24+$0xFFFFFF20];
	[tilespmem:s22+$0x80] =	vst v6  }
0x294: {  	v6 =	vadd.f32 v8, v10;
	v8 =	vld [tilespmem:s25+$0xFFFFFF20];
	v10 =	vmul.f32 v15, v15;
	v15 =	vmul.f32 v20, v20  }
0x295: {  	v4 =	vadd.f32 v5, v4;
	v5 =	vmul.f32 v14, v19;
	v19 =	vmul.f32 v19, v19;
	v20 =	vld [tilespmem:s24+$0xFFFFFFA0]  }
0x296: {  	v13 =	vmul.f32 v13, v13;
	v7 =	vadd.f32 v12, v7;
	v12 =	vmul.f32 v14, v14;
	v14 =	vld [tilespmem:s25+$0xFFFFFFA0]  }
0x297: {  	v5 =	vadd.f32 v5, v11;
	v11 =	vmul.f32 v16, v16;
	v16 =	vmul.f32 v17, v21;
	v22 =	vld [tilespmem:s24+$0x20]  }
0x298: {  	v10 =	vadd.f32 v19, v10;
	v19 =	vmul.f32 v21, v21;
	v17 =	vmul.f32 v17, v17;
	v21 =	vld [tilespmem:s25+$0x20]  }
0x299: {  	v12 =	vadd.f32 v12, v15;
	v23 =	vmul.f32 v8, v18;
	v24 =	vld [tilespmem:s24+$0xFFFFFF30];
	v9 =	vadd.f32 v16, v9  }
0x29a: {  	v15 =	vmul.f32 v18, v18;
	v13 =	vadd.f32 v19, v13;
	v11 =	vadd.f32 v17, v11;
	v16 =	vld [tilespmem:s25+$0xFFFFFF30]  }
0x29b: {  	v8 =	vmul.f32 v8, v8;
	v4 =	vadd.f32 v23, v4;
	v17 =	vmul.f32 v14, v20;
	v18 =	vld [tilespmem:s24+$0xFFFFFFB0]  }
0x29c: {  	v6 =	vadd.f32 v15, v6;
	v15 =	vmul.f32 v20, v20;
	v14 =	vmul.f32 v14, v14;
	v19 =	vld [tilespmem:s25+$0xFFFFFFB0]  }
0x29d: {  	v20 =	vmul.f32 v22, v22;
	v5 =	vadd.f32 v17, v5;
	v17 =	vmul.f32 v21, v22;
	v22 =	vld [tilespmem:s24+$0x30]  }
0x29e: {  	v7 =	vadd.f32 v8, v7;
	v8 =	vadd.f32 v15, v10;
	v10 =	vmul.f32 v21, v21;
	v15 =	vld [tilespmem:s25+$0x30]  }
0x29f: {  	v12 =	vadd.f32 v14, v12;
	v21 =	vmul.f32 v16, v24;
	v23 =	vld [tilespmem:s24+$0xFFFFFF40];
	v9 =	vadd.f32 v17, v9  }
0x2a0: {  	v14 =	vmul.f32 v24, v24;
	v13 =	vadd.f32 v20, v13;
	v10 =	vadd.f32 v10, v11;
	v17 =	vld [tilespmem:s25+$0xFFFFFF40]  }
0x2a1: {  	v11 =	vmul.f32 v16, v16;
	v4 =	vadd.f32 v21, v4;
	v16 =	vmul.f32 v19, v18;
	v20 =	vld [tilespmem:s24+$0xFFFFFFC0]  }
0x2a2: {  	v6 =	vadd.f32 v14, v6;
	v14 =	vmul.f32 v18, v18;
	v18 =	vmul.f32 v19, v19;
	v19 =	vld [tilespmem:s25+$0xFFFFFFC0]  }
0x2a3: {  	v21 =	vmul.f32 v22, v22;
	v5 =	vadd.f32 v16, v5;
	v16 =	vmul.f32 v15, v22;
	v22 =	vld [tilespmem:s24+$0x40]  }
0x2a4: {  	v7 =	vadd.f32 v11, v7;
	v8 =	vadd.f32 v14, v8;
	v11 =	vmul.f32 v15, v15;
	v14 =	vld [tilespmem:s25+$0x40]  }
0x2a5: {  	v12 =	vadd.f32 v18, v12;
	v15 =	vmul.f32 v17, v23;
	v24 =	vld [tilespmem:s24+$0xFFFFFF50];
	v9 =	vadd.f32 v16, v9  }
0x2a6: {  	v13 =	vadd.f32 v21, v13;
	v16 =	vmul.f32 v23, v23;
	v10 =	vadd.f32 v11, v10;
	v18 =	vld [tilespmem:s25+$0xFFFFFF50]  }
0x2a7: {  	v11 =	vmul.f32 v17, v17;
	v4 =	vadd.f32 v15, v4;
	v15 =	vmul.f32 v19, v20;
	v17 =	vld [tilespmem:s24+$0xFFFFFFD0]  }
0x2a8: {  	v6 =	vadd.f32 v16, v6;
	v16 =	vmul.f32 v20, v20;
	v19 =	vmul.f32 v19, v19;
	v20 =	vld [tilespmem:s25+$0xFFFFFFD0]  }
0x2a9: {  	v21 =	vmul.f32 v22, v22;
	v5 =	vadd.f32 v15, v5;
	v15 =	vmul.f32 v14, v22;
	v22 =	vld [tilespmem:s24+$0x50]  }
0x2aa: {  	v7 =	vadd.f32 v11, v7;
	v8 =	vadd.f32 v16, v8;
	v11 =	vmul.f32 v14, v14;
	v14 =	vld [tilespmem:s25+$0x50]  }
0x2ab: {  	v12 =	vadd.f32 v19, v12;
	v16 =	vmul.f32 v18, v24;
	v23 =	vld [tilespmem:s24+$0xFFFFFF60];
	v15 =	vadd.f32 v15, v9  }
0x2ac: {  	v13 =	vadd.f32 v21, v13;
	v9 =	vmul.f32 v24, v24;
	v21 =	vadd.f32 v11, v10;
	v19 =	vld [tilespmem:s25+$0xFFFFFF60]  }
0x2ad: {  	v10 =	vmul.f32 v18, v18;
	v4 =	vadd.f32 v16, v4;
	v11 =	vmul.f32 v20, v17;
	v16 =	vld [tilespmem:s24+$0xFFFFFFE0]  }
0x2ae: {  	v18 =	vadd.f32 v9, v6;
	v6 =	vmul.f32 v17, v17;
	v9 =	vmul.f32 v20, v20;
	v17 =	vld [tilespmem:s25+$0xFFFFFFE0]  }
0x2af: {  	v20 =	vadd.f32 v11, v5;
	v5 =	vmul.f32 v14, v22;
	v11 =	vmul.f32 v22, v22;
	v22 =	vld [tilespmem:s24+$0x60]  }
0x2b0: {  	v24 =	vadd.f32 v10, v7;
	v25 =	vadd.f32 v6, v8;
	v8 =	vmul.f32 v14, v14;
	v26 =	vld [tilespmem:s25+$0x60]  }
0x2b1: {  	v9 =	vadd.f32 v9, v12;
	v14 =	vmul.f32 v19, v23;
	v7 =	vld [tilespmem:s24+$0xFFFFFF70];
	v10 =	vadd.f32 v5, v15  }
.Ltmp8:
0x2b2: {  	v5 =	vmul.f32 v23, v23;
	v11 =	vadd.f32 v11, v13;
	v13 =	vadd.f32 v8, v21;
	v6 =	vld [tilespmem:s25+$0xFFFFFF70];
	(pc) =	sbr.rel @p0 .LBB2_19-.Ltmp8, $4  }
0x2b3: {  	v12 =	vadd.f32 v14, v4;
	v4 =	vmul.f32 v19, v19;
	v15 =	vmul.f32 v17, v16;
	v8 =	vld [tilespmem:s24+$0xFFFFFFF0]  }
0x2b4: {  	v5 =	vadd.f32 v5, v18;
	v16 =	vmul.f32 v16, v16;
	v19 =	vmul.f32 v17, v17;
	v14 =	vld [tilespmem:s25+$0xFFFFFFF0]  }
0x2b5: {  	v15 =	vadd.f32 v15, v20;
	v21 =	vmul.f32 v26, v22;
	v20 =	vmul.f32 v22, v22;
	v17 =	vld [tilespmem:s24+$0x70]  }
0x2b6: {  	v18 =	vadd.f32 v4, v24;
	v4 =	vadd.f32 v16, v25;
	v22 =	vmul.f32 v26, v26;
	s24 =	sadd.s32 $0x200, s24;
	v16 =	vld [tilespmem:s25+$0x70]  }
0x2b7: {  	v23 =	vmul.f32 v6, v7  }
0x2b8: {  	v9 =	vadd.f32 v19, v9;
	v10 =	vadd.f32 v21, v10;
	v7 =	vmul.f32 v7, v7  }
0x2b9: {  	v11 =	vadd.f32 v20, v11;
	v13 =	vadd.f32 v22, v13;
	v19 =	vmul.f32 v14, v8  }
0x2ba: {  	v6 =	vmul.f32 v6, v6;
	v12 =	vadd.f32 v23, v12;
	v5 =	vadd.f32 v7, v5  }
0x2bb: {  	v7 =	vmul.f32 v8, v8;
	v8 =	vmul.f32 v14, v14;
	v14 =	vadd.f32 v19, v15  }
0x2bc: {  	[tilespmem:s10+$0xFFFFFF00] =	vst v12;
	v12 =	vmul.f32 v16, v17;
	v15 =	vmul.f32 v17, v17;
	v17 =	vmov s26  }
0x2bd: {  	v6 =	vadd.f32 v6, v18;
	v4 =	vadd.f32 v7, v4;
	[tilespmem:s17+$0xFFFFFF00] =	vst v5;
	v5 =	vand.u32 $0x7C, v17  }
0x2be: {  	s23 =	simm.s32 $0x3;
	v7 =	vmul.f32 v16, v16;
	v8 =	vadd.f32 v8, v9;
	[tilespmem:s10+$0xFFFFFF80] =	vst v14;
	v5 =	vbroadcast v5, $0x0  }
0x2bf: {  	s25 =	simm.s32 $0x2;
	v9 =	vadd.f32 v12, v10;
	[tilespmem:s22+$0xFFFFFF00] =	vst v6;
	v6 =	vadd.f32 v15, v11;
	v10 =	vmov s23  }
0x2c0: {  	s26 =	simm.s32 $0x1;
	[tilespmem:s17+$0xFFFFFF80] =	vst v4;
	v10 =	vand.u32 $0x7F, v10;
	v4 =	vor.u32 v0, v5;
	v5 =	vmov s25  }
0x2c1: {  	[tilespmem:s22+$0xFFFFFF80] =	vst v8;
	v8 =	vmov s26;
	v10 =	vbroadcast v10, $0x0;
	v5 =	vand.u32 $0x7E, v5  }
0x2c2: {  	v7 =	vadd.f32 v7, v13;
	[tilespmem:s10+$0x0] =	vst v9;
	v8 =	vand.u32 $0x7D, v8;
	v9 =	vbroadcast v5, $0x0  }
0x2c3: {  	[tilespmem:s17+$0x0] =	vst v6;
	v8 =	vbroadcast v8, $0x0;
	v5 =	vor.u32 v0, v10  }
0x2c4: {  	[tilespmem:s22+$0x0] =	vst v7;
	v10 =	vor.u32 v0, v9  }
0x2c5: {  	v14 =	vor.u32 v0, v8;
	v6 =	vld.idx.msk [tilespmem:v4+s19+$0x0], $0xffff  }
0x2c6: {  	v8 =	vld.idx.msk [tilespmem:v4+s20+$0x0], $0xffff  }
0x2c7: {  	s23 =	simm.s32 $0x4;
	v9 =	vld.idx.msk [tilespmem:v4+s21+$0x0], $0xffff  }
0x2c8: {  	v4 =	vmov s23;
	v7 =	vld.idx.msk [tilespmem:v5+s19+$0x0], $0xffff  }
0x2c9: {  	s24 =	simm.s32 $0x7;
	v11 =	vand.u32 $0x7C, v4;
	v4 =	vld.idx.msk [tilespmem:v10+s19+$0x0], $0xffff  }
0x2ca: {  	v15 =	vmov s24;
	v13 =	vbroadcast v11, $0x0;
	v11 =	vld.idx.msk [tilespmem:v14+s19+$0x0], $0xffff  }
0x2cb: {  	v17 =	vimm.f32 $0.0e+00;
	v15 =	vand.u32 $0x7F, v15;
	s25 =	simm.s32 $0x6;
	v12 =	vld.idx.msk [tilespmem:v14+s20+$0x0], $0xffff  }
0x2cc: {  	s26 =	simm.s32 $0x5;
	v18 =	vbroadcast v15, $0x0;
	v16 =	vmov s25;
	v13 =	vor.u32 v0, v13;
	v14 =	vld.idx.msk [tilespmem:v14+s21+$0x0], $0xffff  }
0x2cd: {  	s10 =	simm.s32 $0x8;
	v19 =	vmov s26;
	v20 =	vand.u32 $0x7E, v16;
	v16 =	vimm.f32 $0.0e+00;
	v15 =	vld.idx.msk [tilespmem:v10+s20+$0x0], $0xffff  }
.LBB2_21:
0x2ce: {  	p0 =	slt.u32 s10, $0xC;
	v19 =	vand.u32 $0x7D, v19;
	v20 =	vbroadcast v20, $0x0;
	v21 =	vld.idx.msk [tilespmem:v10+s21+$0x0], $0xffff;
	v22 =	vmov v7  }
0x2cf: {  	v3 =	vadd.f32 v6, v3;
	v7 =	vbroadcast v19, $0x0;
	v18 =	vor.u32 v0, v18;
	v19 =	vld.idx.msk [tilespmem:v5+s20+$0x0], $0xffff  }
0x2d0: {  	v17 =	vadd.f32 v8, v17;
	v9 =	vadd.f32 v9, v16;
	v10 =	vor.u32 v0, v20;
	v16 =	vld.idx.msk [tilespmem:v5+s21+$0x0], $0xffff  }
0x2d1: {  	v3 =	vadd.f32 v11, v3;
	v5 =	vmov v18;
	v6 =	vld.idx.msk [tilespmem:v13+s19+$0x0], $0xffff;
	v20 =	vor.u32 v0, v7  }
0x2d2: {  	v11 =	vadd.f32 v12, v17;
	v12 =	vadd.f32 v14, v9;
	v8 =	vld.idx.msk [tilespmem:v13+s20+$0x0], $0xffff  }
0x2d3: {  	v3 =	vadd.f32 v4, v3;
	v9 =	vld.idx.msk [tilespmem:v13+s21+$0x0], $0xffff  }
0x2d4: {  	v4 =	vmov s10;
	v13 =	vadd.f32 v15, v11;
	v12 =	vadd.f32 v21, v12;
	v7 =	vld.idx.msk [tilespmem:v18+s19+$0x0], $0xffff  }
.Ltmp9:
0x2d5: {  	v11 =	vand.u32 $0x7C, v4;
	v3 =	vadd.f32 v22, v3;
	v4 =	vld.idx.msk [tilespmem:v10+s19+$0x0], $0xffff;
	(pc) =	sbr.rel @p0 .LBB2_21-.Ltmp9, $4  }
0x2d6: {  	s17 =	sadd.s32 $0x3, s10;
	v14 =	vbroadcast v11, $0x0;
	v17 =	vadd.f32 v19, v13;
	v16 =	vadd.f32 v16, v12;
	v11 =	vld.idx.msk [tilespmem:v20+s19+$0x0], $0xffff  }
0x2d7: {  	s22 =	sadd.s32 $0x2, s10;
	v15 =	vmov s17;
	v12 =	vld.idx.msk [tilespmem:v20+s20+$0x0], $0xffff  }
0x2d8: {  	s17 =	sadd.s32 $0x1, s10;
	v18 =	vmov s22;
	v15 =	vand.u32 $0x7F, v15;
	v13 =	vor.u32 v0, v14;
	v14 =	vld.idx.msk [tilespmem:v20+s21+$0x0], $0xffff  }
0x2d9: {  	s10 =	sadd.s32 $0x4, s10;
	v19 =	vmov s17;
	v20 =	vand.u32 $0x7E, v18;
	v18 =	vbroadcast v15, $0x0;
	v15 =	vld.idx.msk [tilespmem:v10+s20+$0x0], $0xffff  }
0x2da: {  	_ =	sdelay $0x3  }
0x2db: {  	v20 =	vbroadcast v20, $0x0;
	v10 =	vld.idx.msk [tilespmem:v10+s21+$0x0], $0xffff  }
0x2dc: {  	v19 =	vand.u32 $0x7D, v19;
	v21 =	vld.idx.msk [tilespmem:v5+s20+$0x0], $0xffff;
	v18 =	vor.u32 v0, v18  }
0x2dd: {  	v5 =	vld.idx.msk [tilespmem:v5+s21+$0x0], $0xffff;
	v19 =	vbroadcast v19, $0x0;
	v20 =	vor.u32 v0, v20  }
0x2de: {  	v22 =	vld.idx.msk [tilespmem:v13+s19+$0x0], $0xffff  }
0x2df: {  	v3 =	vadd.f32 v6, v3;
	v6 =	vadd.f32 v8, v17;
	v8 =	vld.idx.msk [tilespmem:v13+s20+$0x0], $0xffff;
	v19 =	vor.u32 v0, v19  }
0x2e0: {  	v13 =	vld.idx.msk [tilespmem:v13+s21+$0x0], $0xffff  }
0x2e1: {  	v9 =	vadd.f32 v9, v16;
	s10 =	simm.s32 $0x0;
	v3 =	vadd.f32 v11, v3;
	v11 =	vld.idx.msk [tilespmem:v18+s19+$0x0], $0xffff  }
0x2e2: {  	s26 =	simm.s32 $0x3;
	v6 =	vadd.f32 v12, v6;
	v12 =	vmov s10;
	v16 =	vld.idx.msk [tilespmem:v20+s19+$0x0], $0xffff  }
0x2e3: {  	v9 =	vadd.f32 v14, v9;
	v12 =	vand.u32 $0x7C, v12;
	v14 =	vmov s26;
	v17 =	vld.idx.msk [tilespmem:v20+s20+$0x0], $0xffff  }
0x2e4: {  	s22 =	simm.s32 $0x1;
	v3 =	vadd.f32 v4, v3;
	v4 =	vadd.f32 v15, v6;
	v12 =	vbroadcast v12, $0x0;
	v6 =	vld.idx.msk [tilespmem:v19+s19+$0x0], $0xffff  }
0x2e5: {  	s17 =	simm.s32 $0x2;
	v14 =	vand.u32 $0x7F, v14;
	v15 =	vmov s22;
	v9 =	vadd.f32 v10, v9;
	v10 =	vld.idx.msk [tilespmem:v19+s20+$0x0], $0xffff  }
0x2e6: {  	v3 =	vadd.f32 v7, v3;
	v7 =	vld.idx.msk [tilespmem:v19+s21+$0x0], $0xffff;
	v19 =	vor.u32 v2, v12;
	v12 =	vmov s17  }
0x2e7: {  	v14 =	vbroadcast v14, $0x0;
	v15 =	vand.u32 $0x7D, v15;
	v20 =	vld.idx.msk [tilespmem:v20+s21+$0x0], $0xffff;
	v12 =	vand.u32 $0x7E, v12  }
0x2e8: {  	v4 =	vadd.f32 v21, v4;
	v5 =	vadd.f32 v5, v9;
	v9 =	vld.idx.msk [tilespmem:v18+s20+$0x0], $0xffff;
	v21 =	vbroadcast v12, $0x0  }
0x2e9: {  	v15 =	vbroadcast v15, $0x0;
	v18 =	vld.idx.msk [tilespmem:v18+s21+$0x0], $0xffff;
	v22 =	vadd.f32 v22, v3;
	v12 =	vor.u32 v2, v14  }
0x2ea: {  	v4 =	vadd.f32 v8, v4;
	v3 =	vld [tilespmem:s1+$0x500];
	v8 =	vadd.f32 v13, v5;
	v14 =	vor.u32 v2, v21  }
0x2eb: {  	v21 =	vor.u32 v2, v15;
	v6 =	vadd.f32 v6, v22;
	v5 =	vld.idx.msk [tilespmem:v19+s19+$0x0], $0xffff  }
0x2ec: {  	v4 =	vadd.f32 v10, v4;
	v7 =	vadd.f32 v7, v8;
	v15 =	vld.idx.msk [tilespmem:v19+s20+$0x0], $0xffff  }
0x2ed: {  	s23 =	simm.s32 $0x4;
	v6 =	vadd.f32 v16, v6;
	v16 =	vld.idx.msk [tilespmem:v19+s21+$0x0], $0xffff  }
0x2ee: {  	s26 =	simm.s32 $0x5;
	v8 =	vmov s23;
	v10 =	vadd.f32 v17, v4;
	v13 =	vadd.f32 v20, v7;
	v7 =	vld.idx.msk [tilespmem:v12+s19+$0x0], $0xffff  }
0x2ef: {  	s25 =	simm.s32 $0x6;
	v24 =	vmov s26;
	v8 =	vand.u32 $0x7C, v8;
	v4 =	vadd.f32 v11, v6;
	v6 =	vld.idx.msk [tilespmem:v14+s19+$0x0], $0xffff  }
0x2f0: {  	s24 =	simm.s32 $0x7;
	v19 =	vmov s25;
	v11 =	vbroadcast v8, $0x0;
	v8 =	vadd.f32 v9, v10;
	v10 =	vld.idx.msk [tilespmem:v21+s19+$0x0], $0xffff  }
0x2f1: {  	v23 =	vand.u32 $0x7E, v19;
	v9 =	vadd.f32 v18, v13;
	v18 =	vmov s24;
	v17 =	vld.idx.msk [tilespmem:v21+s20+$0x0], $0xffff  }
0x2f2: {  	v13 =	vimm.f32 $0.0e+00;
	v19 =	vld.idx.msk [tilespmem:v14+s20+$0x0], $0xffff;
	v20 =	vand.u32 $0x7F, v18;
	v11 =	vor.u32 v2, v11  }
0x2f3: {  	s10 =	simm.s32 $0x8;
	v18 =	vld.idx.msk [tilespmem:v21+s21+$0x0], $0xffff;
	v21 =	vimm.f32 $0.0e+00;
	v22 =	vbroadcast v20, $0x0;
	v20 =	vimm.f32 $0.0e+00  }
.LBB2_23:
0x2f4: {  	p0 =	slt.u32 s10, $0xC;
	v24 =	vand.u32 $0x7D, v24;
	v23 =	vbroadcast v23, $0x0;
	v25 =	vld.idx.msk [tilespmem:v14+s21+$0x0], $0xffff;
	v26 =	vmov v7  }
0x2f5: {  	v13 =	vadd.f32 v5, v13;
	v7 =	vbroadcast v24, $0x0;
	v22 =	vor.u32 v2, v22;
	v24 =	vld.idx.msk [tilespmem:v12+s20+$0x0], $0xffff  }
0x2f6: {  	v21 =	vadd.f32 v15, v21;
	v16 =	vadd.f32 v16, v20;
	v14 =	vor.u32 v2, v23;
	v20 =	vld.idx.msk [tilespmem:v12+s21+$0x0], $0xffff  }
0x2f7: {  	v12 =	vmov v22;
	v5 =	vld.idx.msk [tilespmem:v11+s19+$0x0], $0xffff;
	v23 =	vor.u32 v2, v7;
	v7 =	vadd.f32 v10, v13  }
0x2f8: {  	v10 =	vadd.f32 v17, v21;
	v13 =	vadd.f32 v18, v16;
	v15 =	vld.idx.msk [tilespmem:v11+s20+$0x0], $0xffff  }
0x2f9: {  	v16 =	vld.idx.msk [tilespmem:v11+s21+$0x0], $0xffff;
	v11 =	vadd.f32 v6, v7  }
0x2fa: {  	v6 =	vmov s10;
	v17 =	vadd.f32 v19, v10;
	v18 =	vadd.f32 v25, v13;
	v7 =	vld.idx.msk [tilespmem:v22+s19+$0x0], $0xffff  }
.Ltmp10:
0x2fb: {  	v10 =	vand.u32 $0x7C, v6;
	v6 =	vld.idx.msk [tilespmem:v14+s19+$0x0], $0xffff;
	v13 =	vadd.f32 v26, v11;
	(pc) =	sbr.rel @p0 .LBB2_23-.Ltmp10, $4  }
0x2fc: {  	s17 =	sadd.s32 $0x3, s10;
	v11 =	vbroadcast v10, $0x0;
	v21 =	vadd.f32 v24, v17;
	v20 =	vadd.f32 v20, v18;
	v10 =	vld.idx.msk [tilespmem:v23+s19+$0x0], $0xffff  }
0x2fd: {  	s22 =	sadd.s32 $0x2, s10;
	v18 =	vmov s17;
	v17 =	vld.idx.msk [tilespmem:v23+s20+$0x0], $0xffff  }
0x2fe: {  	v19 =	vmov s22;
	s17 =	sadd.s32 $0x1, s10;
	v22 =	vand.u32 $0x7F, v18;
	v11 =	vor.u32 v2, v11;
	v18 =	vld.idx.msk [tilespmem:v23+s21+$0x0], $0xffff  }
0x2ff: {  	s10 =	sadd.s32 $0x4, s10;
	v24 =	vmov s17;
	v22 =	vbroadcast v22, $0x0;
	v23 =	vand.u32 $0x7E, v19;
	v19 =	vld.idx.msk [tilespmem:v14+s20+$0x0], $0xffff  }
0x300: {  	_ = 	snop  }
0x301: {  	v24 =	vand.u32 $0x7D, v24  }
0x302: {  	v24 =	vbroadcast v24, $0x0;
	_ =	sdelay $0x1  }
0x303: {  	v23 =	vbroadcast v23, $0x0;
	v14 =	vld.idx.msk [tilespmem:v14+s21+$0x0], $0xffff;
	v62 =	vor.u32 v2, v24  }
0x304: {  	v15 =	vadd.f32 v15, v21;
	v63 =	vld.idx.msk [tilespmem:v12+s20+$0x0], $0xffff;
	v16 =	vadd.f32 v16, v20  }
0x305: {  	v26 =	vld.idx.msk [tilespmem:v12+s21+$0x0], $0xffff;
	v25 =	vor.u32 v2, v23  }
0x306: {  	v27 =	vld.idx.msk [tilespmem:v11+s20+$0x0], $0xffff;
	v15 =	vadd.f32 v17, v15;
	v16 =	vadd.f32 v18, v16  }
0x307: {  	v29 =	vld.idx.msk [tilespmem:v11+s21+$0x0], $0xffff;
	v28 =	vor.u32 v2, v22  }
0x308: {  	v15 =	vadd.f32 v19, v15;
	v14 =	vadd.f32 v14, v16;
	v30 =	vld.idx.msk [tilespmem:v62+s20+$0x0], $0xffff  }
0x309: {  	v31 =	vld.idx.msk [tilespmem:v62+s21+$0x0], $0xffff  }
0x30a: {  	v15 =	vadd.f32 v63, v15;
	v12 =	vadd.f32 v26, v14;
	v32 =	vld.idx.msk [tilespmem:v25+s20+$0x0], $0xffff  }
0x30b: {  	v23 =	vld.idx.msk [tilespmem:v25+s21+$0x0], $0xffff  }
0x30c: {  	v33 =	vld.idx.msk [tilespmem:v28+s20+$0x0], $0xffff;
	v15 =	vadd.f32 v27, v15;
	v12 =	vadd.f32 v29, v12  }
0x30d: {  	v34 =	vld.idx.msk [tilespmem:v28+s21+$0x0], $0xffff  }
0x30e: {  	v15 =	vadd.f32 v30, v15;
	v12 =	vadd.f32 v31, v12;
	_ =	sdelay $0x1  }
0x30f: {  	v14 =	vadd.f32 v32, v15;
	v12 =	vadd.f32 v23, v12  }
0x310: {  	v8 =	vmax.f32 v8, $1.000000020e-16  }
0x311: {  	v9 =	vmax.f32 v9, $1.000000020e-16;
	v14 =	vadd.f32 v33, v14;
	v12 =	vadd.f32 v34, v12  }
0x312: {  	v8 =	vmul.f32 v9, v8  }
0x313: {  	v35 =	vmax.f32 v14, $1.000000020e-16;
	v12 =	vmax.f32 v12, $1.000000020e-16  }
0x314: {  	v36 =	vshra.s32 v8, $0x1;
	v8 =	vmul.f32 $5.000000000e-01, v8;
	v9 =	vmul.f32 v12, v35  }
0x315: {  	v37 =	vsub.s32 $0x5F3759DF, v36  }
0x316: {  	v14 =	vmul.f32 v37, v8;
	v38 =	vshra.s32 v9, $0x1;
	v9 =	vmul.f32 $5.000000000e-01, v9  }
0x317: {  	v15 =	vsub.s32 $0x5F3759DF, v38  }
0x318: {  	v14 =	vmul.f32 v37, v14;
	v39 =	vmul.f32 v15, v9;
	_ =	sdelay $0x1  }
0x319: {  	v14 =	vsub.f32 $1.500000000e+00, v14;
	v16 =	vmul.f32 v15, v39;
	_ =	sdelay $0x1  }
0x31a: {  	v12 =	vmul.f32 v37, v14;
	v40 =	vsub.f32 $1.500000000e+00, v16;
	_ =	sdelay $0x1  }
0x31b: {  	v41 =	vmul.f32 v12, v8;
	v14 =	vmul.f32 v15, v40;
	_ =	sdelay $0x1  }
0x31c: {  	v5 =	vadd.f32 v5, v13;
	v42 =	vmul.f32 v41, v12;
	v15 =	vmul.f32 v14, v9;
	_ =	sdelay $0x1  }
0x31d: {  	v5 =	vadd.f32 v10, v5;
	v43 =	vsub.f32 $1.500000000e+00, v42;
	v44 =	vmul.f32 v15, v14  }
0x31e: {  	v45 =	vld.idx.msk [tilespmem:v11+s19+$0x0], $0xffff  }
0x31f: {  	v5 =	vadd.f32 v6, v5;
	v46 =	vmul.f32 v43, v12;
	v47 =	vsub.f32 $1.500000000e+00, v44  }
0x320: {  	v48 =	vld.idx.msk [tilespmem:v62+s19+$0x0], $0xffff  }
0x321: {  	v5 =	vadd.f32 v7, v5;
	v49 =	vmul.f32 v46, v8;
	v50 =	vmul.f32 v47, v14  }
0x322: {  	v51 =	vld.idx.msk [tilespmem:v25+s19+$0x0], $0xffff  }
0x323: {  	v5 =	vadd.f32 v45, v5;
	v7 =	vmul.f32 v49, v46;
	v9 =	vmul.f32 v50, v9  }
0x324: {  	v52 =	vld.idx.msk [tilespmem:v28+s19+$0x0], $0xffff  }
0x325: {  	v5 =	vadd.f32 v48, v5;
	v7 =	vsub.f32 $1.500000000e+00, v7;
	v9 =	vmul.f32 v9, v50;
	_ =	sdelay $0x1  }
0x326: {  	v5 =	vadd.f32 v51, v5;
	v6 =	vmul.f32 v7, v46;
	v53 =	vsub.f32 $1.500000000e+00, v9;
	_ =	sdelay $0x1  }
0x327: {  	v5 =	vadd.f32 v52, v5;
	v4 =	vmul.f32 v6, v4;
	v54 =	vmul.f32 v53, v50;
	_ =	sdelay $0x1  }
0x328: {  	v55 =	vld [tilespmem:s1+$0x510];
	v4 =	vsub.f32 $1.000000000e+00, v4;
	v5 =	vmul.f32 v54, v5;
	_ =	sdelay $0x1  }
0x329: {  	v56 =	vsub.f32 $5.000000000e-01, v4;
	v5 =	vsub.f32 $1.000000000e+00, v5  }
0x32a: {  	v57 =	vsub.f32 $1.000000000e+00, v3  }
0x32b: {  	v7 =	vmax.f32 v56, $0.0e+00;
	v58 =	vsub.f32 $5.000000000e-01, v5  }
0x32c: {  	v60 =	vsub.f32 $1.000000000e+00, v55;
	v3 =	vmul.f32 v3, v4;
	v59 =	vmul.f32 v57, v7  }
0x32d: {  	v61 =	vmax.f32 v58, $0.0e+00  }
0x32e: {  	v3 =	vadd.f32 v59, v3;
	v62 =	vmul.f32 v55, v5;
	v63 =	vmul.f32 v60, v61;
	_ =	sdelay $0x1  }
0x32f: {  	s0 =	sadd.s32 $0x1, s0;
	v3 =	vmul.f32 v3, v3;
	v4 =	vadd.f32 v63, v62  }
0x330: {  	p0 =	sne.s32 s0, $0x4  }
.Ltmp11:
0x331: {  	v3 =	vmul.f32 $3.051757810e-05, v3;
	v4 =	vmul.f32 v4, v4;
	(pc) =	sbr.rel @p0 .LBB2_18-.Ltmp11, $3  }
0x332: {  	_ = 	snop  }
0x333: {  	v1 =	vadd.f32 v3, v1;
	v3 =	vmul.f32 $3.051757810e-05, v4;
	_ =	sdelay $0x1  }
0x334: {  	s30 =	sadd.s32 $0x1000, s30;
	s31 =	sadd.s32 $0x1000, s31;
	v1 =	vadd.f32 v3, v1  }
0x335: {  	_ =	swait.ge [sflag:s15], $0x4000  }
0x336: {  	[sflag:s15] =	ssyncset.done $0x0  }
0x337: {  	[sflag:s15] =	ssyncadd.s32 $0xFFFFC000  }
0x338: {  	_ =	swait.ge [sflag:s15], $0x4000  }
0x339: {  	s0 =	simm.s32 $0x0;
	[sflag:s15] =	ssyncset.done $0x0  }
0x33a: {  	s30 =	simm.s32 $0x8700;
	s31 =	simm.s32 $0xC700;
	[sflag:s15] =	ssyncadd.s32 $0xFFFFC000  }
.LBB2_26:
0x33b: {  	v3 =	vld [tilespmem:s30+$0xA0]  }
0x33c: {  	v4 =	vld [tilespmem:s31+$0xA0]  }
0x33d: {  	v5 =	vld [tilespmem:s30+$0x80]  }
0x33e: {  	v6 =	vld [tilespmem:s31+$0x80]  }
0x33f: {  	v7 =	vld [tilespmem:s30+$0x90]  }
0x340: {  	v8 =	vld [tilespmem:s31+$0x90]  }
0x341: {  	v9 =	vld [tilespmem:s31+$0xFFFFFF00]  }
0x342: {  	v10 =	vld [tilespmem:s30+$0xB0]  }
0x343: {  	v12 =	vld [tilespmem:s31+$0xB0];
	v11 =	vmul.f32 v6, v5  }
0x344: {  	v13 =	vld [tilespmem:s30+$0xC0]  }
0x345: {  	v16 =	vld [tilespmem:s31+$0xC0];
	v14 =	vmul.f32 v8, v7;
	v15 =	vmul.f32 v4, v3;
	v11 =	vadd.f32 $0.0e+00, v11  }
0x346: {  	v17 =	vld [tilespmem:s30+$0xD0];
	v5 =	vmul.f32 v5, v5;
	v7 =	vmul.f32 v7, v7  }
0x347: {  	v6 =	vmul.f32 v6, v6;
	v8 =	vmul.f32 v8, v8;
	v11 =	vadd.f32 v14, v11;
	v14 =	vld [tilespmem:s31+$0xD0]  }
0x348: {  	v18 =	vld [tilespmem:s30+$0xE0];
	v3 =	vmul.f32 v3, v3;
	v4 =	vmul.f32 v4, v4;
	v5 =	vadd.f32 v7, v5  }
0x349: {  	v7 =	vmul.f32 v12, v10;
	v6 =	vadd.f32 v8, v6;
	v8 =	vadd.f32 v15, v11;
	v11 =	vld [tilespmem:s31+$0xE0]  }
0x34a: {  	v3 =	vadd.f32 v3, v5;
	v5 =	vmul.f32 v10, v10;
	v10 =	vmul.f32 v16, v13;
	v15 =	vld [tilespmem:s30+$0xF0]  }
0x34b: {  	v4 =	vadd.f32 v4, v6;
	v6 =	vadd.f32 v7, v8;
	v7 =	vmul.f32 v12, v12;
	v8 =	vld [tilespmem:s31+$0xF0]  }
0x34c: {  	v19 =	vld [tilespmem:s31+$0xFFFFFF80];
	v3 =	vadd.f32 v5, v3;
	v5 =	vmul.f32 v13, v13;
	v13 =	vmul.f32 v14, v17  }
0x34d: {  	v12 =	vld [tilespmem:s30+$0xFFFFFF80];
	v4 =	vadd.f32 v7, v4;
	v6 =	vadd.f32 v10, v6;
	v7 =	vmul.f32 v16, v16  }
0x34e: {  	v3 =	vadd.f32 v5, v3;
	v5 =	vmul.f32 v17, v17;
	v17 =	vld [tilespmem:s31+$0x0];
	v16 =	vmul.f32 v11, v18  }
0x34f: {  	v10 =	vld [tilespmem:s30+$0x0];
	v4 =	vadd.f32 v7, v4;
	v6 =	vadd.f32 v13, v6;
	v7 =	vmul.f32 v14, v14  }
0x350: {  	v3 =	vadd.f32 v5, v3;
	v5 =	vmul.f32 v18, v18;
	v13 =	vld [tilespmem:s30+$0xFFFFFF00];
	v14 =	vmul.f32 v8, v15  }
0x351: {  	v18 =	vld [tilespmem:s30+$0xFFFFFF10];
	v4 =	vadd.f32 v7, v4;
	v6 =	vadd.f32 v16, v6;
	v7 =	vmul.f32 v11, v11  }
0x352: {  	v3 =	vadd.f32 v5, v3;
	v15 =	vmul.f32 v15, v15;
	v11 =	vld [tilespmem:s31+$0xFFFFFF10];
	v16 =	vmul.f32 v19, v12  }
0x353: {  	v20 =	vld [tilespmem:s30+$0xFFFFFF90];
	v7 =	vadd.f32 v7, v4;
	v5 =	vadd.f32 v14, v6;
	v6 =	vmul.f32 v8, v8  }
0x354: {  	v8 =	vadd.f32 $0.0e+00, v16;
	v14 =	vld [tilespmem:s31+$0xFFFFFF90];
	v16 =	vmul.f32 v17, v10;
	v4 =	vadd.f32 v15, v3  }
0x355: {  	v21 =	vld [tilespmem:s30+$0x10];
	v15 =	vmul.f32 v9, v13;
	v13 =	vmul.f32 v13, v13;
	v3 =	vadd.f32 v6, v7  }
0x356: {  	v6 =	vmul.f32 v9, v9;
	v7 =	vmul.f32 v18, v18;
	v9 =	vadd.f32 $0.0e+00, v16;
	v16 =	vld [tilespmem:s31+$0x10]  }
0x357: {  	v22 =	vld [tilespmem:s30+$0xFFFFFF20];
	v12 =	vmul.f32 v12, v12;
	v15 =	vadd.f32 $0.0e+00, v15;
	v18 =	vmul.f32 v11, v18  }
0x358: {  	v19 =	vmul.f32 v19, v19;
	v11 =	vmul.f32 v11, v11;
	v7 =	vadd.f32 v7, v13;
	v13 =	vld [tilespmem:s31+$0xFFFFFF20]  }
0x359: {  	v23 =	vld [tilespmem:s30+$0xFFFFFFA0];
	v10 =	vmul.f32 v10, v10;
	v15 =	vadd.f32 v18, v15;
	v18 =	vmul.f32 v14, v20  }
0x35a: {  	v20 =	vmul.f32 v20, v20;
	v6 =	vadd.f32 v11, v6;
	v11 =	vmul.f32 v14, v14;
	v14 =	vld [tilespmem:s31+$0xFFFFFFA0]  }
0x35b: {  	v24 =	vld [tilespmem:s30+$0x20];
	v17 =	vmul.f32 v17, v17;
	v8 =	vadd.f32 v18, v8;
	v18 =	vmul.f32 v16, v21  }
0x35c: {  	v12 =	vadd.f32 v20, v12;
	v20 =	vmul.f32 v21, v21;
	v16 =	vmul.f32 v16, v16;
	v21 =	vld [tilespmem:s31+$0x20]  }
0x35d: {  	v11 =	vadd.f32 v11, v19;
	v19 =	vmul.f32 v13, v22;
	v9 =	vadd.f32 v18, v9;
	v18 =	vld [tilespmem:s30+$0xFFFFFF30]  }
0x35e: {  	v22 =	vmul.f32 v22, v22;
	v10 =	vadd.f32 v20, v10;
	v20 =	vld [tilespmem:s31+$0xFFFFFF30];
	v16 =	vadd.f32 v16, v17  }
0x35f: {  	v13 =	vmul.f32 v13, v13;
	v17 =	vmul.f32 v14, v23;
	v15 =	vadd.f32 v19, v15;
	v19 =	vld [tilespmem:s30+$0xFFFFFFB0]  }
0x360: {  	v14 =	vmul.f32 v14, v14;
	v7 =	vadd.f32 v22, v7;
	v22 =	vmul.f32 v23, v23;
	v23 =	vld [tilespmem:s31+$0xFFFFFFB0]  }
0x361: {  	v6 =	vadd.f32 v13, v6;
	v13 =	vld [tilespmem:s30+$0x30];
	v8 =	vadd.f32 v17, v8;
	v17 =	vmul.f32 v21, v24  }
0x362: {  	v24 =	vmul.f32 v24, v24;
	v21 =	vmul.f32 v21, v21;
	v12 =	vadd.f32 v22, v12;
	v22 =	vld [tilespmem:s31+$0x30]  }
0x363: {  	v60 =	vld [tilespmem:s31+$0xFFFFFF40];
	v11 =	vadd.f32 v14, v11;
	v14 =	vmul.f32 v20, v18;
	v9 =	vadd.f32 v17, v9  }
0x364: {  	v17 =	vld [tilespmem:s30+$0xFFFFFF40];
	v18 =	vmul.f32 v18, v18;
	v10 =	vadd.f32 v24, v10;
	v16 =	vadd.f32 v21, v16  }
0x365: {  	v21 =	vld [tilespmem:s30+$0xFFFFFFC0];
	v14 =	vadd.f32 v14, v15;
	v15 =	vmul.f32 v20, v20;
	v20 =	vmul.f32 v23, v19  }
0x366: {  	v7 =	vadd.f32 v18, v7;
	v18 =	vmul.f32 v19, v19;
	v19 =	vmul.f32 v23, v23;
	v23 =	vld [tilespmem:s31+$0xFFFFFFC0]  }
0x367: {  	v8 =	vadd.f32 v20, v8;
	v20 =	vmul.f32 v22, v13;
	v6 =	vadd.f32 v15, v6;
	v15 =	vld [tilespmem:s30+$0x40]  }
0x368: {  	v13 =	vmul.f32 v13, v13;
	v12 =	vadd.f32 v18, v12;
	v18 =	vmul.f32 v22, v22;
	v22 =	vld [tilespmem:s31+$0x40]  }
0x369: {  	v11 =	vadd.f32 v19, v11;
	v19 =	vmul.f32 v60, v17;
	v9 =	vadd.f32 v20, v9;
	v20 =	vld [tilespmem:s30+$0xFFFFFF50]  }
0x36a: {  	v17 =	vmul.f32 v17, v17;
	v10 =	vadd.f32 v13, v10;
	v13 =	vld [tilespmem:s31+$0xFFFFFF50];
	v16 =	vadd.f32 v18, v16  }
0x36b: {  	v61 =	vld [tilespmem:s30+$0xFFFFFFD0];
	v18 =	vmul.f32 v60, v60;
	v14 =	vadd.f32 v19, v14;
	v19 =	vmul.f32 v23, v21  }
0x36c: {  	v7 =	vadd.f32 v17, v7;
	v17 =	vmul.f32 v21, v21;
	v21 =	vmul.f32 v23, v23;
	v23 =	vld [tilespmem:s31+$0xFFFFFFD0]  }
0x36d: {  	v25 =	vld [tilespmem:s30+$0xFFFFFF60];
	v6 =	vadd.f32 v18, v6;
	v8 =	vadd.f32 v19, v8;
	v19 =	vmul.f32 v22, v15  }
0x36e: {  	v18 =	vld [tilespmem:s30+$0x50];
	v15 =	vmul.f32 v15, v15;
	v12 =	vadd.f32 v17, v12;
	v17 =	vmul.f32 v22, v22  }
0x36f: {  	v22 =	vld [tilespmem:s31+$0x50];
	v11 =	vadd.f32 v21, v11;
	v21 =	vmul.f32 v13, v20;
	v19 =	vadd.f32 v19, v9  }
0x370: {  	v9 =	vmul.f32 v20, v20;
	v15 =	vadd.f32 v15, v10;
	v20 =	vld [tilespmem:s31+$0xFFFFFF60];
	v16 =	vadd.f32 v17, v16  }
0x371: {  	v10 =	vmul.f32 v13, v13;
	v17 =	vld [tilespmem:s30+$0xFFFFFFE0];
	v13 =	vmul.f32 v23, v61;
	v14 =	vadd.f32 v21, v14  }
0x372: {  	v27 =	vld [tilespmem:s30+$0x60];
	v21 =	vadd.f32 v9, v7;
	v7 =	vmul.f32 v61, v61;
	v9 =	vmul.f32 v23, v23  }
0x373: {  	v23 =	vld [tilespmem:s31+$0xFFFFFFE0];
	v26 =	vadd.f32 v10, v6;
	v6 =	vmul.f32 v18, v18;
	v62 =	vadd.f32 v13, v8  }
0x374: {  	v8 =	vmul.f32 v22, v18;
	v28 =	vadd.f32 v7, v12;
	v12 =	vmul.f32 v22, v22;
	v22 =	vld [tilespmem:s31+$0x60]  }
0x375: {  	v9 =	vadd.f32 v9, v11;
	v7 =	vld [tilespmem:s30+$0xFFFFFF70];
	v11 =	vadd.f32 v6, v15;
	v18 =	vmul.f32 v20, v25  }
0x376: {  	v6 =	vld [tilespmem:s31+$0xFFFFFF70];
	v10 =	vadd.f32 v8, v19;
	v19 =	vmul.f32 v25, v25;
	v63 =	vmul.f32 v17, v17  }
0x377: {  	s10 =	simm.s32 $0x10700;
	v8 =	vld [tilespmem:s30+$0xFFFFFFF0];
	v13 =	vadd.f32 v12, v16;
	v16 =	vmul.f32 v20, v20;
	v20 =	vmul.f32 v27, v27  }
0x378: {  	s17 =	simm.s32 $0x11700;
	[tilespmem:s10+$0x80] =	vst v5;
	v12 =	vadd.f32 v18, v14;
	v15 =	vmul.f32 v23, v17;
	v5 =	vadd.f32 v19, v21;
	v14 =	vld [tilespmem:s31+$0xFFFFFFF0]  }
0x379: {  	s22 =	simm.s32 $0x12700;
	s1 =	sshll.u32 s0, $0x5;
	[tilespmem:s17+$0x80] =	vst v4;
	v19 =	vmul.f32 v23, v23;
	v17 =	vld [tilespmem:s30+$0x70];
	v4 =	vadd.f32 v63, v28;
	v21 =	vmul.f32 v22, v27  }
0x37a: {  	s23 =	simm.s32 $0x0;
	s24 =	sadd.s32 $0x200, s30;
	s25 =	smov.u32 s31;
	[tilespmem:s22+$0x80] =	vst v3;
	v18 =	vadd.f32 v16, v26;
	v16 =	vld [tilespmem:s31+$0x70];
	v15 =	vadd.f32 v15, v62;
	v22 =	vmul.f32 v22, v22  }
.LBB2_27:
0x37b: {  	v23 =	vld [tilespmem:s24+$0xA0];
	v3 =	vmul.f32 v6, v7;
	v9 =	vadd.f32 v19, v9;
	v10 =	vadd.f32 v21, v10;
	s25 =	sadd.s32 $0x200, s25  }
0x37c: {  	v7 =	vmul.f32 v7, v7;
	v11 =	vadd.f32 v20, v11;
	v19 =	vld [tilespmem:s25+$0xA0];
	v13 =	vadd.f32 v22, v13  }
0x37d: {  	v6 =	vmul.f32 v6, v6;
	v20 =	vld [tilespmem:s24+$0x80];
	v3 =	vadd.f32 v3, v12;
	v12 =	vmul.f32 v14, v8  }
0x37e: {  	v5 =	vadd.f32 v7, v5;
	v7 =	vmul.f32 v8, v8;
	v8 =	vmul.f32 v14, v14;
	v21 =	vld [tilespmem:s25+$0x80]  }
0x37f: {  	v14 =	vld [tilespmem:s24+$0x90];
	[tilespmem:s10+$0xFFFFFF00] =	vst v3;
	v3 =	vadd.f32 v12, v15;
	v12 =	vmul.f32 v16, v17;
	v15 =	vmul.f32 v17, v17  }
0x380: {  	s23 =	sadd.s32 $0x4, s23;
	v6 =	vadd.f32 v6, v18;
	v4 =	vadd.f32 v7, v4;
	v17 =	vld [tilespmem:s25+$0x90];
	[tilespmem:s17+$0xFFFFFF00] =	vst v5;
	v5 =	vmul.f32 v16, v16  }
0x381: {  	p0 =	slt.u32 s23, $0x1C;
	v8 =	vadd.f32 v8, v9;
	v7 =	vld [tilespmem:s25+$0xFFFFFF00];
	[tilespmem:s10+$0xFFFFFF80] =	vst v3;
	v3 =	vadd.f32 v12, v10  }
0x382: {  	v9 =	vld [tilespmem:s24+$0xB0];
	[tilespmem:s22+$0xFFFFFF00] =	vst v6;
	v6 =	vadd.f32 v15, v11;
	v5 =	vadd.f32 v5, v13  }
0x383: {  	v10 =	vmul.f32 v21, v20;
	v11 =	vld [tilespmem:s25+$0xB0];
	[tilespmem:s17+$0xFFFFFF80] =	vst v4  }
0x384: {  	v4 =	vld [tilespmem:s24+$0xC0];
	[tilespmem:s22+$0xFFFFFF80] =	vst v8  }
0x385: {  	v12 =	vmul.f32 v19, v23;
	v8 =	vadd.f32 $0.0e+00, v10;
	v10 =	vmul.f32 v17, v14;
	v13 =	vld [tilespmem:s25+$0xC0];
	[tilespmem:s10+$0x0] =	vst v3  }
0x386: {  	v15 =	vmul.f32 v20, v20;
	v3 =	vimm.f32 $0.0e+00;
	v14 =	vmul.f32 v14, v14;
	v16 =	vld [tilespmem:s24+$0xD0];
	[tilespmem:s17+$0x0] =	vst v6  }
0x387: {  	v6 =	vmul.f32 v21, v21;
	v8 =	vadd.f32 v10, v8;
	v10 =	vmul.f32 v17, v17;
	v17 =	vld [tilespmem:s25+$0xD0];
	[tilespmem:s22+$0x0] =	vst v5  }
0x388: {  	v5 =	vadd.f32 v14, v15;
	v14 =	vmul.f32 v23, v23;
	v15 =	vmul.f32 v11, v9;
	v18 =	vld [tilespmem:s24+$0xE0]  }
0x389: {  	v6 =	vadd.f32 v10, v6;
	v8 =	vadd.f32 v12, v8;
	v10 =	vmul.f32 v19, v19;
	v12 =	vld [tilespmem:s25+$0xE0]  }
0x38a: {  	v9 =	vmul.f32 v9, v9;
	v5 =	vadd.f32 v14, v5;
	v14 =	vmul.f32 v13, v4;
	v19 =	vld [tilespmem:s24+$0xF0]  }
0x38b: {  	v6 =	vadd.f32 v10, v6;
	v8 =	vadd.f32 v15, v8;
	v10 =	vmul.f32 v11, v11;
	v11 =	vld [tilespmem:s25+$0xF0]  }
0x38c: {  	v4 =	vmul.f32 v4, v4;
	v5 =	vadd.f32 v9, v5;
	v15 =	vld [tilespmem:s24+$0xFFFFFF80];
	v9 =	vmul.f32 v17, v16  }
0x38d: {  	v20 =	vld [tilespmem:s25+$0xFFFFFF80];
	v6 =	vadd.f32 v10, v6;
	v8 =	vadd.f32 v14, v8;
	v10 =	vmul.f32 v13, v13  }
0x38e: {  	v4 =	vadd.f32 v4, v5;
	v5 =	vmul.f32 v16, v16;
	v13 =	vld [tilespmem:s24+$0x0];
	v14 =	vmul.f32 v12, v18  }
0x38f: {  	v16 =	vld [tilespmem:s25+$0x0];
	v6 =	vadd.f32 v10, v6;
	v8 =	vadd.f32 v9, v8;
	v9 =	vmul.f32 v17, v17  }
0x390: {  	v4 =	vadd.f32 v5, v4;
	v5 =	vmul.f32 v18, v18;
	v10 =	vld [tilespmem:s24+$0xFFFFFF00];
	v17 =	vmul.f32 v11, v19  }
0x391: {  	v18 =	vld [tilespmem:s24+$0xFFFFFF10];
	v6 =	vadd.f32 v9, v6;
	v8 =	vadd.f32 v14, v8;
	v9 =	vmul.f32 v12, v12  }
0x392: {  	v4 =	vadd.f32 v5, v4;
	v5 =	vmul.f32 v19, v19;
	v12 =	vld [tilespmem:s25+$0xFFFFFF10];
	v14 =	vmul.f32 v20, v15  }
0x393: {  	v19 =	vld [tilespmem:s24+$0xFFFFFF90];
	v6 =	vadd.f32 v9, v6;
	v8 =	vadd.f32 v17, v8;
	v9 =	vmul.f32 v11, v11  }
0x394: {  	s10 =	sadd.s32 $0x200, s10;
	v4 =	vadd.f32 v5, v4;
	v11 =	vadd.f32 $0.0e+00, v14;
	v14 =	vld [tilespmem:s25+$0xFFFFFF90];
	v17 =	vmul.f32 v16, v13  }
0x395: {  	s17 =	sadd.s32 $0x200, s17;
	v5 =	vmul.f32 v7, v10;
	v10 =	vmul.f32 v10, v10;
	v21 =	vld [tilespmem:s24+$0x10];
	v6 =	vadd.f32 v9, v6;
	[tilespmem:s10+$0x80] =	vst v8  }
0x396: {  	s22 =	sadd.s32 $0x200, s22;
	v7 =	vmul.f32 v7, v7;
	v8 =	vmul.f32 v18, v18;
	v9 =	vadd.f32 $0.0e+00, v17;
	v17 =	vld [tilespmem:s25+$0x10];
	[tilespmem:s17+$0x80] =	vst v4  }
0x397: {  	s26 =	simm.s32 $0x0;
	v4 =	vadd.f32 $0.0e+00, v5;
	v5 =	vmul.f32 v12, v18;
	v12 =	vmul.f32 v12, v12;
	v18 =	vld [tilespmem:s24+$0xFFFFFF20];
	[tilespmem:s22+$0x80] =	vst v6  }
0x398: {  	v6 =	vadd.f32 v8, v10;
	v8 =	vld [tilespmem:s25+$0xFFFFFF20];
	v10 =	vmul.f32 v15, v15;
	v15 =	vmul.f32 v20, v20  }
0x399: {  	v4 =	vadd.f32 v5, v4;
	v5 =	vmul.f32 v14, v19;
	v19 =	vmul.f32 v19, v19;
	v20 =	vld [tilespmem:s24+$0xFFFFFFA0]  }
0x39a: {  	v13 =	vmul.f32 v13, v13;
	v7 =	vadd.f32 v12, v7;
	v12 =	vmul.f32 v14, v14;
	v14 =	vld [tilespmem:s25+$0xFFFFFFA0]  }
0x39b: {  	v5 =	vadd.f32 v5, v11;
	v11 =	vmul.f32 v16, v16;
	v16 =	vmul.f32 v17, v21;
	v22 =	vld [tilespmem:s24+$0x20]  }
0x39c: {  	v10 =	vadd.f32 v19, v10;
	v19 =	vmul.f32 v21, v21;
	v17 =	vmul.f32 v17, v17;
	v21 =	vld [tilespmem:s25+$0x20]  }
0x39d: {  	v12 =	vadd.f32 v12, v15;
	v23 =	vmul.f32 v8, v18;
	v24 =	vld [tilespmem:s24+$0xFFFFFF30];
	v9 =	vadd.f32 v16, v9  }
0x39e: {  	v15 =	vmul.f32 v18, v18;
	v13 =	vadd.f32 v19, v13;
	v11 =	vadd.f32 v17, v11;
	v16 =	vld [tilespmem:s25+$0xFFFFFF30]  }
0x39f: {  	v8 =	vmul.f32 v8, v8;
	v4 =	vadd.f32 v23, v4;
	v17 =	vmul.f32 v14, v20;
	v18 =	vld [tilespmem:s24+$0xFFFFFFB0]  }
0x3a0: {  	v6 =	vadd.f32 v15, v6;
	v15 =	vmul.f32 v20, v20;
	v14 =	vmul.f32 v14, v14;
	v19 =	vld [tilespmem:s25+$0xFFFFFFB0]  }
0x3a1: {  	v20 =	vmul.f32 v22, v22;
	v5 =	vadd.f32 v17, v5;
	v17 =	vmul.f32 v21, v22;
	v22 =	vld [tilespmem:s24+$0x30]  }
0x3a2: {  	v7 =	vadd.f32 v8, v7;
	v8 =	vadd.f32 v15, v10;
	v10 =	vmul.f32 v21, v21;
	v15 =	vld [tilespmem:s25+$0x30]  }
0x3a3: {  	v12 =	vadd.f32 v14, v12;
	v21 =	vmul.f32 v16, v24;
	v23 =	vld [tilespmem:s24+$0xFFFFFF40];
	v9 =	vadd.f32 v17, v9  }
0x3a4: {  	v14 =	vmul.f32 v24, v24;
	v13 =	vadd.f32 v20, v13;
	v10 =	vadd.f32 v10, v11;
	v17 =	vld [tilespmem:s25+$0xFFFFFF40]  }
0x3a5: {  	v11 =	vmul.f32 v16, v16;
	v4 =	vadd.f32 v21, v4;
	v16 =	vmul.f32 v19, v18;
	v20 =	vld [tilespmem:s24+$0xFFFFFFC0]  }
0x3a6: {  	v6 =	vadd.f32 v14, v6;
	v14 =	vmul.f32 v18, v18;
	v18 =	vmul.f32 v19, v19;
	v19 =	vld [tilespmem:s25+$0xFFFFFFC0]  }
0x3a7: {  	v21 =	vmul.f32 v22, v22;
	v5 =	vadd.f32 v16, v5;
	v16 =	vmul.f32 v15, v22;
	v22 =	vld [tilespmem:s24+$0x40]  }
0x3a8: {  	v7 =	vadd.f32 v11, v7;
	v8 =	vadd.f32 v14, v8;
	v11 =	vmul.f32 v15, v15;
	v14 =	vld [tilespmem:s25+$0x40]  }
0x3a9: {  	v12 =	vadd.f32 v18, v12;
	v15 =	vmul.f32 v17, v23;
	v24 =	vld [tilespmem:s24+$0xFFFFFF50];
	v9 =	vadd.f32 v16, v9  }
0x3aa: {  	v13 =	vadd.f32 v21, v13;
	v16 =	vmul.f32 v23, v23;
	v10 =	vadd.f32 v11, v10;
	v18 =	vld [tilespmem:s25+$0xFFFFFF50]  }
0x3ab: {  	v11 =	vmul.f32 v17, v17;
	v4 =	vadd.f32 v15, v4;
	v15 =	vmul.f32 v19, v20;
	v17 =	vld [tilespmem:s24+$0xFFFFFFD0]  }
0x3ac: {  	v6 =	vadd.f32 v16, v6;
	v16 =	vmul.f32 v20, v20;
	v19 =	vmul.f32 v19, v19;
	v20 =	vld [tilespmem:s25+$0xFFFFFFD0]  }
0x3ad: {  	v21 =	vmul.f32 v22, v22;
	v5 =	vadd.f32 v15, v5;
	v15 =	vmul.f32 v14, v22;
	v22 =	vld [tilespmem:s24+$0x50]  }
0x3ae: {  	v7 =	vadd.f32 v11, v7;
	v8 =	vadd.f32 v16, v8;
	v11 =	vmul.f32 v14, v14;
	v14 =	vld [tilespmem:s25+$0x50]  }
0x3af: {  	v12 =	vadd.f32 v19, v12;
	v16 =	vmul.f32 v18, v24;
	v23 =	vld [tilespmem:s24+$0xFFFFFF60];
	v15 =	vadd.f32 v15, v9  }
0x3b0: {  	v13 =	vadd.f32 v21, v13;
	v9 =	vmul.f32 v24, v24;
	v21 =	vadd.f32 v11, v10;
	v19 =	vld [tilespmem:s25+$0xFFFFFF60]  }
0x3b1: {  	v10 =	vmul.f32 v18, v18;
	v4 =	vadd.f32 v16, v4;
	v11 =	vmul.f32 v20, v17;
	v16 =	vld [tilespmem:s24+$0xFFFFFFE0]  }
0x3b2: {  	v18 =	vadd.f32 v9, v6;
	v6 =	vmul.f32 v17, v17;
	v9 =	vmul.f32 v20, v20;
	v17 =	vld [tilespmem:s25+$0xFFFFFFE0]  }
0x3b3: {  	v20 =	vadd.f32 v11, v5;
	v5 =	vmul.f32 v14, v22;
	v11 =	vmul.f32 v22, v22;
	v22 =	vld [tilespmem:s24+$0x60]  }
0x3b4: {  	v24 =	vadd.f32 v10, v7;
	v25 =	vadd.f32 v6, v8;
	v8 =	vmul.f32 v14, v14;
	v26 =	vld [tilespmem:s25+$0x60]  }
0x3b5: {  	v9 =	vadd.f32 v9, v12;
	v14 =	vmul.f32 v19, v23;
	v7 =	vld [tilespmem:s24+$0xFFFFFF70];
	v10 =	vadd.f32 v5, v15  }
.Ltmp12:
0x3b6: {  	v5 =	vmul.f32 v23, v23;
	v11 =	vadd.f32 v11, v13;
	v13 =	vadd.f32 v8, v21;
	v6 =	vld [tilespmem:s25+$0xFFFFFF70];
	(pc) =	sbr.rel @p0 .LBB2_27-.Ltmp12, $4  }
0x3b7: {  	v12 =	vadd.f32 v14, v4;
	v4 =	vmul.f32 v19, v19;
	v15 =	vmul.f32 v17, v16;
	v8 =	vld [tilespmem:s24+$0xFFFFFFF0]  }
0x3b8: {  	v5 =	vadd.f32 v5, v18;
	v16 =	vmul.f32 v16, v16;
	v19 =	vmul.f32 v17, v17;
	v14 =	vld [tilespmem:s25+$0xFFFFFFF0]  }
0x3b9: {  	v15 =	vadd.f32 v15, v20;
	v21 =	vmul.f32 v26, v22;
	v20 =	vmul.f32 v22, v22;
	v17 =	vld [tilespmem:s24+$0x70]  }
0x3ba: {  	v18 =	vadd.f32 v4, v24;
	v4 =	vadd.f32 v16, v25;
	v22 =	vmul.f32 v26, v26;
	s24 =	sadd.s32 $0x200, s24;
	v16 =	vld [tilespmem:s25+$0x70]  }
0x3bb: {  	v23 =	vmul.f32 v6, v7  }
0x3bc: {  	v9 =	vadd.f32 v19, v9;
	v10 =	vadd.f32 v21, v10;
	v7 =	vmul.f32 v7, v7  }
0x3bd: {  	v11 =	vadd.f32 v20, v11;
	v13 =	vadd.f32 v22, v13;
	v19 =	vmul.f32 v14, v8  }
0x3be: {  	v6 =	vmul.f32 v6, v6;
	v12 =	vadd.f32 v23, v12;
	v5 =	vadd.f32 v7, v5  }
0x3bf: {  	v7 =	vmul.f32 v8, v8;
	v8 =	vmul.f32 v14, v14;
	v14 =	vadd.f32 v19, v15  }
0x3c0: {  	[tilespmem:s10+$0xFFFFFF00] =	vst v12;
	v12 =	vmul.f32 v16, v17;
	v15 =	vmul.f32 v17, v17;
	v17 =	vmov s26  }
0x3c1: {  	v6 =	vadd.f32 v6, v18;
	v4 =	vadd.f32 v7, v4;
	[tilespmem:s17+$0xFFFFFF00] =	vst v5;
	v5 =	vand.u32 $0x7C, v17  }
0x3c2: {  	s23 =	simm.s32 $0x3;
	v7 =	vmul.f32 v16, v16;
	v8 =	vadd.f32 v8, v9;
	[tilespmem:s10+$0xFFFFFF80] =	vst v14;
	v5 =	vbroadcast v5, $0x0  }
0x3c3: {  	s25 =	simm.s32 $0x2;
	v9 =	vadd.f32 v12, v10;
	[tilespmem:s22+$0xFFFFFF00] =	vst v6;
	v6 =	vadd.f32 v15, v11;
	v10 =	vmov s23  }
0x3c4: {  	s26 =	simm.s32 $0x1;
	[tilespmem:s17+$0xFFFFFF80] =	vst v4;
	v10 =	vand.u32 $0x7F, v10;
	v4 =	vor.u32 v0, v5;
	v5 =	vmov s25  }
0x3c5: {  	[tilespmem:s22+$0xFFFFFF80] =	vst v8;
	v8 =	vmov s26;
	v10 =	vbroadcast v10, $0x0;
	v5 =	vand.u32 $0x7E, v5  }
0x3c6: {  	v7 =	vadd.f32 v7, v13;
	[tilespmem:s10+$0x0] =	vst v9;
	v8 =	vand.u32 $0x7D, v8;
	v9 =	vbroadcast v5, $0x0  }
0x3c7: {  	[tilespmem:s17+$0x0] =	vst v6;
	v8 =	vbroadcast v8, $0x0;
	v5 =	vor.u32 v0, v10  }
0x3c8: {  	[tilespmem:s22+$0x0] =	vst v7;
	v10 =	vor.u32 v0, v9  }
0x3c9: {  	v14 =	vor.u32 v0, v8;
	v6 =	vld.idx.msk [tilespmem:v4+s19+$0x0], $0xffff  }
0x3ca: {  	v8 =	vld.idx.msk [tilespmem:v4+s20+$0x0], $0xffff  }
0x3cb: {  	s23 =	simm.s32 $0x4;
	v9 =	vld.idx.msk [tilespmem:v4+s21+$0x0], $0xffff  }
0x3cc: {  	v4 =	vmov s23;
	v7 =	vld.idx.msk [tilespmem:v5+s19+$0x0], $0xffff  }
0x3cd: {  	s24 =	simm.s32 $0x7;
	v11 =	vand.u32 $0x7C, v4;
	v4 =	vld.idx.msk [tilespmem:v10+s19+$0x0], $0xffff  }
0x3ce: {  	v15 =	vmov s24;
	v13 =	vbroadcast v11, $0x0;
	v11 =	vld.idx.msk [tilespmem:v14+s19+$0x0], $0xffff  }
0x3cf: {  	v17 =	vimm.f32 $0.0e+00;
	v15 =	vand.u32 $0x7F, v15;
	s25 =	simm.s32 $0x6;
	v12 =	vld.idx.msk [tilespmem:v14+s20+$0x0], $0xffff  }
0x3d0: {  	s26 =	simm.s32 $0x5;
	v18 =	vbroadcast v15, $0x0;
	v16 =	vmov s25;
	v13 =	vor.u32 v0, v13;
	v14 =	vld.idx.msk [tilespmem:v14+s21+$0x0], $0xffff  }
0x3d1: {  	s10 =	simm.s32 $0x8;
	v19 =	vmov s26;
	v20 =	vand.u32 $0x7E, v16;
	v16 =	vimm.f32 $0.0e+00;
	v15 =	vld.idx.msk [tilespmem:v10+s20+$0x0], $0xffff  }
.LBB2_29:
0x3d2: {  	p0 =	slt.u32 s10, $0xC;
	v19 =	vand.u32 $0x7D, v19;
	v20 =	vbroadcast v20, $0x0;
	v21 =	vld.idx.msk [tilespmem:v10+s21+$0x0], $0xffff;
	v22 =	vmov v7  }
0x3d3: {  	v3 =	vadd.f32 v6, v3;
	v7 =	vbroadcast v19, $0x0;
	v18 =	vor.u32 v0, v18;
	v19 =	vld.idx.msk [tilespmem:v5+s20+$0x0], $0xffff  }
0x3d4: {  	v17 =	vadd.f32 v8, v17;
	v9 =	vadd.f32 v9, v16;
	v10 =	vor.u32 v0, v20;
	v16 =	vld.idx.msk [tilespmem:v5+s21+$0x0], $0xffff  }
0x3d5: {  	v3 =	vadd.f32 v11, v3;
	v5 =	vmov v18;
	v6 =	vld.idx.msk [tilespmem:v13+s19+$0x0], $0xffff;
	v20 =	vor.u32 v0, v7  }
0x3d6: {  	v11 =	vadd.f32 v12, v17;
	v12 =	vadd.f32 v14, v9;
	v8 =	vld.idx.msk [tilespmem:v13+s20+$0x0], $0xffff  }
0x3d7: {  	v3 =	vadd.f32 v4, v3;
	v9 =	vld.idx.msk [tilespmem:v13+s21+$0x0], $0xffff  }
0x3d8: {  	v4 =	vmov s10;
	v13 =	vadd.f32 v15, v11;
	v12 =	vadd.f32 v21, v12;
	v7 =	vld.idx.msk [tilespmem:v18+s19+$0x0], $0xffff  }
.Ltmp13:
0x3d9: {  	v11 =	vand.u32 $0x7C, v4;
	v3 =	vadd.f32 v22, v3;
	v4 =	vld.idx.msk [tilespmem:v10+s19+$0x0], $0xffff;
	(pc) =	sbr.rel @p0 .LBB2_29-.Ltmp13, $4  }
0x3da: {  	s17 =	sadd.s32 $0x3, s10;
	v14 =	vbroadcast v11, $0x0;
	v17 =	vadd.f32 v19, v13;
	v16 =	vadd.f32 v16, v12;
	v11 =	vld.idx.msk [tilespmem:v20+s19+$0x0], $0xffff  }
0x3db: {  	s22 =	sadd.s32 $0x2, s10;
	v15 =	vmov s17;
	v12 =	vld.idx.msk [tilespmem:v20+s20+$0x0], $0xffff  }
0x3dc: {  	s17 =	sadd.s32 $0x1, s10;
	v18 =	vmov s22;
	v15 =	vand.u32 $0x7F, v15;
	v13 =	vor.u32 v0, v14;
	v14 =	vld.idx.msk [tilespmem:v20+s21+$0x0], $0xffff  }
0x3dd: {  	s10 =	sadd.s32 $0x4, s10;
	v19 =	vmov s17;
	v20 =	vand.u32 $0x7E, v18;
	v18 =	vbroadcast v15, $0x0;
	v15 =	vld.idx.msk [tilespmem:v10+s20+$0x0], $0xffff  }
0x3de: {  	_ =	sdelay $0x3  }
0x3df: {  	v20 =	vbroadcast v20, $0x0;
	v10 =	vld.idx.msk [tilespmem:v10+s21+$0x0], $0xffff  }
0x3e0: {  	v19 =	vand.u32 $0x7D, v19;
	v21 =	vld.idx.msk [tilespmem:v5+s20+$0x0], $0xffff;
	v18 =	vor.u32 v0, v18  }
0x3e1: {  	v5 =	vld.idx.msk [tilespmem:v5+s21+$0x0], $0xffff;
	v19 =	vbroadcast v19, $0x0;
	v20 =	vor.u32 v0, v20  }
0x3e2: {  	v22 =	vld.idx.msk [tilespmem:v13+s19+$0x0], $0xffff  }
0x3e3: {  	v3 =	vadd.f32 v6, v3;
	v6 =	vadd.f32 v8, v17;
	v8 =	vld.idx.msk [tilespmem:v13+s20+$0x0], $0xffff;
	v19 =	vor.u32 v0, v19  }
0x3e4: {  	v13 =	vld.idx.msk [tilespmem:v13+s21+$0x0], $0xffff  }
0x3e5: {  	v9 =	vadd.f32 v9, v16;
	s10 =	simm.s32 $0x0;
	v3 =	vadd.f32 v11, v3;
	v11 =	vld.idx.msk [tilespmem:v18+s19+$0x0], $0xffff  }
0x3e6: {  	s26 =	simm.s32 $0x3;
	v6 =	vadd.f32 v12, v6;
	v12 =	vmov s10;
	v16 =	vld.idx.msk [tilespmem:v20+s19+$0x0], $0xffff  }
0x3e7: {  	v9 =	vadd.f32 v14, v9;
	v12 =	vand.u32 $0x7C, v12;
	v14 =	vmov s26;
	v17 =	vld.idx.msk [tilespmem:v20+s20+$0x0], $0xffff  }
0x3e8: {  	s22 =	simm.s32 $0x1;
	v3 =	vadd.f32 v4, v3;
	v4 =	vadd.f32 v15, v6;
	v12 =	vbroadcast v12, $0x0;
	v6 =	vld.idx.msk [tilespmem:v19+s19+$0x0], $0xffff  }
0x3e9: {  	s17 =	simm.s32 $0x2;
	v14 =	vand.u32 $0x7F, v14;
	v15 =	vmov s22;
	v9 =	vadd.f32 v10, v9;
	v10 =	vld.idx.msk [tilespmem:v19+s20+$0x0], $0xffff  }
0x3ea: {  	v3 =	vadd.f32 v7, v3;
	v7 =	vld.idx.msk [tilespmem:v19+s21+$0x0], $0xffff;
	v19 =	vor.u32 v2, v12;
	v12 =	vmov s17  }
0x3eb: {  	v14 =	vbroadcast v14, $0x0;
	v15 =	vand.u32 $0x7D, v15;
	v20 =	vld.idx.msk [tilespmem:v20+s21+$0x0], $0xffff;
	v12 =	vand.u32 $0x7E, v12  }
0x3ec: {  	v4 =	vadd.f32 v21, v4;
	v5 =	vadd.f32 v5, v9;
	v9 =	vld.idx.msk [tilespmem:v18+s20+$0x0], $0xffff;
	v21 =	vbroadcast v12, $0x0  }
0x3ed: {  	v15 =	vbroadcast v15, $0x0;
	v18 =	vld.idx.msk [tilespmem:v18+s21+$0x0], $0xffff;
	v22 =	vadd.f32 v22, v3;
	v12 =	vor.u32 v2, v14  }
0x3ee: {  	v4 =	vadd.f32 v8, v4;
	v3 =	vld [tilespmem:s1+$0x580];
	v8 =	vadd.f32 v13, v5;
	v14 =	vor.u32 v2, v21  }
0x3ef: {  	v21 =	vor.u32 v2, v15;
	v6 =	vadd.f32 v6, v22;
	v5 =	vld.idx.msk [tilespmem:v19+s19+$0x0], $0xffff  }
0x3f0: {  	v4 =	vadd.f32 v10, v4;
	v7 =	vadd.f32 v7, v8;
	v15 =	vld.idx.msk [tilespmem:v19+s20+$0x0], $0xffff  }
0x3f1: {  	s23 =	simm.s32 $0x4;
	v6 =	vadd.f32 v16, v6;
	v16 =	vld.idx.msk [tilespmem:v19+s21+$0x0], $0xffff  }
0x3f2: {  	s26 =	simm.s32 $0x5;
	v8 =	vmov s23;
	v10 =	vadd.f32 v17, v4;
	v13 =	vadd.f32 v20, v7;
	v7 =	vld.idx.msk [tilespmem:v12+s19+$0x0], $0xffff  }
0x3f3: {  	s25 =	simm.s32 $0x6;
	v24 =	vmov s26;
	v8 =	vand.u32 $0x7C, v8;
	v4 =	vadd.f32 v11, v6;
	v6 =	vld.idx.msk [tilespmem:v14+s19+$0x0], $0xffff  }
0x3f4: {  	s24 =	simm.s32 $0x7;
	v19 =	vmov s25;
	v11 =	vbroadcast v8, $0x0;
	v8 =	vadd.f32 v9, v10;
	v10 =	vld.idx.msk [tilespmem:v21+s19+$0x0], $0xffff  }
0x3f5: {  	v23 =	vand.u32 $0x7E, v19;
	v9 =	vadd.f32 v18, v13;
	v18 =	vmov s24;
	v17 =	vld.idx.msk [tilespmem:v21+s20+$0x0], $0xffff  }
0x3f6: {  	v13 =	vimm.f32 $0.0e+00;
	v19 =	vld.idx.msk [tilespmem:v14+s20+$0x0], $0xffff;
	v20 =	vand.u32 $0x7F, v18;
	v11 =	vor.u32 v2, v11  }
0x3f7: {  	s10 =	simm.s32 $0x8;
	v18 =	vld.idx.msk [tilespmem:v21+s21+$0x0], $0xffff;
	v21 =	vimm.f32 $0.0e+00;
	v22 =	vbroadcast v20, $0x0;
	v20 =	vimm.f32 $0.0e+00  }
.LBB2_31:
0x3f8: {  	p0 =	slt.u32 s10, $0xC;
	v24 =	vand.u32 $0x7D, v24;
	v23 =	vbroadcast v23, $0x0;
	v25 =	vld.idx.msk [tilespmem:v14+s21+$0x0], $0xffff;
	v26 =	vmov v7  }
0x3f9: {  	v13 =	vadd.f32 v5, v13;
	v7 =	vbroadcast v24, $0x0;
	v22 =	vor.u32 v2, v22;
	v24 =	vld.idx.msk [tilespmem:v12+s20+$0x0], $0xffff  }
0x3fa: {  	v21 =	vadd.f32 v15, v21;
	v16 =	vadd.f32 v16, v20;
	v14 =	vor.u32 v2, v23;
	v20 =	vld.idx.msk [tilespmem:v12+s21+$0x0], $0xffff  }
0x3fb: {  	v12 =	vmov v22;
	v5 =	vld.idx.msk [tilespmem:v11+s19+$0x0], $0xffff;
	v23 =	vor.u32 v2, v7;
	v7 =	vadd.f32 v10, v13  }
0x3fc: {  	v10 =	vadd.f32 v17, v21;
	v13 =	vadd.f32 v18, v16;
	v15 =	vld.idx.msk [tilespmem:v11+s20+$0x0], $0xffff  }
0x3fd: {  	v16 =	vld.idx.msk [tilespmem:v11+s21+$0x0], $0xffff;
	v11 =	vadd.f32 v6, v7  }
0x3fe: {  	v6 =	vmov s10;
	v17 =	vadd.f32 v19, v10;
	v18 =	vadd.f32 v25, v13;
	v7 =	vld.idx.msk [tilespmem:v22+s19+$0x0], $0xffff  }
.Ltmp14:
0x3ff: {  	v10 =	vand.u32 $0x7C, v6;
	v6 =	vld.idx.msk [tilespmem:v14+s19+$0x0], $0xffff;
	v13 =	vadd.f32 v26, v11;
	(pc) =	sbr.rel @p0 .LBB2_31-.Ltmp14, $4  }
0x400: {  	s17 =	sadd.s32 $0x3, s10;
	v11 =	vbroadcast v10, $0x0;
	v21 =	vadd.f32 v24, v17;
	v20 =	vadd.f32 v20, v18;
	v10 =	vld.idx.msk [tilespmem:v23+s19+$0x0], $0xffff  }
0x401: {  	s22 =	sadd.s32 $0x2, s10;
	v18 =	vmov s17;
	v17 =	vld.idx.msk [tilespmem:v23+s20+$0x0], $0xffff  }
0x402: {  	v19 =	vmov s22;
	s17 =	sadd.s32 $0x1, s10;
	v22 =	vand.u32 $0x7F, v18;
	v11 =	vor.u32 v2, v11;
	v18 =	vld.idx.msk [tilespmem:v23+s21+$0x0], $0xffff  }
0x403: {  	s10 =	sadd.s32 $0x4, s10;
	v24 =	vmov s17;
	v22 =	vbroadcast v22, $0x0;
	v23 =	vand.u32 $0x7E, v19;
	v19 =	vld.idx.msk [tilespmem:v14+s20+$0x0], $0xffff  }
0x404: {  	_ = 	snop  }
0x405: {  	v24 =	vand.u32 $0x7D, v24  }
0x406: {  	v24 =	vbroadcast v24, $0x0;
	_ =	sdelay $0x1  }
0x407: {  	v23 =	vbroadcast v23, $0x0;
	v14 =	vld.idx.msk [tilespmem:v14+s21+$0x0], $0xffff;
	v62 =	vor.u32 v2, v24  }
0x408: {  	v15 =	vadd.f32 v15, v21;
	v63 =	vld.idx.msk [tilespmem:v12+s20+$0x0], $0xffff;
	v16 =	vadd.f32 v16, v20  }
0x409: {  	v26 =	vld.idx.msk [tilespmem:v12+s21+$0x0], $0xffff;
	v25 =	vor.u32 v2, v23  }
0x40a: {  	v27 =	vld.idx.msk [tilespmem:v11+s20+$0x0], $0xffff;
	v15 =	vadd.f32 v17, v15;
	v16 =	vadd.f32 v18, v16  }
0x40b: {  	v29 =	vld.idx.msk [tilespmem:v11+s21+$0x0], $0xffff;
	v28 =	vor.u32 v2, v22  }
0x40c: {  	v15 =	vadd.f32 v19, v15;
	v14 =	vadd.f32 v14, v16;
	v30 =	vld.idx.msk [tilespmem:v62+s20+$0x0], $0xffff  }
0x40d: {  	v31 =	vld.idx.msk [tilespmem:v62+s21+$0x0], $0xffff  }
0x40e: {  	v15 =	vadd.f32 v63, v15;
	v12 =	vadd.f32 v26, v14;
	v32 =	vld.idx.msk [tilespmem:v25+s20+$0x0], $0xffff  }
0x40f: {  	v23 =	vld.idx.msk [tilespmem:v25+s21+$0x0], $0xffff  }
0x410: {  	v33 =	vld.idx.msk [tilespmem:v28+s20+$0x0], $0xffff;
	v15 =	vadd.f32 v27, v15;
	v12 =	vadd.f32 v29, v12  }
0x411: {  	v34 =	vld.idx.msk [tilespmem:v28+s21+$0x0], $0xffff  }
0x412: {  	v15 =	vadd.f32 v30, v15;
	v12 =	vadd.f32 v31, v12;
	_ =	sdelay $0x1  }
0x413: {  	v14 =	vadd.f32 v32, v15;
	v12 =	vadd.f32 v23, v12  }
0x414: {  	v8 =	vmax.f32 v8, $1.000000020e-16  }
0x415: {  	v9 =	vmax.f32 v9, $1.000000020e-16;
	v14 =	vadd.f32 v33, v14;
	v12 =	vadd.f32 v34, v12  }
0x416: {  	v8 =	vmul.f32 v9, v8  }
0x417: {  	v35 =	vmax.f32 v14, $1.000000020e-16;
	v12 =	vmax.f32 v12, $1.000000020e-16  }
0x418: {  	v36 =	vshra.s32 v8, $0x1;
	v8 =	vmul.f32 $5.000000000e-01, v8;
	v9 =	vmul.f32 v12, v35  }
0x419: {  	v37 =	vsub.s32 $0x5F3759DF, v36  }
0x41a: {  	v14 =	vmul.f32 v37, v8;
	v38 =	vshra.s32 v9, $0x1;
	v9 =	vmul.f32 $5.000000000e-01, v9  }
0x41b: {  	v15 =	vsub.s32 $0x5F3759DF, v38  }
0x41c: {  	v14 =	vmul.f32 v37, v14;
	v39 =	vmul.f32 v15, v9;
	_ =	sdelay $0x1  }
0x41d: {  	v14 =	vsub.f32 $1.500000000e+00, v14;
	v16 =	vmul.f32 v15, v39;
	_ =	sdelay $0x1  }
0x41e: {  	v12 =	vmul.f32 v37, v14;
	v40 =	vsub.f32 $1.500000000e+00, v16;
	_ =	sdelay $0x1  }
0x41f: {  	v41 =	vmul.f32 v12, v8;
	v14 =	vmul.f32 v15, v40;
	_ =	sdelay $0x1  }
0x420: {  	v5 =	vadd.f32 v5, v13;
	v42 =	vmul.f32 v41, v12;
	v15 =	vmul.f32 v14, v9;
	_ =	sdelay $0x1  }
0x421: {  	v5 =	vadd.f32 v10, v5;
	v43 =	vsub.f32 $1.500000000e+00, v42;
	v44 =	vmul.f32 v15, v14  }
0x422: {  	v45 =	vld.idx.msk [tilespmem:v11+s19+$0x0], $0xffff  }
0x423: {  	v5 =	vadd.f32 v6, v5;
	v46 =	vmul.f32 v43, v12;
	v47 =	vsub.f32 $1.500000000e+00, v44  }
0x424: {  	v48 =	vld.idx.msk [tilespmem:v62+s19+$0x0], $0xffff  }
0x425: {  	v5 =	vadd.f32 v7, v5;
	v49 =	vmul.f32 v46, v8;
	v50 =	vmul.f32 v47, v14  }
0x426: {  	v51 =	vld.idx.msk [tilespmem:v25+s19+$0x0], $0xffff  }
0x427: {  	v5 =	vadd.f32 v45, v5;
	v7 =	vmul.f32 v49, v46;
	v9 =	vmul.f32 v50, v9  }
0x428: {  	v52 =	vld.idx.msk [tilespmem:v28+s19+$0x0], $0xffff  }
0x429: {  	v5 =	vadd.f32 v48, v5;
	v7 =	vsub.f32 $1.500000000e+00, v7;
	v9 =	vmul.f32 v9, v50;
	_ =	sdelay $0x1  }
0x42a: {  	v5 =	vadd.f32 v51, v5;
	v6 =	vmul.f32 v7, v46;
	v53 =	vsub.f32 $1.500000000e+00, v9;
	_ =	sdelay $0x1  }
0x42b: {  	v5 =	vadd.f32 v52, v5;
	v4 =	vmul.f32 v6, v4;
	v54 =	vmul.f32 v53, v50;
	_ =	sdelay $0x1  }
0x42c: {  	v55 =	vld [tilespmem:s1+$0x590];
	v4 =	vsub.f32 $1.000000000e+00, v4;
	v5 =	vmul.f32 v54, v5;
	_ =	sdelay $0x1  }
0x42d: {  	v56 =	vsub.f32 $5.000000000e-01, v4;
	v5 =	vsub.f32 $1.000000000e+00, v5  }
0x42e: {  	v57 =	vsub.f32 $1.000000000e+00, v3  }
0x42f: {  	v7 =	vmax.f32 v56, $0.0e+00;
	v58 =	vsub.f32 $5.000000000e-01, v5  }
0x430: {  	v60 =	vsub.f32 $1.000000000e+00, v55;
	v3 =	vmul.f32 v3, v4;
	v59 =	vmul.f32 v57, v7  }
0x431: {  	v61 =	vmax.f32 v58, $0.0e+00  }
0x432: {  	v3 =	vadd.f32 v59, v3;
	v62 =	vmul.f32 v55, v5;
	v63 =	vmul.f32 v60, v61;
	_ =	sdelay $0x1  }
0x433: {  	s0 =	sadd.s32 $0x1, s0;
	v3 =	vmul.f32 v3, v3;
	v4 =	vadd.f32 v63, v62  }
0x434: {  	p0 =	sne.s32 s0, $0x4  }
.Ltmp15:
0x435: {  	v3 =	vmul.f32 $3.051757810e-05, v3;
	v4 =	vmul.f32 v4, v4;
	(pc) =	sbr.rel @p0 .LBB2_26-.Ltmp15, $3  }
0x436: {  	_ = 	snop  }
0x437: {  	v1 =	vadd.f32 v3, v1;
	v3 =	vmul.f32 $3.051757810e-05, v4;
	_ =	sdelay $0x1  }
0x438: {  	s30 =	sadd.s32 $0x1000, s30;
	s31 =	sadd.s32 $0x1000, s31;
	v1 =	vadd.f32 v3, v1  }
0x439: {  	s29 =	sadd.s32 $0x1, s29  }
0x43a: {  	p0 =	sne.s32 s29, s8  }
.Ltmp16:
0x43b: {  	s0 =	simm.s32 $0x13600;
	[tilespmem:$0x13600] =	vst v1;
	(pc) =	sbr.rel @p0 .LBB2_1-.Ltmp16, $4  }
0x43c: {  	[hbm4b:s7+s3] =	stream.linear.scatter [tilespmem:s0], [sflag:$0x3], $0x80, $0x38;
	[tilespmem:$0x13680] =	vst v63  }
0x43d: {  	_ =	swait.ge [sflag:s28], $0x80  }
0x43e: {  	[sflag:s28] =	ssyncset.done $0x0  }
0x43f: {  	[sflag:s28] =	ssyncadd.s32 $0xFFFFFF80  }
0x440: {  	_ =	sfence.sel $0x180000  }
0x441: {  	[bflag:$0x0] =	sbarrier.arrive $0xFFFF  }
0x442: {  	_ =	strace $0x90000047  }
0x443: {  	s0 =	stileid.u32;
	[bflag:$0x2] =	sbarrier.arrive $0xFFFF  }
0x444: {  	p0 =	sne.s32 s0, $0x0;
	s0 =	rddreg [dreg:$0x2]  }
0x445: {  	s0 =	sadd.s32 @!p0 $0x100000, s0  }
0x446: {  	[sflag:s0] =	ssyncadd.tile.s32 @!p0 $0x1;
	_ =	shalt  }
.Lfunc_end2:
_tile_overlayer_lowered:
.L_overlay_start_2:
0x447: {  	(tag) =	ssettag $0x2  }
0x448: {  	s0 =	rddreg [dreg:$0x0];
	s2 =	stileid.u32  }
0x449: {  	s1 =	rddreg [dreg:$0x1];
	p0 =	sne.s32 s2, $0x0  }
0x44a: {  	s3 =	rddreg [dreg:$0x2];
	[bflag:$0x3] =	sbarrier.arrive $0xFFFF;
	s2 =	simm.s32 @!p0 $0x1C03  }
0x44b: {  	[timem:s3], [sflag:s2] =	dma.local @!p0 [hbm:s0], s1  }
0x44c: {  	s0 =	simm.s32 @!p0 $0x3  }
0x44d: {  	_ =	swait.ge @!p0 [sflag:s0], s1  }
0x44e: {  	s1 =	ssub.s32 @!p0 $0x0, s1;
	[sflag:s0] =	ssyncset.done @!p0 $0x0  }
0x44f: {  	[sflag:s0] =	ssyncadd.s32 @!p0 s1  }
0x450: {  	[bflag:$0x3] =	sbarrier.arrive $0xFFFF  }
0x451: {  	_ =	shalt  }

</sc_bundles>
